<compile_context>
chip_gen: v7x
topology: tpu7x:2x2x1
jax: 0.10.2.dev20260603
libtpu: 0.0.44.dev20260713+nightly
codegen_flags: <defaults>
</compile_context>

<pallas_src>
import functools

import jax
import jax.numpy as jnp
from jax import lax
from jax.experimental import pallas as pl
from jax.experimental.pallas import tpu as pltpu
from jax.experimental.pallas import tpu_sc as plsc

N = 10000
E = 320000
D = 128

NC = 2
NS = 16
NW = NC * NS
EPW = E // NW
CB = 80
NGRP = 5
CPG = 25
PE = NGRP * CPG * CB
NP = N
RPT = 624
TAIL = N - NS * RPT
L = 16

_mesh = plsc.VectorSubcoreMesh(core_axis_name="c", subcore_axis_name="s")
_sc_params = pltpu.CompilerParams(needs_layout_passes=False)


@functools.partial(
    pl.kernel,
    out_type=jax.ShapeDtypeStruct((NW, 1, N), jnp.float32),
    mesh=_mesh,
    scratch_types=[
        pltpu.VMEM((1, EPW), jnp.int32),
        pltpu.VMEM((1, N), jnp.float32),
    ],
    compiler_params=_sc_params,
)
def _deg_kernel(dst_hbm, deg_out, dst_v, deg_v):
    c = lax.axis_index("c")
    s = lax.axis_index("s")
    wid = s * NC + c
    pltpu.sync_copy(dst_hbm.at[wid], dst_v)

    zeros = jnp.zeros((L,), jnp.float32)

    def zero_body(i, carry):
        deg_v[0, pl.ds(i * L, L)] = zeros
        return carry

    lax.fori_loop(0, N // L, zero_body, 0)

    ones = jnp.ones((L,), jnp.float32)
    zi = jnp.zeros((L,), jnp.int32)

    def count_body(i, carry):
        idx = dst_v[0, pl.ds(i * L, L)]
        plsc.addupdate_scatter(deg_v, [zi, idx], ones)
        return carry

    lax.fori_loop(0, EPW // L, count_body, 0)
    pltpu.sync_copy(deg_v, deg_out.at[wid])


def _mm_body(degpt_ref, x_ref, w_ref, h2_ref):
    deg = jnp.sum(degpt_ref[...], axis=1, keepdims=True)
    a = lax.rsqrt(jnp.maximum(deg, 1.0))
    h = jnp.dot(x_ref[...], w_ref[...], preferred_element_type=jnp.float32)
    h2_ref[...] = h * a


def _mm(deg_pt, x, W):
    return pl.pallas_call(
        _mm_body,
        out_shape=jax.ShapeDtypeStruct((NP, D), jnp.float32),
    )(deg_pt, x, W)


@functools.partial(
    pl.kernel,
    out_type=jax.ShapeDtypeStruct((NC, N, D), jnp.float32),
    mesh=_mesh,
    scratch_types=[
        pltpu.VMEM((CPG, CB), jnp.int32),
        pltpu.VMEM((CPG, CB), jnp.int32),
        [pltpu.VMEM((CB, D), jnp.float32) for _ in range(4)],
        pltpu.VMEM_SHARED((N, D), jnp.float32),
        [pltpu.SemaphoreType.DMA for _ in range(4)],
    ],
    compiler_params=_sc_params,
)
def _scatter_kernel(src_hbm, dst_hbm, h2_hbm, z_hbm, acc_out,
                    src_v, dst_v, rows, acc_sh, gsems):
    c = lax.axis_index("c")
    s = lax.axis_index("s")
    wid = s * NC + c

    pltpu.sync_copy(z_hbm.at[pl.ds(0, RPT)], acc_sh.at[pl.ds(s * RPT, RPT)])

    @pl.when(s == NS - 1)
    def _():
        pltpu.sync_copy(z_hbm.at[pl.ds(0, TAIL)],
                        acc_sh.at[pl.ds(NS * RPT, TAIL)])

    plsc.subcore_barrier()

    NTRI = CPG // 4

    def body(i, carry):
        for b in range(4):
            j = 4 * i + b
            pltpu.make_async_copy(h2_hbm.at[src_v.at[j]],
                                  rows[b], gsems[b]).wait()
            pltpu.sync_copy(rows[b], acc_sh.at[dst_v.at[j]], add=True)
            nxt = j + 4

            @pl.when(nxt < CPG)
            def _():
                pltpu.async_copy(h2_hbm.at[src_v.at[nxt]], rows[b], gsems[b])

        return carry

    REM = CPG - 4 * NTRI

    for g in range(NGRP):
        pltpu.sync_copy(src_hbm.at[wid, g], src_v)
        pltpu.sync_copy(dst_hbm.at[wid, g], dst_v)
        for b in range(4):
            pltpu.async_copy(h2_hbm.at[src_v.at[b]], rows[b], gsems[b])
        lax.fori_loop(0, NTRI, body, 0)
        for b in range(REM):
            j = 4 * NTRI + b
            pltpu.make_async_copy(h2_hbm.at[src_v.at[j]],
                                  rows[b], gsems[b]).wait()
            pltpu.sync_copy(rows[b], acc_sh.at[dst_v.at[j]], add=True)

    plsc.subcore_barrier()
    pltpu.sync_copy(acc_sh.at[pl.ds(s * RPT, RPT)],
                    acc_out.at[c, pl.ds(s * RPT, RPT)])

    @pl.when(s == NS - 1)
    def _():
        pltpu.sync_copy(acc_sh.at[pl.ds(NS * RPT, TAIL)],
                        acc_out.at[c, pl.ds(NS * RPT, TAIL)])


def _fin_body(degpt_ref, acc_ref, b_ref, out_ref):
    deg = jnp.sum(degpt_ref[...], axis=1, keepdims=True)
    a = lax.rsqrt(jnp.maximum(deg, 1.0))
    acc = acc_ref[0] + acc_ref[1]
    out_ref[...] = acc * a + b_ref[...]


def _fin(deg_pt, acc, b2):
    return pl.pallas_call(
        _fin_body,
        out_shape=jax.ShapeDtypeStruct((N, D), jnp.float32),
    )(deg_pt, acc, b2)


@jax.jit
def kernel(x, W, b, edge_index):
    src = edge_index[0].reshape(NW, NGRP, CPG, CB)
    dst = edge_index[1].reshape(NW, NGRP, CPG, CB)
    dst_flat = edge_index[1].reshape(NW, 1, EPW)

    deg_p = _deg_kernel(dst_flat)
    deg_pt = deg_p.reshape(NW, N).T
    h2 = _mm(deg_pt, x, W)
    z = jnp.zeros((RPT, D), jnp.float32)
    acc = _scatter_kernel(src, dst, h2, z)
    return _fin(deg_pt, acc, b.reshape(1, D))

# --- scband reference (transcript-rebuilt; emitter-appended) ---
"""Pipeline reference for scband-cnn-gcn-fsar-64166811403055 (READ-ONLY COPY).

The authoritative reference and input builder live on the scoring server;
editing this copy changes nothing except your own understanding.
"""

import jax, jax.numpy as jnp
import numpy as np

N = 10000
E = 320000
D_IN = 128
D_OUT = 128


def setup_inputs(seed: int = 0) -> dict:
    key = jax.random.key(seed)
    k1, k2, k3 = jax.random.split(key, 3)
    x = jax.random.normal(k1, (N, D_IN), dtype=jnp.float32)
    edge_index = jax.random.randint(k2, (2, E), 0, N, dtype=jnp.int32)
    # GraphConvolution learned parameters (in_channels=128, out_channels=128)
    W = jax.random.normal(k3, (D_IN, D_OUT), dtype=jnp.float32) * (1.0 / np.sqrt(D_IN))
    b = jnp.zeros((D_OUT,), dtype=jnp.float32)
    return {"x": x, "W": W, "b": b, "edge_index": edge_index}


def reference(x, W, b, edge_index):
    # GCN layer: out = D^{-1/2} A D^{-1/2} (X W) + b
    src = edge_index[0]
    dst = edge_index[1]
    deg = jnp.clip(jnp.bincount(dst, length=N), 1).astype(jnp.float32)
    inv_sqrt_deg = jax.lax.rsqrt(deg)
    norm = inv_sqrt_deg[src] * inv_sqrt_deg[dst]  # per-edge symmetric normalization
    h = x @ W  # dense transform (support = X W)
    msg = jnp.take(h, src, axis=0) * norm[:, None]  # gather from source nodes
    out = jax.ops.segment_sum(msg, dst, num_segments=N)  # scatter-add to dst nodes
    return out + b

if __name__ == "__main__":
    import jax
    _d = setup_inputs()
    print(jax.jit(kernel)(*tuple(_d.values())))

</pallas_src>

<mosaic_0001>
#map = affine_map<(d0, d1) -> (0, 0, 0)>
module attributes {stable_mosaic.version = 14 : i64} {
  func.func @_deg_kernel(%arg0: i32, %arg1: i32, %arg2: memref<32x1x10000xi32, #tpu.memory_space<hbm>>, %arg3: memref<32x1x10000xf32, #tpu.memory_space<hbm>>, %arg4: memref<1x10000xi32, #tpu.memory_space<vmem>>, %arg5: memref<1x10000xf32, #tpu.memory_space<vmem>>) attributes {dimension_semantics = [#tpu.dimension_semantics<core_parallel>, #tpu.dimension_semantics<subcore_parallel>], iteration_bounds = array<i64: 2, 16>, scalar_prefetch = 0 : i64, scratch_operands = 2 : i64, tpu.core_type = #tpu.core_type<sc_vector_subcore>, window_params = [{transform_indices = #map}, {transform_indices = #map}]} {
    %mul3A = arith.constant 2 : i32
    %mul3A_0 = arith.muli %arg1, %mul3A : i32
    %add3A = arith.addi %mul3A_0, %arg0 : i32
    "tpu.region"() ({
      %run_scoped3A = tpu.sem_alloc : memref<!tpu.dma_semaphore, #tpu.memory_space<semaphore_mem>>
      %dma_start3A = arith.constant 0 : i32
      %dma_start3A_17 = arith.constant 0 : i32
      %dma_start3A_18 = tpu.memref_slice %arg2[%add3A, %dma_start3A, %dma_start3A_17] : memref<32x1x10000xi32, #tpu.memory_space<hbm>> -> memref<1x1x10000xi32, #tpu.memory_space<hbm>>
      %dma_start3A_19 = tpu.memref_squeeze %dma_start3A_18 : memref<1x1x10000xi32, #tpu.memory_space<hbm>> -> memref<1x10000xi32, #tpu.memory_space<hbm>>
      %dma_start3A_20 = arith.constant 0 : i32
      %dma_start3A_21 = arith.constant 0 : i32
      %dma_start3A_22 = tpu.memref_slice %arg2[%add3A, %dma_start3A_20, %dma_start3A_21] : memref<32x1x10000xi32, #tpu.memory_space<hbm>> -> memref<1x1x10000xi32, #tpu.memory_space<hbm>>
      %dma_start3A_23 = tpu.memref_squeeze %dma_start3A_22 : memref<1x1x10000xi32, #tpu.memory_space<hbm>> -> memref<1x10000xi32, #tpu.memory_space<hbm>>
      tpu.enqueue_dma source(%dma_start3A_23 : memref<1x10000xi32, #tpu.memory_space<hbm>>) target(%arg4 : memref<1x10000xi32, #tpu.memory_space<vmem>>) target_semaphore(%run_scoped3A : memref<!tpu.dma_semaphore, #tpu.memory_space<semaphore_mem>>)
      %dma_wait3A = arith.constant 0 : i32
      %dma_wait3A_24 = arith.constant 0 : i32
      %dma_wait3A_25 = tpu.memref_slice %arg2[%add3A, %dma_wait3A, %dma_wait3A_24] : memref<32x1x10000xi32, #tpu.memory_space<hbm>> -> memref<1x1x10000xi32, #tpu.memory_space<hbm>>
      %dma_wait3A_26 = tpu.memref_squeeze %dma_wait3A_25 : memref<1x1x10000xi32, #tpu.memory_space<hbm>> -> memref<1x10000xi32, #tpu.memory_space<hbm>>
      %dma_wait3A_27 = arith.constant 0 : i32
      %dma_wait3A_28 = arith.constant 0 : i32
      %dma_wait3A_29 = tpu.memref_slice %arg2[%add3A, %dma_wait3A_27, %dma_wait3A_28] : memref<32x1x10000xi32, #tpu.memory_space<hbm>> -> memref<1x1x10000xi32, #tpu.memory_space<hbm>>
      %dma_wait3A_30 = tpu.memref_squeeze %dma_wait3A_29 : memref<1x1x10000xi32, #tpu.memory_space<hbm>> -> memref<1x10000xi32, #tpu.memory_space<hbm>>
      tpu.wait_dma2 semaphore(%run_scoped3A : memref<!tpu.dma_semaphore, #tpu.memory_space<semaphore_mem>>) src(%dma_wait3A_30 : memref<1x10000xi32, #tpu.memory_space<hbm>>) dst(%arg4 : memref<1x10000xi32, #tpu.memory_space<vmem>>)
      tpu.yield
    }) : () -> ()
    %broadcast_in_dim3A = arith.constant 0.000000e+00 : f32
    %broadcast_in_dim3A_1 = vector.broadcast %broadcast_in_dim3A : f32 to vector<16xf32>
    %scan3A = arith.constant 0 : i32
    %scan3A_2 = arith.constant 0 : i32
    %scan3A_3 = arith.constant 625 : i32
    %scan3A_4 = arith.addi %scan3A_2, %scan3A_3 : i32
    %scan3A_5 = arith.constant 1 : i32
    scf.for %scan3A_17 = %scan3A_2 to %scan3A_4 step %scan3A_5  : i32 {
      %mul3A_18 = arith.constant 16 : i32
      %mul3A_19 = arith.muli %scan3A_17, %mul3A_18 : i32
      %swap3A = arith.constant 0 : i32
      %swap3A_20 = arith.index_cast %swap3A : i32 to index
      %swap3A_21 = arith.index_cast %mul3A_19 : i32 to index
      %swap3A_22 = tpu.vector_load %arg5[%swap3A_20, %swap3A_21] {strides = array<i32>} : memref<1x10000xf32, #tpu.memory_space<vmem>>, vector<16xf32>,
      tpu.vector_store %arg5[%swap3A_20, %swap3A_21], %broadcast_in_dim3A_1 {strides = array<i32>} : memref<1x10000xf32, #tpu.memory_space<vmem>>, vector<16xf32>,
    }
    %scan3A_6 = arith.constant 625 : i32
    %broadcast_in_dim3A_7 = arith.constant 1.000000e+00 : f32
    %broadcast_in_dim3A_8 = vector.broadcast %broadcast_in_dim3A_7 : f32 to vector<16xf32>
    %broadcast_in_dim3A_9 = arith.constant 0 : i32
    %broadcast_in_dim3A_10 = vector.broadcast %broadcast_in_dim3A_9 : i32 to vector<16xi32>
    %scan3A_11 = arith.constant 0 : i32
    %scan3A_12 = arith.constant 0 : i32
    %scan3A_13 = arith.constant 625 : i32
    %scan3A_14 = arith.addi %scan3A_12, %scan3A_13 : i32
    %scan3A_15 = arith.constant 1 : i32
    scf.for %scan3A_17 = %scan3A_12 to %scan3A_14 step %scan3A_15  : i32 {
      %mul3A_18 = arith.constant 16 : i32
      %mul3A_19 = arith.muli %scan3A_17, %mul3A_18 : i32
      %get3A = arith.constant 0 : i32
      %get3A_20 = arith.index_cast %get3A : i32 to index
      %get3A_21 = arith.index_cast %mul3A_19 : i32 to index
      %get3A_22 = tpu.vector_load %arg4[%get3A_20, %get3A_21] {strides = array<i32>} : memref<1x10000xi32, #tpu.memory_space<vmem>>, vector<16xi32>,
      tpu.vector_store_idx %arg5[%broadcast_in_dim3A_10, %get3A_22], %broadcast_in_dim3A_8 {add = true} : memref<1x10000xf32, #tpu.memory_space<vmem>>[vector<16xi32>, vector<16xi32>], vector<16xf32>,
    }
    %scan3A_16 = arith.constant 625 : i32
    "tpu.region"() ({
      %run_scoped3A = tpu.sem_alloc : memref<!tpu.dma_semaphore, #tpu.memory_space<semaphore_mem>>
      %dma_start3A = arith.constant 0 : i32
      %dma_start3A_17 = arith.constant 0 : i32
      %dma_start3A_18 = tpu.memref_slice %arg3[%add3A, %dma_start3A, %dma_start3A_17] : memref<32x1x10000xf32, #tpu.memory_space<hbm>> -> memref<1x1x10000xf32, #tpu.memory_space<hbm>>
      %dma_start3A_19 = tpu.memref_squeeze %dma_start3A_18 : memref<1x1x10000xf32, #tpu.memory_space<hbm>> -> memref<1x10000xf32, #tpu.memory_space<hbm>>
      %dma_start3A_20 = arith.constant 0 : i32
      %dma_start3A_21 = arith.constant 0 : i32
      %dma_start3A_22 = tpu.memref_slice %arg3[%add3A, %dma_start3A_20, %dma_start3A_21] : memref<32x1x10000xf32, #tpu.memory_space<hbm>> -> memref<1x1x10000xf32, #tpu.memory_space<hbm>>
      %dma_start3A_23 = tpu.memref_squeeze %dma_start3A_22 : memref<1x1x10000xf32, #tpu.memory_space<hbm>> -> memref<1x10000xf32, #tpu.memory_space<hbm>>
      tpu.enqueue_dma source(%arg5 : memref<1x10000xf32, #tpu.memory_space<vmem>>) target(%dma_start3A_23 : memref<1x10000xf32, #tpu.memory_space<hbm>>) target_semaphore(%run_scoped3A : memref<!tpu.dma_semaphore, #tpu.memory_space<semaphore_mem>>)
      %dma_wait3A = arith.constant 0 : i32
      %dma_wait3A_24 = arith.constant 0 : i32
      %dma_wait3A_25 = tpu.memref_slice %arg3[%add3A, %dma_wait3A, %dma_wait3A_24] : memref<32x1x10000xf32, #tpu.memory_space<hbm>> -> memref<1x1x10000xf32, #tpu.memory_space<hbm>>
      %dma_wait3A_26 = tpu.memref_squeeze %dma_wait3A_25 : memref<1x1x10000xf32, #tpu.memory_space<hbm>> -> memref<1x10000xf32, #tpu.memory_space<hbm>>
      %dma_wait3A_27 = arith.constant 0 : i32
      %dma_wait3A_28 = arith.constant 0 : i32
      %dma_wait3A_29 = tpu.memref_slice %arg3[%add3A, %dma_wait3A_27, %dma_wait3A_28] : memref<32x1x10000xf32, #tpu.memory_space<hbm>> -> memref<1x1x10000xf32, #tpu.memory_space<hbm>>
      %dma_wait3A_30 = tpu.memref_squeeze %dma_wait3A_29 : memref<1x1x10000xf32, #tpu.memory_space<hbm>> -> memref<1x10000xf32, #tpu.memory_space<hbm>>
      tpu.wait_dma2 semaphore(%run_scoped3A : memref<!tpu.dma_semaphore, #tpu.memory_space<semaphore_mem>>) src(%arg5 : memref<1x10000xf32, #tpu.memory_space<vmem>>) dst(%dma_wait3A_30 : memref<1x10000xf32, #tpu.memory_space<hbm>>)
      tpu.yield
    }) : () -> ()
    return
  }
}

#map = affine_map<(d0, d1) -> (0, 0, 0, 0)>
#map1 = affine_map<(d0, d1) -> (0, 0)>
#map2 = affine_map<(d0, d1) -> (0, 0, 0)>
module attributes {stable_mosaic.version = 14 : i64} {
  func.func @_scatter_kernel(%arg0: i32, %arg1: i32, %arg2: memref<32x5x25x80xi32, #tpu.memory_space<hbm>>, %arg3: memref<32x5x25x80xi32, #tpu.memory_space<hbm>>, %arg4: memref<10000x128xf32, #tpu.memory_space<hbm>>, %arg5: memref<624x128xf32, #tpu.memory_space<hbm>>, %arg6: memref<2x10000x128xf32, #tpu.memory_space<hbm>>, %arg7: memref<25x80xi32, #tpu.memory_space<vmem>>, %arg8: memref<25x80xi32, #tpu.memory_space<vmem>>, %arg9: memref<80x128xf32, #tpu.memory_space<vmem>>, %arg10: memref<80x128xf32, #tpu.memory_space<vmem>>, %arg11: memref<80x128xf32, #tpu.memory_space<vmem>>, %arg12: memref<80x128xf32, #tpu.memory_space<vmem>>, %arg13: memref<10000x128xf32, #tpu.memory_space<vmem_shared>>, %arg14: memref<!tpu.dma_semaphore, #tpu.memory_space<semaphore_mem>>, %arg15: memref<!tpu.dma_semaphore, #tpu.memory_space<semaphore_mem>>, %arg16: memref<!tpu.dma_semaphore, #tpu.memory_space<semaphore_mem>>, %arg17: memref<!tpu.dma_semaphore, #tpu.memory_space<semaphore_mem>>) attributes {dimension_semantics = [#tpu.dimension_semantics<core_parallel>, #tpu.dimension_semantics<subcore_parallel>], iteration_bounds = array<i64: 2, 16>, scalar_prefetch = 0 : i64, scratch_operands = 11 : i64, tpu.core_type = #tpu.core_type<sc_vector_subcore>, window_params = [{transform_indices = #map}, {transform_indices = #map}, {transform_indices = #map1}, {transform_indices = #map1}, {transform_indices = #map2}]} {
    %mul3A = arith.constant 2 : i32
    %mul3A_0 = arith.muli %arg1, %mul3A : i32
    %add3A = arith.addi %mul3A_0, %arg0 : i32
    %mul3A_1 = arith.constant 624 : i32
    %mul3A_2 = arith.muli %arg1, %mul3A_1 : i32
    "tpu.region"() ({
      %run_scoped3A_231 = tpu.sem_alloc : memref<!tpu.dma_semaphore, #tpu.memory_space<semaphore_mem>>
      %dma_start3A_232 = arith.constant 0 : i32
      %dma_start3A_233 = tpu.memref_slice %arg13[%mul3A_2, %dma_start3A_232] : memref<10000x128xf32, #tpu.memory_space<vmem_shared>> -> memref<624x128xf32, #tpu.memory_space<vmem_shared>>
      %dma_start3A_234 = arith.constant 0 : i32
      %dma_start3A_235 = arith.constant 0 : i32
      %dma_start3A_236 = tpu.memref_slice %arg5[%dma_start3A_234, %dma_start3A_235] : memref<624x128xf32, #tpu.memory_space<hbm>> -> memref<624x128xf32, #tpu.memory_space<hbm>>
      tpu.enqueue_dma source(%dma_start3A_236 : memref<624x128xf32, #tpu.memory_space<hbm>>) target(%dma_start3A_233 : memref<624x128xf32, #tpu.memory_space<vmem_shared>>) target_semaphore(%run_scoped3A_231 : memref<!tpu.dma_semaphore, #tpu.memory_space<semaphore_mem>>)
      %dma_wait3A_237 = arith.constant 0 : i32
      %dma_wait3A_238 = tpu.memref_slice %arg13[%mul3A_2, %dma_wait3A_237] : memref<10000x128xf32, #tpu.memory_space<vmem_shared>> -> memref<624x128xf32, #tpu.memory_space<vmem_shared>>
      %dma_wait3A_239 = arith.constant 0 : i32
      %dma_wait3A_240 = arith.constant 0 : i32
      %dma_wait3A_241 = tpu.memref_slice %arg5[%dma_wait3A_239, %dma_wait3A_240] : memref<624x128xf32, #tpu.memory_space<hbm>> -> memref<624x128xf32, #tpu.memory_space<hbm>>
      tpu.wait_dma2 semaphore(%run_scoped3A_231 : memref<!tpu.dma_semaphore, #tpu.memory_space<semaphore_mem>>) src(%dma_wait3A_241 : memref<624x128xf32, #tpu.memory_space<hbm>>) dst(%dma_wait3A_238 : memref<624x128xf32, #tpu.memory_space<vmem_shared>>)
      tpu.yield
    }) : () -> ()
    %eq3A = arith.constant 15 : i32
    %eq3A_3 = arith.cmpi eq, %arg1, %eq3A : i32
    %convert_element_type3A = arith.extui %eq3A_3 : i1 to i32
    %cond3A = arith.constant 0 : i32
    %cond3A_4 = arith.cmpi ne, %convert_element_type3A, %cond3A : i32
    scf.if %cond3A_4 {
      "tpu.region"() ({
        %run_scoped3A_231 = tpu.sem_alloc : memref<!tpu.dma_semaphore, #tpu.memory_space<semaphore_mem>>
        %dma_start3A_232 = arith.constant 9984 : i32
        %dma_start3A_233 = arith.constant 0 : i32
        %dma_start3A_234 = tpu.memref_slice %arg13[%dma_start3A_232, %dma_start3A_233] : memref<10000x128xf32, #tpu.memory_space<vmem_shared>> -> memref<16x128xf32, #tpu.memory_space<vmem_shared>>
        %dma_start3A_235 = arith.constant 0 : i32
        %dma_start3A_236 = arith.constant 0 : i32
        %dma_start3A_237 = tpu.memref_slice %arg5[%dma_start3A_235, %dma_start3A_236] : memref<624x128xf32, #tpu.memory_space<hbm>> -> memref<16x128xf32, #tpu.memory_space<hbm>>
        tpu.enqueue_dma source(%dma_start3A_237 : memref<16x128xf32, #tpu.memory_space<hbm>>) target(%dma_start3A_234 : memref<16x128xf32, #tpu.memory_space<vmem_shared>>) target_semaphore(%run_scoped3A_231 : memref<!tpu.dma_semaphore, #tpu.memory_space<semaphore_mem>>)
        %dma_wait3A_238 = arith.constant 9984 : i32
        %dma_wait3A_239 = arith.constant 0 : i32
        %dma_wait3A_240 = tpu.memref_slice %arg13[%dma_wait3A_238, %dma_wait3A_239] : memref<10000x128xf32, #tpu.memory_space<vmem_shared>> -> memref<16x128xf32, #tpu.memory_space<vmem_shared>>
        %dma_wait3A_241 = arith.constant 0 : i32
        %dma_wait3A_242 = arith.constant 0 : i32
        %dma_wait3A_243 = tpu.memref_slice %arg5[%dma_wait3A_241, %dma_wait3A_242] : memref<624x128xf32, #tpu.memory_space<hbm>> -> memref<16x128xf32, #tpu.memory_space<hbm>>
        tpu.wait_dma2 semaphore(%run_scoped3A_231 : memref<!tpu.dma_semaphore, #tpu.memory_space<semaphore_mem>>) src(%dma_wait3A_243 : memref<16x128xf32, #tpu.memory_space<hbm>>) dst(%dma_wait3A_240 : memref<16x128xf32, #tpu.memory_space<vmem_shared>>)
        tpu.yield
      }) : () -> ()
    } else {
    }
    %barrier3A = arith.constant 0 : index
    tpu.barrier barrier_id(%barrier3A)
    %run_scoped3A = arith.constant 0 : i32
    "tpu.region"() ({
      %run_scoped3A_231 = tpu.sem_alloc : memref<!tpu.dma_semaphore, #tpu.memory_space<semaphore_mem>>
      %dma_start3A_232 = arith.constant 0 : i32
      %dma_start3A_233 = arith.constant 0 : i32
      %dma_start3A_234 = tpu.memref_slice %arg2[%add3A, %run_scoped3A, %dma_start3A_232, %dma_start3A_233] : memref<32x5x25x80xi32, #tpu.memory_space<hbm>> -> memref<1x1x25x80xi32, #tpu.memory_space<hbm>>
      %dma_start3A_235 = tpu.memref_squeeze %dma_start3A_234 : memref<1x1x25x80xi32, #tpu.memory_space<hbm>> -> memref<25x80xi32, #tpu.memory_space<hbm>>
      %dma_start3A_236 = arith.constant 0 : i32
      %dma_start3A_237 = arith.constant 0 : i32
      %dma_start3A_238 = tpu.memref_slice %arg2[%add3A, %run_scoped3A, %dma_start3A_236, %dma_start3A_237] : memref<32x5x25x80xi32, #tpu.memory_space<hbm>> -> memref<1x1x25x80xi32, #tpu.memory_space<hbm>>
      %dma_start3A_239 = tpu.memref_squeeze %dma_start3A_238 : memref<1x1x25x80xi32, #tpu.memory_space<hbm>> -> memref<25x80xi32, #tpu.memory_space<hbm>>
      tpu.enqueue_dma source(%dma_start3A_239 : memref<25x80xi32, #tpu.memory_space<hbm>>) target(%arg7 : memref<25x80xi32, #tpu.memory_space<vmem>>) target_semaphore(%run_scoped3A_231 : memref<!tpu.dma_semaphore, #tpu.memory_space<semaphore_mem>>)
      %dma_wait3A_240 = arith.constant 0 : i32
      %dma_wait3A_241 = arith.constant 0 : i32
      %dma_wait3A_242 = tpu.memref_slice %arg2[%add3A, %run_scoped3A, %dma_wait3A_240, %dma_wait3A_241] : memref<32x5x25x80xi32, #tpu.memory_space<hbm>> -> memref<1x1x25x80xi32, #tpu.memory_space<hbm>>
      %dma_wait3A_243 = tpu.memref_squeeze %dma_wait3A_242 : memref<1x1x25x80xi32, #tpu.memory_space<hbm>> -> memref<25x80xi32, #tpu.memory_space<hbm>>
      %dma_wait3A_244 = arith.constant 0 : i32
      %dma_wait3A_245 = arith.constant 0 : i32
      %dma_wait3A_246 = tpu.memref_slice %arg2[%add3A, %run_scoped3A, %dma_wait3A_244, %dma_wait3A_245] : memref<32x5x25x80xi32, #tpu.memory_space<hbm>> -> memref<1x1x25x80xi32, #tpu.memory_space<hbm>>
      %dma_wait3A_247 = tpu.memref_squeeze %dma_wait3A_246 : memref<1x1x25x80xi32, #tpu.memory_space<hbm>> -> memref<25x80xi32, #tpu.memory_space<hbm>>
      tpu.wait_dma2 semaphore(%run_scoped3A_231 : memref<!tpu.dma_semaphore, #tpu.memory_space<semaphore_mem>>) src(%dma_wait3A_247 : memref<25x80xi32, #tpu.memory_space<hbm>>) dst(%arg7 : memref<25x80xi32, #tpu.memory_space<vmem>>)
      tpu.yield
    }) : () -> ()
    %run_scoped3A_5 = arith.constant 0 : i32
    "tpu.region"() ({
      %run_scoped3A_231 = tpu.sem_alloc : memref<!tpu.dma_semaphore, #tpu.memory_space<semaphore_mem>>
      %dma_start3A_232 = arith.constant 0 : i32
      %dma_start3A_233 = arith.constant 0 : i32
      %dma_start3A_234 = tpu.memref_slice %arg3[%add3A, %run_scoped3A_5, %dma_start3A_232, %dma_start3A_233] : memref<32x5x25x80xi32, #tpu.memory_space<hbm>> -> memref<1x1x25x80xi32, #tpu.memory_space<hbm>>
      %dma_start3A_235 = tpu.memref_squeeze %dma_start3A_234 : memref<1x1x25x80xi32, #tpu.memory_space<hbm>> -> memref<25x80xi32, #tpu.memory_space<hbm>>
      %dma_start3A_236 = arith.constant 0 : i32
      %dma_start3A_237 = arith.constant 0 : i32
      %dma_start3A_238 = tpu.memref_slice %arg3[%add3A, %run_scoped3A_5, %dma_start3A_236, %dma_start3A_237] : memref<32x5x25x80xi32, #tpu.memory_space<hbm>> -> memref<1x1x25x80xi32, #tpu.memory_space<hbm>>
      %dma_start3A_239 = tpu.memref_squeeze %dma_start3A_238 : memref<1x1x25x80xi32, #tpu.memory_space<hbm>> -> memref<25x80xi32, #tpu.memory_space<hbm>>
      tpu.enqueue_dma source(%dma_start3A_239 : memref<25x80xi32, #tpu.memory_space<hbm>>) target(%arg8 : memref<25x80xi32, #tpu.memory_space<vmem>>) target_semaphore(%run_scoped3A_231 : memref<!tpu.dma_semaphore, #tpu.memory_space<semaphore_mem>>)
      %dma_wait3A_240 = arith.constant 0 : i32
      %dma_wait3A_241 = arith.constant 0 : i32
      %dma_wait3A_242 = tpu.memref_slice %arg3[%add3A, %run_scoped3A_5, %dma_wait3A_240, %dma_wait3A_241] : memref<32x5x25x80xi32, #tpu.memory_space<hbm>> -> memref<1x1x25x80xi32, #tpu.memory_space<hbm>>
      %dma_wait3A_243 = tpu.memref_squeeze %dma_wait3A_242 : memref<1x1x25x80xi32, #tpu.memory_space<hbm>> -> memref<25x80xi32, #tpu.memory_space<hbm>>
      %dma_wait3A_244 = arith.constant 0 : i32
      %dma_wait3A_245 = arith.constant 0 : i32
      %dma_wait3A_246 = tpu.memref_slice %arg3[%add3A, %run_scoped3A_5, %dma_wait3A_244, %dma_wait3A_245] : memref<32x5x25x80xi32, #tpu.memory_space<hbm>> -> memref<1x1x25x80xi32, #tpu.memory_space<hbm>>
      %dma_wait3A_247 = tpu.memref_squeeze %dma_wait3A_246 : memref<1x1x25x80xi32, #tpu.memory_space<hbm>> -> memref<25x80xi32, #tpu.memory_space<hbm>>
      tpu.wait_dma2 semaphore(%run_scoped3A_231 : memref<!tpu.dma_semaphore, #tpu.memory_space<semaphore_mem>>) src(%dma_wait3A_247 : memref<25x80xi32, #tpu.memory_space<hbm>>) dst(%arg8 : memref<25x80xi32, #tpu.memory_space<vmem>>)
      tpu.yield
    }) : () -> ()
    %dma_start3A = arith.constant 0 : i32
    %dma_start3A_6 = arith.constant 0 : i32
    %dma_start3A_7 = tpu.memref_slice %arg7[%dma_start3A, %dma_start3A_6] : memref<25x80xi32, #tpu.memory_space<vmem>> -> memref<1x80xi32, #tpu.memory_space<vmem>>
    %dma_start3A_8 = tpu.memref_squeeze %dma_start3A_7 : memref<1x80xi32, #tpu.memory_space<vmem>> -> memref<80xi32, #tpu.memory_space<vmem>>
    %dma_start3A_9 = arith.constant 0 : i32
    %dma_start3A_10 = arith.constant 0 : i32
    %dma_start3A_11 = tpu.memref_slice %arg4[%dma_start3A_9, %dma_start3A_10] : memref<10000x128xf32, #tpu.memory_space<hbm>> -> memref<10000x128xf32, #tpu.memory_space<hbm>>
    tpu.enqueue_indirect_dma source(%dma_start3A_11 : memref<10000x128xf32, #tpu.memory_space<hbm>>) target(%arg9 : memref<80x128xf32, #tpu.memory_space<vmem>>) offsets(%dma_start3A_8 : memref<80xi32, #tpu.memory_space<vmem>>) semaphore(%arg14 : memref<!tpu.dma_semaphore, #tpu.memory_space<semaphore_mem>>)
    %dma_start3A_12 = arith.constant 1 : i32
    %dma_start3A_13 = arith.constant 0 : i32
    %dma_start3A_14 = tpu.memref_slice %arg7[%dma_start3A_12, %dma_start3A_13] : memref<25x80xi32, #tpu.memory_space<vmem>> -> memref<1x80xi32, #tpu.memory_space<vmem>>
    %dma_start3A_15 = tpu.memref_squeeze %dma_start3A_14 : memref<1x80xi32, #tpu.memory_space<vmem>> -> memref<80xi32, #tpu.memory_space<vmem>>
    %dma_start3A_16 = arith.constant 0 : i32
    %dma_start3A_17 = arith.constant 0 : i32
    %dma_start3A_18 = tpu.memref_slice %arg4[%dma_start3A_16, %dma_start3A_17] : memref<10000x128xf32, #tpu.memory_space<hbm>> -> memref<10000x128xf32, #tpu.memory_space<hbm>>
    tpu.enqueue_indirect_dma source(%dma_start3A_18 : memref<10000x128xf32, #tpu.memory_space<hbm>>) target(%arg10 : memref<80x128xf32, #tpu.memory_space<vmem>>) offsets(%dma_start3A_15 : memref<80xi32, #tpu.memory_space<vmem>>) semaphore(%arg15 : memref<!tpu.dma_semaphore, #tpu.memory_space<semaphore_mem>>)
    %dma_start3A_19 = arith.constant 2 : i32
    %dma_start3A_20 = arith.constant 0 : i32
    %dma_start3A_21 = tpu.memref_slice %arg7[%dma_start3A_19, %dma_start3A_20] : memref<25x80xi32, #tpu.memory_space<vmem>> -> memref<1x80xi32, #tpu.memory_space<vmem>>
    %dma_start3A_22 = tpu.memref_squeeze %dma_start3A_21 : memref<1x80xi32, #tpu.memory_space<vmem>> -> memref<80xi32, #tpu.memory_space<vmem>>
    %dma_start3A_23 = arith.constant 0 : i32
    %dma_start3A_24 = arith.constant 0 : i32
    %dma_start3A_25 = tpu.memref_slice %arg4[%dma_start3A_23, %dma_start3A_24] : memref<10000x128xf32, #tpu.memory_space<hbm>> -> memref<10000x128xf32, #tpu.memory_space<hbm>>
    tpu.enqueue_indirect_dma source(%dma_start3A_25 : memref<10000x128xf32, #tpu.memory_space<hbm>>) target(%arg11 : memref<80x128xf32, #tpu.memory_space<vmem>>) offsets(%dma_start3A_22 : memref<80xi32, #tpu.memory_space<vmem>>) semaphore(%arg16 : memref<!tpu.dma_semaphore, #tpu.memory_space<semaphore_mem>>)
    %dma_start3A_26 = arith.constant 3 : i32
    %dma_start3A_27 = arith.constant 0 : i32
    %dma_start3A_28 = tpu.memref_slice %arg7[%dma_start3A_26, %dma_start3A_27] : memref<25x80xi32, #tpu.memory_space<vmem>> -> memref<1x80xi32, #tpu.memory_space<vmem>>
    %dma_start3A_29 = tpu.memref_squeeze %dma_start3A_28 : memref<1x80xi32, #tpu.memory_space<vmem>> -> memref<80xi32, #tpu.memory_space<vmem>>
    %dma_start3A_30 = arith.constant 0 : i32
    %dma_start3A_31 = arith.constant 0 : i32
    %dma_start3A_32 = tpu.memref_slice %arg4[%dma_start3A_30, %dma_start3A_31] : memref<10000x128xf32, #tpu.memory_space<hbm>> -> memref<10000x128xf32, #tpu.memory_space<hbm>>
    tpu.enqueue_indirect_dma source(%dma_start3A_32 : memref<10000x128xf32, #tpu.memory_space<hbm>>) target(%arg12 : memref<80x128xf32, #tpu.memory_space<vmem>>) offsets(%dma_start3A_29 : memref<80xi32, #tpu.memory_space<vmem>>) semaphore(%arg17 : memref<!tpu.dma_semaphore, #tpu.memory_space<semaphore_mem>>)
    %scan3A = arith.constant 0 : i32
    %scan3A_33 = arith.constant 0 : i32
    %scan3A_34 = arith.constant 6 : i32
    %scan3A_35 = arith.addi %scan3A_33, %scan3A_34 : i32
    %scan3A_36 = arith.constant 1 : i32
    scf.for %scan3A_231 = %scan3A_33 to %scan3A_35 step %scan3A_36  : i32 {
      %mul3A_232 = arith.constant 4 : i32
      %mul3A_233 = arith.muli %mul3A_232, %scan3A_231 : i32
      %add3A_234 = arith.constant 0 : i32
      %add3A_235 = arith.addi %mul3A_233, %add3A_234 : i32
      %dma_wait3A_236 = arith.constant 0 : i32
      %dma_wait3A_237 = tpu.memref_slice %arg7[%add3A_235, %dma_wait3A_236] : memref<25x80xi32, #tpu.memory_space<vmem>> -> memref<1x80xi32, #tpu.memory_space<vmem>>
      %dma_wait3A_238 = tpu.memref_squeeze %dma_wait3A_237 : memref<1x80xi32, #tpu.memory_space<vmem>> -> memref<80xi32, #tpu.memory_space<vmem>>
      %dma_wait3A_239 = arith.constant 0 : i32
      %dma_wait3A_240 = arith.constant 0 : i32
      %dma_wait3A_241 = tpu.memref_slice %arg4[%dma_wait3A_239, %dma_wait3A_240] : memref<10000x128xf32, #tpu.memory_space<hbm>> -> memref<10000x128xf32, #tpu.memory_space<hbm>>
      tpu.wait_indirect_dma semaphore(%arg14 : memref<!tpu.dma_semaphore, #tpu.memory_space<semaphore_mem>>) src(%dma_wait3A_241 : memref<10000x128xf32, #tpu.memory_space<hbm>>) dst(%arg9 : memref<80x128xf32, #tpu.memory_space<vmem>>)
      "tpu.region"() ({
        %run_scoped3A_299 = tpu.sem_alloc : memref<!tpu.dma_semaphore, #tpu.memory_space<semaphore_mem>>
        %dma_start3A_300 = arith.constant 0 : i32
        %dma_start3A_301 = tpu.memref_slice %arg8[%add3A_235, %dma_start3A_300] : memref<25x80xi32, #tpu.memory_space<vmem>> -> memref<1x80xi32, #tpu.memory_space<vmem>>
        %dma_start3A_302 = tpu.memref_squeeze %dma_start3A_301 : memref<1x80xi32, #tpu.memory_space<vmem>> -> memref<80xi32, #tpu.memory_space<vmem>>
        %dma_start3A_303 = arith.constant 0 : i32
        %dma_start3A_304 = arith.constant 0 : i32
        %dma_start3A_305 = tpu.memref_slice %arg13[%dma_start3A_303, %dma_start3A_304] : memref<10000x128xf32, #tpu.memory_space<vmem_shared>> -> memref<10000x128xf32, #tpu.memory_space<vmem_shared>>
        tpu.enqueue_indirect_dma source(%arg9 : memref<80x128xf32, #tpu.memory_space<vmem>>) target(%dma_start3A_305 : memref<10000x128xf32, #tpu.memory_space<vmem_shared>>) offsets(%dma_start3A_302 : memref<80xi32, #tpu.memory_space<vmem>>) semaphore(%run_scoped3A_299 : memref<!tpu.dma_semaphore, #tpu.memory_space<semaphore_mem>>) {add = true}
        %dma_wait3A_306 = arith.constant 0 : i32
        %dma_wait3A_307 = tpu.memref_slice %arg8[%add3A_235, %dma_wait3A_306] : memref<25x80xi32, #tpu.memory_space<vmem>> -> memref<1x80xi32, #tpu.memory_space<vmem>>
        %dma_wait3A_308 = tpu.memref_squeeze %dma_wait3A_307 : memref<1x80xi32, #tpu.memory_space<vmem>> -> memref<80xi32, #tpu.memory_space<vmem>>
        %dma_wait3A_309 = arith.constant 0 : i32
        %dma_wait3A_310 = arith.constant 0 : i32
        %dma_wait3A_311 = tpu.memref_slice %arg13[%dma_wait3A_309, %dma_wait3A_310] : memref<10000x128xf32, #tpu.memory_space<vmem_shared>> -> memref<10000x128xf32, #tpu.memory_space<vmem_shared>>
        tpu.wait_indirect_dma semaphore(%run_scoped3A_299 : memref<!tpu.dma_semaphore, #tpu.memory_space<semaphore_mem>>) src(%arg9 : memref<80x128xf32, #tpu.memory_space<vmem>>) dst(%dma_wait3A_311 : memref<10000x128xf32, #tpu.memory_space<vmem_shared>>)
        tpu.yield
      }) : () -> ()
      %add3A_242 = arith.constant 4 : i32
      %add3A_243 = arith.addi %add3A_235, %add3A_242 : i32
      %lt3A = arith.constant 25 : i32
      %lt3A_244 = arith.cmpi slt, %add3A_243, %lt3A : i32
      %convert_element_type3A_245 = arith.extui %lt3A_244 : i1 to i32
      %cond3A_246 = arith.constant 0 : i32
      %cond3A_247 = arith.cmpi ne, %convert_element_type3A_245, %cond3A_246 : i32
      scf.if %cond3A_247 {
        %dma_start3A_299 = arith.constant 0 : i32
        %dma_start3A_300 = tpu.memref_slice %arg7[%add3A_243, %dma_start3A_299] : memref<25x80xi32, #tpu.memory_space<vmem>> -> memref<1x80xi32, #tpu.memory_space<vmem>>
        %dma_start3A_301 = tpu.memref_squeeze %dma_start3A_300 : memref<1x80xi32, #tpu.memory_space<vmem>> -> memref<80xi32, #tpu.memory_space<vmem>>
        %dma_start3A_302 = arith.constant 0 : i32
        %dma_start3A_303 = arith.constant 0 : i32
        %dma_start3A_304 = tpu.memref_slice %arg4[%dma_start3A_302, %dma_start3A_303] : memref<10000x128xf32, #tpu.memory_space<hbm>> -> memref<10000x128xf32, #tpu.memory_space<hbm>>
        tpu.enqueue_indirect_dma source(%dma_start3A_304 : memref<10000x128xf32, #tpu.memory_space<hbm>>) target(%arg9 : memref<80x128xf32, #tpu.memory_space<vmem>>) offsets(%dma_start3A_301 : memref<80xi32, #tpu.memory_space<vmem>>) semaphore(%arg14 : memref<!tpu.dma_semaphore, #tpu.memory_space<semaphore_mem>>)
      } else {
      }
      %mul3A_248 = arith.constant 4 : i32
      %mul3A_249 = arith.muli %mul3A_248, %scan3A_231 : i32
      %add3A_250 = arith.constant 1 : i32
      %add3A_251 = arith.addi %mul3A_249, %add3A_250 : i32
      %dma_wait3A_252 = arith.constant 0 : i32
      %dma_wait3A_253 = tpu.memref_slice %arg7[%add3A_251, %dma_wait3A_252] : memref<25x80xi32, #tpu.memory_space<vmem>> -> memref<1x80xi32, #tpu.memory_space<vmem>>
      %dma_wait3A_254 = tpu.memref_squeeze %dma_wait3A_253 : memref<1x80xi32, #tpu.memory_space<vmem>> -> memref<80xi32, #tpu.memory_space<vmem>>
      %dma_wait3A_255 = arith.constant 0 : i32
      %dma_wait3A_256 = arith.constant 0 : i32
      %dma_wait3A_257 = tpu.memref_slice %arg4[%dma_wait3A_255, %dma_wait3A_256] : memref<10000x128xf32, #tpu.memory_space<hbm>> -> memref<10000x128xf32, #tpu.memory_space<hbm>>
      tpu.wait_indirect_dma semaphore(%arg15 : memref<!tpu.dma_semaphore, #tpu.memory_space<semaphore_mem>>) src(%dma_wait3A_257 : memref<10000x128xf32, #tpu.memory_space<hbm>>) dst(%arg10 : memref<80x128xf32, #tpu.memory_space<vmem>>)
      "tpu.region"() ({
        %run_scoped3A_299 = tpu.sem_alloc : memref<!tpu.dma_semaphore, #tpu.memory_space<semaphore_mem>>
        %dma_start3A_300 = arith.constant 0 : i32
        %dma_start3A_301 = tpu.memref_slice %arg8[%add3A_251, %dma_start3A_300] : memref<25x80xi32, #tpu.memory_space<vmem>> -> memref<1x80xi32, #tpu.memory_space<vmem>>
        %dma_start3A_302 = tpu.memref_squeeze %dma_start3A_301 : memref<1x80xi32, #tpu.memory_space<vmem>> -> memref<80xi32, #tpu.memory_space<vmem>>
        %dma_start3A_303 = arith.constant 0 : i32
        %dma_start3A_304 = arith.constant 0 : i32
        %dma_start3A_305 = tpu.memref_slice %arg13[%dma_start3A_303, %dma_start3A_304] : memref<10000x128xf32, #tpu.memory_space<vmem_shared>> -> memref<10000x128xf32, #tpu.memory_space<vmem_shared>>
        tpu.enqueue_indirect_dma source(%arg10 : memref<80x128xf32, #tpu.memory_space<vmem>>) target(%dma_start3A_305 : memref<10000x128xf32, #tpu.memory_space<vmem_shared>>) offsets(%dma_start3A_302 : memref<80xi32, #tpu.memory_space<vmem>>) semaphore(%run_scoped3A_299 : memref<!tpu.dma_semaphore, #tpu.memory_space<semaphore_mem>>) {add = true}
        %dma_wait3A_306 = arith.constant 0 : i32
        %dma_wait3A_307 = tpu.memref_slice %arg8[%add3A_251, %dma_wait3A_306] : memref<25x80xi32, #tpu.memory_space<vmem>> -> memref<1x80xi32, #tpu.memory_space<vmem>>
        %dma_wait3A_308 = tpu.memref_squeeze %dma_wait3A_307 : memref<1x80xi32, #tpu.memory_space<vmem>> -> memref<80xi32, #tpu.memory_space<vmem>>
        %dma_wait3A_309 = arith.constant 0 : i32
        %dma_wait3A_310 = arith.constant 0 : i32
        %dma_wait3A_311 = tpu.memref_slice %arg13[%dma_wait3A_309, %dma_wait3A_310] : memref<10000x128xf32, #tpu.memory_space<vmem_shared>> -> memref<10000x128xf32, #tpu.memory_space<vmem_shared>>
        tpu.wait_indirect_dma semaphore(%run_scoped3A_299 : memref<!tpu.dma_semaphore, #tpu.memory_space<semaphore_mem>>) src(%arg10 : memref<80x128xf32, #tpu.memory_space<vmem>>) dst(%dma_wait3A_311 : memref<10000x128xf32, #tpu.memory_space<vmem_shared>>)
        tpu.yield
      }) : () -> ()
      %add3A_258 = arith.constant 4 : i32
      %add3A_259 = arith.addi %add3A_251, %add3A_258 : i32
      %lt3A_260 = arith.constant 25 : i32
      %lt3A_261 = arith.cmpi slt, %add3A_259, %lt3A_260 : i32
      %convert_element_type3A_262 = arith.extui %lt3A_261 : i1 to i32
      %cond3A_263 = arith.constant 0 : i32
      %cond3A_264 = arith.cmpi ne, %convert_element_type3A_262, %cond3A_263 : i32
      scf.if %cond3A_264 {
        %dma_start3A_299 = arith.constant 0 : i32
        %dma_start3A_300 = tpu.memref_slice %arg7[%add3A_259, %dma_start3A_299] : memref<25x80xi32, #tpu.memory_space<vmem>> -> memref<1x80xi32, #tpu.memory_space<vmem>>
        %dma_start3A_301 = tpu.memref_squeeze %dma_start3A_300 : memref<1x80xi32, #tpu.memory_space<vmem>> -> memref<80xi32, #tpu.memory_space<vmem>>
        %dma_start3A_302 = arith.constant 0 : i32
        %dma_start3A_303 = arith.constant 0 : i32
        %dma_start3A_304 = tpu.memref_slice %arg4[%dma_start3A_302, %dma_start3A_303] : memref<10000x128xf32, #tpu.memory_space<hbm>> -> memref<10000x128xf32, #tpu.memory_space<hbm>>
        tpu.enqueue_indirect_dma source(%dma_start3A_304 : memref<10000x128xf32, #tpu.memory_space<hbm>>) target(%arg10 : memref<80x128xf32, #tpu.memory_space<vmem>>) offsets(%dma_start3A_301 : memref<80xi32, #tpu.memory_space<vmem>>) semaphore(%arg15 : memref<!tpu.dma_semaphore, #tpu.memory_space<semaphore_mem>>)
      } else {
      }
      %mul3A_265 = arith.constant 4 : i32
      %mul3A_266 = arith.muli %mul3A_265, %scan3A_231 : i32
      %add3A_267 = arith.constant 2 : i32
      %add3A_268 = arith.addi %mul3A_266, %add3A_267 : i32
      %dma_wait3A_269 = arith.constant 0 : i32
      %dma_wait3A_270 = tpu.memref_slice %arg7[%add3A_268, %dma_wait3A_269] : memref<25x80xi32, #tpu.memory_space<vmem>> -> memref<1x80xi32, #tpu.memory_space<vmem>>
      %dma_wait3A_271 = tpu.memref_squeeze %dma_wait3A_270 : memref<1x80xi32, #tpu.memory_space<vmem>> -> memref<80xi32, #tpu.memory_space<vmem>>
      %dma_wait3A_272 = arith.constant 0 : i32
      %dma_wait3A_273 = arith.constant 0 : i32
      %dma_wait3A_274 = tpu.memref_slice %arg4[%dma_wait3A_272, %dma_wait3A_273] : memref<10000x128xf32, #tpu.memory_space<hbm>> -> memref<10000x128xf32, #tpu.memory_space<hbm>>
      tpu.wait_indirect_dma semaphore(%arg16 : memref<!tpu.dma_semaphore, #tpu.memory_space<semaphore_mem>>) src(%dma_wait3A_274 : memref<10000x128xf32, #tpu.memory_space<hbm>>) dst(%arg11 : memref<80x128xf32, #tpu.memory_space<vmem>>)
      "tpu.region"() ({
        %run_scoped3A_299 = tpu.sem_alloc : memref<!tpu.dma_semaphore, #tpu.memory_space<semaphore_mem>>
        %dma_start3A_300 = arith.constant 0 : i32
        %dma_start3A_301 = tpu.memref_slice %arg8[%add3A_268, %dma_start3A_300] : memref<25x80xi32, #tpu.memory_space<vmem>> -> memref<1x80xi32, #tpu.memory_space<vmem>>
        %dma_start3A_302 = tpu.memref_squeeze %dma_start3A_301 : memref<1x80xi32, #tpu.memory_space<vmem>> -> memref<80xi32, #tpu.memory_space<vmem>>
        %dma_start3A_303 = arith.constant 0 : i32
        %dma_start3A_304 = arith.constant 0 : i32
        %dma_start3A_305 = tpu.memref_slice %arg13[%dma_start3A_303, %dma_start3A_304] : memref<10000x128xf32, #tpu.memory_space<vmem_shared>> -> memref<10000x128xf32, #tpu.memory_space<vmem_shared>>
        tpu.enqueue_indirect_dma source(%arg11 : memref<80x128xf32, #tpu.memory_space<vmem>>) target(%dma_start3A_305 : memref<10000x128xf32, #tpu.memory_space<vmem_shared>>) offsets(%dma_start3A_302 : memref<80xi32, #tpu.memory_space<vmem>>) semaphore(%run_scoped3A_299 : memref<!tpu.dma_semaphore, #tpu.memory_space<semaphore_mem>>) {add = true}
        %dma_wait3A_306 = arith.constant 0 : i32
        %dma_wait3A_307 = tpu.memref_slice %arg8[%add3A_268, %dma_wait3A_306] : memref<25x80xi32, #tpu.memory_space<vmem>> -> memref<1x80xi32, #tpu.memory_space<vmem>>
        %dma_wait3A_308 = tpu.memref_squeeze %dma_wait3A_307 : memref<1x80xi32, #tpu.memory_space<vmem>> -> memref<80xi32, #tpu.memory_space<vmem>>
        %dma_wait3A_309 = arith.constant 0 : i32
        %dma_wait3A_310 = arith.constant 0 : i32
        %dma_wait3A_311 = tpu.memref_slice %arg13[%dma_wait3A_309, %dma_wait3A_310] : memref<10000x128xf32, #tpu.memory_space<vmem_shared>> -> memref<10000x128xf32, #tpu.memory_space<vmem_shared>>
        tpu.wait_indirect_dma semaphore(%run_scoped3A_299 : memref<!tpu.dma_semaphore, #tpu.memory_space<semaphore_mem>>) src(%arg11 : memref<80x128xf32, #tpu.memory_space<vmem>>) dst(%dma_wait3A_311 : memref<10000x128xf32, #tpu.memory_space<vmem_shared>>)
        tpu.yield
      }) : () -> ()
      %add3A_275 = arith.constant 4 : i32
      %add3A_276 = arith.addi %add3A_268, %add3A_275 : i32
      %lt3A_277 = arith.constant 25 : i32
      %lt3A_278 = arith.cmpi slt, %add3A_276, %lt3A_277 : i32
      %convert_element_type3A_279 = arith.extui %lt3A_278 : i1 to i32
      %cond3A_280 = arith.constant 0 : i32
      %cond3A_281 = arith.cmpi ne, %convert_element_type3A_279, %cond3A_280 : i32
      scf.if %cond3A_281 {
        %dma_start3A_299 = arith.constant 0 : i32
        %dma_start3A_300 = tpu.memref_slice %arg7[%add3A_276, %dma_start3A_299] : memref<25x80xi32, #tpu.memory_space<vmem>> -> memref<1x80xi32, #tpu.memory_space<vmem>>
        %dma_start3A_301 = tpu.memref_squeeze %dma_start3A_300 : memref<1x80xi32, #tpu.memory_space<vmem>> -> memref<80xi32, #tpu.memory_space<vmem>>
        %dma_start3A_302 = arith.constant 0 : i32
        %dma_start3A_303 = arith.constant 0 : i32
        %dma_start3A_304 = tpu.memref_slice %arg4[%dma_start3A_302, %dma_start3A_303] : memref<10000x128xf32, #tpu.memory_space<hbm>> -> memref<10000x128xf32, #tpu.memory_space<hbm>>
        tpu.enqueue_indirect_dma source(%dma_start3A_304 : memref<10000x128xf32, #tpu.memory_space<hbm>>) target(%arg11 : memref<80x128xf32, #tpu.memory_space<vmem>>) offsets(%dma_start3A_301 : memref<80xi32, #tpu.memory_space<vmem>>) semaphore(%arg16 : memref<!tpu.dma_semaphore, #tpu.memory_space<semaphore_mem>>)
      } else {
      }
      %mul3A_282 = arith.constant 4 : i32
      %mul3A_283 = arith.muli %mul3A_282, %scan3A_231 : i32
      %add3A_284 = arith.constant 3 : i32
      %add3A_285 = arith.addi %mul3A_283, %add3A_284 : i32
      %dma_wait3A_286 = arith.constant 0 : i32
      %dma_wait3A_287 = tpu.memref_slice %arg7[%add3A_285, %dma_wait3A_286] : memref<25x80xi32, #tpu.memory_space<vmem>> -> memref<1x80xi32, #tpu.memory_space<vmem>>
      %dma_wait3A_288 = tpu.memref_squeeze %dma_wait3A_287 : memref<1x80xi32, #tpu.memory_space<vmem>> -> memref<80xi32, #tpu.memory_space<vmem>>
      %dma_wait3A_289 = arith.constant 0 : i32
      %dma_wait3A_290 = arith.constant 0 : i32
      %dma_wait3A_291 = tpu.memref_slice %arg4[%dma_wait3A_289, %dma_wait3A_290] : memref<10000x128xf32, #tpu.memory_space<hbm>> -> memref<10000x128xf32, #tpu.memory_space<hbm>>
      tpu.wait_indirect_dma semaphore(%arg17 : memref<!tpu.dma_semaphore, #tpu.memory_space<semaphore_mem>>) src(%dma_wait3A_291 : memref<10000x128xf32, #tpu.memory_space<hbm>>) dst(%arg12 : memref<80x128xf32, #tpu.memory_space<vmem>>)
      "tpu.region"() ({
        %run_scoped3A_299 = tpu.sem_alloc : memref<!tpu.dma_semaphore, #tpu.memory_space<semaphore_mem>>
        %dma_start3A_300 = arith.constant 0 : i32
        %dma_start3A_301 = tpu.memref_slice %arg8[%add3A_285, %dma_start3A_300] : memref<25x80xi32, #tpu.memory_space<vmem>> -> memref<1x80xi32, #tpu.memory_space<vmem>>
        %dma_start3A_302 = tpu.memref_squeeze %dma_start3A_301 : memref<1x80xi32, #tpu.memory_space<vmem>> -> memref<80xi32, #tpu.memory_space<vmem>>
        %dma_start3A_303 = arith.constant 0 : i32
        %dma_start3A_304 = arith.constant 0 : i32
        %dma_start3A_305 = tpu.memref_slice %arg13[%dma_start3A_303, %dma_start3A_304] : memref<10000x128xf32, #tpu.memory_space<vmem_shared>> -> memref<10000x128xf32, #tpu.memory_space<vmem_shared>>
        tpu.enqueue_indirect_dma source(%arg12 : memref<80x128xf32, #tpu.memory_space<vmem>>) target(%dma_start3A_305 : memref<10000x128xf32, #tpu.memory_space<vmem_shared>>) offsets(%dma_start3A_302 : memref<80xi32, #tpu.memory_space<vmem>>) semaphore(%run_scoped3A_299 : memref<!tpu.dma_semaphore, #tpu.memory_space<semaphore_mem>>) {add = true}
        %dma_wait3A_306 = arith.constant 0 : i32
        %dma_wait3A_307 = tpu.memref_slice %arg8[%add3A_285, %dma_wait3A_306] : memref<25x80xi32, #tpu.memory_space<vmem>> -> memref<1x80xi32, #tpu.memory_space<vmem>>
        %dma_wait3A_308 = tpu.memref_squeeze %dma_wait3A_307 : memref<1x80xi32, #tpu.memory_space<vmem>> -> memref<80xi32, #tpu.memory_space<vmem>>
        %dma_wait3A_309 = arith.constant 0 : i32
        %dma_wait3A_310 = arith.constant 0 : i32
        %dma_wait3A_311 = tpu.memref_slice %arg13[%dma_wait3A_309, %dma_wait3A_310] : memref<10000x128xf32, #tpu.memory_space<vmem_shared>> -> memref<10000x128xf32, #tpu.memory_space<vmem_shared>>
        tpu.wait_indirect_dma semaphore(%run_scoped3A_299 : memref<!tpu.dma_semaphore, #tpu.memory_space<semaphore_mem>>) src(%arg12 : memref<80x128xf32, #tpu.memory_space<vmem>>) dst(%dma_wait3A_311 : memref<10000x128xf32, #tpu.memory_space<vmem_shared>>)
        tpu.yield
      }) : () -> ()
      %add3A_292 = arith.constant 4 : i32
      %add3A_293 = arith.addi %add3A_285, %add3A_292 : i32
      %lt3A_294 = arith.constant 25 : i32
      %lt3A_295 = arith.cmpi slt, %add3A_293, %lt3A_294 : i32
      %convert_element_type3A_296 = arith.extui %lt3A_295 : i1 to i32
      %cond3A_297 = arith.constant 0 : i32
      %cond3A_298 = arith.cmpi ne, %convert_element_type3A_296, %cond3A_297 : i32
      scf.if %cond3A_298 {
        %dma_start3A_299 = arith.constant 0 : i32
        %dma_start3A_300 = tpu.memref_slice %arg7[%add3A_293, %dma_start3A_299] : memref<25x80xi32, #tpu.memory_space<vmem>> -> memref<1x80xi32, #tpu.memory_space<vmem>>
        %dma_start3A_301 = tpu.memref_squeeze %dma_start3A_300 : memref<1x80xi32, #tpu.memory_space<vmem>> -> memref<80xi32, #tpu.memory_space<vmem>>
        %dma_start3A_302 = arith.constant 0 : i32
        %dma_start3A_303 = arith.constant 0 : i32
        %dma_start3A_304 = tpu.memref_slice %arg4[%dma_start3A_302, %dma_start3A_303] : memref<10000x128xf32, #tpu.memory_space<hbm>> -> memref<10000x128xf32, #tpu.memory_space<hbm>>
        tpu.enqueue_indirect_dma source(%dma_start3A_304 : memref<10000x128xf32, #tpu.memory_space<hbm>>) target(%arg12 : memref<80x128xf32, #tpu.memory_space<vmem>>) offsets(%dma_start3A_301 : memref<80xi32, #tpu.memory_space<vmem>>) semaphore(%arg17 : memref<!tpu.dma_semaphore, #tpu.memory_space<semaphore_mem>>)
      } else {
      }
    }
    %scan3A_37 = arith.constant 6 : i32
    %dma_wait3A = arith.constant 24 : i32
    %dma_wait3A_38 = arith.constant 0 : i32
    %dma_wait3A_39 = tpu.memref_slice %arg7[%dma_wait3A, %dma_wait3A_38] : memref<25x80xi32, #tpu.memory_space<vmem>> -> memref<1x80xi32, #tpu.memory_space<vmem>>
    %dma_wait3A_40 = tpu.memref_squeeze %dma_wait3A_39 : memref<1x80xi32, #tpu.memory_space<vmem>> -> memref<80xi32, #tpu.memory_space<vmem>>
    %dma_wait3A_41 = arith.constant 0 : i32
    %dma_wait3A_42 = arith.constant 0 : i32
    %dma_wait3A_43 = tpu.memref_slice %arg4[%dma_wait3A_41, %dma_wait3A_42] : memref<10000x128xf32, #tpu.memory_space<hbm>> -> memref<10000x128xf32, #tpu.memory_space<hbm>>
    tpu.wait_indirect_dma semaphore(%arg14 : memref<!tpu.dma_semaphore, #tpu.memory_space<semaphore_mem>>) src(%dma_wait3A_43 : memref<10000x128xf32, #tpu.memory_space<hbm>>) dst(%arg9 : memref<80x128xf32, #tpu.memory_space<vmem>>)
    %run_scoped3A_44 = arith.constant 24 : i32
    "tpu.region"() ({
      %run_scoped3A_231 = tpu.sem_alloc : memref<!tpu.dma_semaphore, #tpu.memory_space<semaphore_mem>>
      %dma_start3A_232 = arith.constant 0 : i32
      %dma_start3A_233 = tpu.memref_slice %arg8[%run_scoped3A_44, %dma_start3A_232] : memref<25x80xi32, #tpu.memory_space<vmem>> -> memref<1x80xi32, #tpu.memory_space<vmem>>
      %dma_start3A_234 = tpu.memref_squeeze %dma_start3A_233 : memref<1x80xi32, #tpu.memory_space<vmem>> -> memref<80xi32, #tpu.memory_space<vmem>>
      %dma_start3A_235 = arith.constant 0 : i32
      %dma_start3A_236 = arith.constant 0 : i32
      %dma_start3A_237 = tpu.memref_slice %arg13[%dma_start3A_235, %dma_start3A_236] : memref<10000x128xf32, #tpu.memory_space<vmem_shared>> -> memref<10000x128xf32, #tpu.memory_space<vmem_shared>>
      tpu.enqueue_indirect_dma source(%arg9 : memref<80x128xf32, #tpu.memory_space<vmem>>) target(%dma_start3A_237 : memref<10000x128xf32, #tpu.memory_space<vmem_shared>>) offsets(%dma_start3A_234 : memref<80xi32, #tpu.memory_space<vmem>>) semaphore(%run_scoped3A_231 : memref<!tpu.dma_semaphore, #tpu.memory_space<semaphore_mem>>) {add = true}
      %dma_wait3A_238 = arith.constant 0 : i32
      %dma_wait3A_239 = tpu.memref_slice %arg8[%run_scoped3A_44, %dma_wait3A_238] : memref<25x80xi32, #tpu.memory_space<vmem>> -> memref<1x80xi32, #tpu.memory_space<vmem>>
      %dma_wait3A_240 = tpu.memref_squeeze %dma_wait3A_239 : memref<1x80xi32, #tpu.memory_space<vmem>> -> memref<80xi32, #tpu.memory_space<vmem>>
      %dma_wait3A_241 = arith.constant 0 : i32
      %dma_wait3A_242 = arith.constant 0 : i32
      %dma_wait3A_243 = tpu.memref_slice %arg13[%dma_wait3A_241, %dma_wait3A_242] : memref<10000x128xf32, #tpu.memory_space<vmem_shared>> -> memref<10000x128xf32, #tpu.memory_space<vmem_shared>>
      tpu.wait_indirect_dma semaphore(%run_scoped3A_231 : memref<!tpu.dma_semaphore, #tpu.memory_space<semaphore_mem>>) src(%arg9 : memref<80x128xf32, #tpu.memory_space<vmem>>) dst(%dma_wait3A_243 : memref<10000x128xf32, #tpu.memory_space<vmem_shared>>)
      tpu.yield
    }) : () -> ()
    %run_scoped3A_45 = arith.constant 1 : i32
    "tpu.region"() ({
      %run_scoped3A_231 = tpu.sem_alloc : memref<!tpu.dma_semaphore, #tpu.memory_space<semaphore_mem>>
      %dma_start3A_232 = arith.constant 0 : i32
      %dma_start3A_233 = arith.constant 0 : i32
      %dma_start3A_234 = tpu.memref_slice %arg2[%add3A, %run_scoped3A_45, %dma_start3A_232, %dma_start3A_233] : memref<32x5x25x80xi32, #tpu.memory_space<hbm>> -> memref<1x1x25x80xi32, #tpu.memory_space<hbm>>
      %dma_start3A_235 = tpu.memref_squeeze %dma_start3A_234 : memref<1x1x25x80xi32, #tpu.memory_space<hbm>> -> memref<25x80xi32, #tpu.memory_space<hbm>>
      %dma_start3A_236 = arith.constant 0 : i32
      %dma_start3A_237 = arith.constant 0 : i32
      %dma_start3A_238 = tpu.memref_slice %arg2[%add3A, %run_scoped3A_45, %dma_start3A_236, %dma_start3A_237] : memref<32x5x25x80xi32, #tpu.memory_space<hbm>> -> memref<1x1x25x80xi32, #tpu.memory_space<hbm>>
      %dma_start3A_239 = tpu.memref_squeeze %dma_start3A_238 : memref<1x1x25x80xi32, #tpu.memory_space<hbm>> -> memref<25x80xi32, #tpu.memory_space<hbm>>
      tpu.enqueue_dma source(%dma_start3A_239 : memref<25x80xi32, #tpu.memory_space<hbm>>) target(%arg7 : memref<25x80xi32, #tpu.memory_space<vmem>>) target_semaphore(%run_scoped3A_231 : memref<!tpu.dma_semaphore, #tpu.memory_space<semaphore_mem>>)
      %dma_wait3A_240 = arith.constant 0 : i32
      %dma_wait3A_241 = arith.constant 0 : i32
      %dma_wait3A_242 = tpu.memref_slice %arg2[%add3A, %run_scoped3A_45, %dma_wait3A_240, %dma_wait3A_241] : memref<32x5x25x80xi32, #tpu.memory_space<hbm>> -> memref<1x1x25x80xi32, #tpu.memory_space<hbm>>
      %dma_wait3A_243 = tpu.memref_squeeze %dma_wait3A_242 : memref<1x1x25x80xi32, #tpu.memory_space<hbm>> -> memref<25x80xi32, #tpu.memory_space<hbm>>
      %dma_wait3A_244 = arith.constant 0 : i32
      %dma_wait3A_245 = arith.constant 0 : i32
      %dma_wait3A_246 = tpu.memref_slice %arg2[%add3A, %run_scoped3A_45, %dma_wait3A_244, %dma_wait3A_245] : memref<32x5x25x80xi32, #tpu.memory_space<hbm>> -> memref<1x1x25x80xi32, #tpu.memory_space<hbm>>
      %dma_wait3A_247 = tpu.memref_squeeze %dma_wait3A_246 : memref<1x1x25x80xi32, #tpu.memory_space<hbm>> -> memref<25x80xi32, #tpu.memory_space<hbm>>
      tpu.wait_dma2 semaphore(%run_scoped3A_231 : memref<!tpu.dma_semaphore, #tpu.memory_space<semaphore_mem>>) src(%dma_wait3A_247 : memref<25x80xi32, #tpu.memory_space<hbm>>) dst(%arg7 : memref<25x80xi32, #tpu.memory_space<vmem>>)
      tpu.yield
    }) : () -> ()
    %run_scoped3A_46 = arith.constant 1 : i32
    "tpu.region"() ({
      %run_scoped3A_231 = tpu.sem_alloc : memref<!tpu.dma_semaphore, #tpu.memory_space<semaphore_mem>>
      %dma_start3A_232 = arith.constant 0 : i32
      %dma_start3A_233 = arith.constant 0 : i32
      %dma_start3A_234 = tpu.memref_slice %arg3[%add3A, %run_scoped3A_46, %dma_start3A_232, %dma_start3A_233] : memref<32x5x25x80xi32, #tpu.memory_space<hbm>> -> memref<1x1x25x80xi32, #tpu.memory_space<hbm>>
      %dma_start3A_235 = tpu.memref_squeeze %dma_start3A_234 : memref<1x1x25x80xi32, #tpu.memory_space<hbm>> -> memref<25x80xi32, #tpu.memory_space<hbm>>
      %dma_start3A_236 = arith.constant 0 : i32
      %dma_start3A_237 = arith.constant 0 : i32
      %dma_start3A_238 = tpu.memref_slice %arg3[%add3A, %run_scoped3A_46, %dma_start3A_236, %dma_start3A_237] : memref<32x5x25x80xi32, #tpu.memory_space<hbm>> -> memref<1x1x25x80xi32, #tpu.memory_space<hbm>>
      %dma_start3A_239 = tpu.memref_squeeze %dma_start3A_238 : memref<1x1x25x80xi32, #tpu.memory_space<hbm>> -> memref<25x80xi32, #tpu.memory_space<hbm>>
      tpu.enqueue_dma source(%dma_start3A_239 : memref<25x80xi32, #tpu.memory_space<hbm>>) target(%arg8 : memref<25x80xi32, #tpu.memory_space<vmem>>) target_semaphore(%run_scoped3A_231 : memref<!tpu.dma_semaphore, #tpu.memory_space<semaphore_mem>>)
      %dma_wait3A_240 = arith.constant 0 : i32
      %dma_wait3A_241 = arith.constant 0 : i32
      %dma_wait3A_242 = tpu.memref_slice %arg3[%add3A, %run_scoped3A_46, %dma_wait3A_240, %dma_wait3A_241] : memref<32x5x25x80xi32, #tpu.memory_space<hbm>> -> memref<1x1x25x80xi32, #tpu.memory_space<hbm>>
      %dma_wait3A_243 = tpu.memref_squeeze %dma_wait3A_242 : memref<1x1x25x80xi32, #tpu.memory_space<hbm>> -> memref<25x80xi32, #tpu.memory_space<hbm>>
      %dma_wait3A_244 = arith.constant 0 : i32
      %dma_wait3A_245 = arith.constant 0 : i32
      %dma_wait3A_246 = tpu.memref_slice %arg3[%add3A, %run_scoped3A_46, %dma_wait3A_244, %dma_wait3A_245] : memref<32x5x25x80xi32, #tpu.memory_space<hbm>> -> memref<1x1x25x80xi32, #tpu.memory_space<hbm>>
      %dma_wait3A_247 = tpu.memref_squeeze %dma_wait3A_246 : memref<1x1x25x80xi32, #tpu.memory_space<hbm>> -> memref<25x80xi32, #tpu.memory_space<hbm>>
      tpu.wait_dma2 semaphore(%run_scoped3A_231 : memref<!tpu.dma_semaphore, #tpu.memory_space<semaphore_mem>>) src(%dma_wait3A_247 : memref<25x80xi32, #tpu.memory_space<hbm>>) dst(%arg8 : memref<25x80xi32, #tpu.memory_space<vmem>>)
      tpu.yield
    }) : () -> ()
    %dma_start3A_47 = arith.constant 0 : i32
    %dma_start3A_48 = arith.constant 0 : i32
    %dma_start3A_49 = tpu.memref_slice %arg7[%dma_start3A_47, %dma_start3A_48] : memref<25x80xi32, #tpu.memory_space<vmem>> -> memref<1x80xi32, #tpu.memory_space<vmem>>
    %dma_start3A_50 = tpu.memref_squeeze %dma_start3A_49 : memref<1x80xi32, #tpu.memory_space<vmem>> -> memref<80xi32, #tpu.memory_space<vmem>>
    %dma_start3A_51 = arith.constant 0 : i32
    %dma_start3A_52 = arith.constant 0 : i32
    %dma_start3A_53 = tpu.memref_slice %arg4[%dma_start3A_51, %dma_start3A_52] : memref<10000x128xf32, #tpu.memory_space<hbm>> -> memref<10000x128xf32, #tpu.memory_space<hbm>>
    tpu.enqueue_indirect_dma source(%dma_start3A_53 : memref<10000x128xf32, #tpu.memory_space<hbm>>) target(%arg9 : memref<80x128xf32, #tpu.memory_space<vmem>>) offsets(%dma_start3A_50 : memref<80xi32, #tpu.memory_space<vmem>>) semaphore(%arg14 : memref<!tpu.dma_semaphore, #tpu.memory_space<semaphore_mem>>)
    %dma_start3A_54 = arith.constant 1 : i32
    %dma_start3A_55 = arith.constant 0 : i32
    %dma_start3A_56 = tpu.memref_slice %arg7[%dma_start3A_54, %dma_start3A_55] : memref<25x80xi32, #tpu.memory_space<vmem>> -> memref<1x80xi32, #tpu.memory_space<vmem>>
    %dma_start3A_57 = tpu.memref_squeeze %dma_start3A_56 : memref<1x80xi32, #tpu.memory_space<vmem>> -> memref<80xi32, #tpu.memory_space<vmem>>
    %dma_start3A_58 = arith.constant 0 : i32
    %dma_start3A_59 = arith.constant 0 : i32
    %dma_start3A_60 = tpu.memref_slice %arg4[%dma_start3A_58, %dma_start3A_59] : memref<10000x128xf32, #tpu.memory_space<hbm>> -> memref<10000x128xf32, #tpu.memory_space<hbm>>
    tpu.enqueue_indirect_dma source(%dma_start3A_60 : memref<10000x128xf32, #tpu.memory_space<hbm>>) target(%arg10 : memref<80x128xf32, #tpu.memory_space<vmem>>) offsets(%dma_start3A_57 : memref<80xi32, #tpu.memory_space<vmem>>) semaphore(%arg15 : memref<!tpu.dma_semaphore, #tpu.memory_space<semaphore_mem>>)
    %dma_start3A_61 = arith.constant 2 : i32
    %dma_start3A_62 = arith.constant 0 : i32
    %dma_start3A_63 = tpu.memref_slice %arg7[%dma_start3A_61, %dma_start3A_62] : memref<25x80xi32, #tpu.memory_space<vmem>> -> memref<1x80xi32, #tpu.memory_space<vmem>>
    %dma_start3A_64 = tpu.memref_squeeze %dma_start3A_63 : memref<1x80xi32, #tpu.memory_space<vmem>> -> memref<80xi32, #tpu.memory_space<vmem>>
    %dma_start3A_65 = arith.constant 0 : i32
    %dma_start3A_66 = arith.constant 0 : i32
    %dma_start3A_67 = tpu.memref_slice %arg4[%dma_start3A_65, %dma_start3A_66] : memref<10000x128xf32, #tpu.memory_space<hbm>> -> memref<10000x128xf32, #tpu.memory_space<hbm>>
    tpu.enqueue_indirect_dma source(%dma_start3A_67 : memref<10000x128xf32, #tpu.memory_space<hbm>>) target(%arg11 : memref<80x128xf32, #tpu.memory_space<vmem>>) offsets(%dma_start3A_64 : memref<80xi32, #tpu.memory_space<vmem>>) semaphore(%arg16 : memref<!tpu.dma_semaphore, #tpu.memory_space<semaphore_mem>>)
    %dma_start3A_68 = arith.constant 3 : i32
    %dma_start3A_69 = arith.constant 0 : i32
    %dma_start3A_70 = tpu.memref_slice %arg7[%dma_start3A_68, %dma_start3A_69] : memref<25x80xi32, #tpu.memory_space<vmem>> -> memref<1x80xi32, #tpu.memory_space<vmem>>
    %dma_start3A_71 = tpu.memref_squeeze %dma_start3A_70 : memref<1x80xi32, #tpu.memory_space<vmem>> -> memref<80xi32, #tpu.memory_space<vmem>>
    %dma_start3A_72 = arith.constant 0 : i32
    %dma_start3A_73 = arith.constant 0 : i32
    %dma_start3A_74 = tpu.memref_slice %arg4[%dma_start3A_72, %dma_start3A_73] : memref<10000x128xf32, #tpu.memory_space<hbm>> -> memref<10000x128xf32, #tpu.memory_space<hbm>>
    tpu.enqueue_indirect_dma source(%dma_start3A_74 : memref<10000x128xf32, #tpu.memory_space<hbm>>) target(%arg12 : memref<80x128xf32, #tpu.memory_space<vmem>>) offsets(%dma_start3A_71 : memref<80xi32, #tpu.memory_space<vmem>>) semaphore(%arg17 : memref<!tpu.dma_semaphore, #tpu.memory_space<semaphore_mem>>)
    %scan3A_75 = arith.constant 0 : i32
    %scan3A_76 = arith.constant 0 : i32
    %scan3A_77 = arith.constant 6 : i32
    %scan3A_78 = arith.addi %scan3A_76, %scan3A_77 : i32
    %scan3A_79 = arith.constant 1 : i32
    scf.for %scan3A_231 = %scan3A_76 to %scan3A_78 step %scan3A_79  : i32 {
      %mul3A_232 = arith.constant 4 : i32
      %mul3A_233 = arith.muli %mul3A_232, %scan3A_231 : i32
      %add3A_234 = arith.constant 0 : i32
      %add3A_235 = arith.addi %mul3A_233, %add3A_234 : i32
      %dma_wait3A_236 = arith.constant 0 : i32
      %dma_wait3A_237 = tpu.memref_slice %arg7[%add3A_235, %dma_wait3A_236] : memref<25x80xi32, #tpu.memory_space<vmem>> -> memref<1x80xi32, #tpu.memory_space<vmem>>
      %dma_wait3A_238 = tpu.memref_squeeze %dma_wait3A_237 : memref<1x80xi32, #tpu.memory_space<vmem>> -> memref<80xi32, #tpu.memory_space<vmem>>
      %dma_wait3A_239 = arith.constant 0 : i32
      %dma_wait3A_240 = arith.constant 0 : i32
      %dma_wait3A_241 = tpu.memref_slice %arg4[%dma_wait3A_239, %dma_wait3A_240] : memref<10000x128xf32, #tpu.memory_space<hbm>> -> memref<10000x128xf32, #tpu.memory_space<hbm>>
      tpu.wait_indirect_dma semaphore(%arg14 : memref<!tpu.dma_semaphore, #tpu.memory_space<semaphore_mem>>) src(%dma_wait3A_241 : memref<10000x128xf32, #tpu.memory_space<hbm>>) dst(%arg9 : memref<80x128xf32, #tpu.memory_space<vmem>>)
      "tpu.region"() ({
        %run_scoped3A_299 = tpu.sem_alloc : memref<!tpu.dma_semaphore, #tpu.memory_space<semaphore_mem>>
        %dma_start3A_300 = arith.constant 0 : i32
        %dma_start3A_301 = tpu.memref_slice %arg8[%add3A_235, %dma_start3A_300] : memref<25x80xi32, #tpu.memory_space<vmem>> -> memref<1x80xi32, #tpu.memory_space<vmem>>
        %dma_start3A_302 = tpu.memref_squeeze %dma_start3A_301 : memref<1x80xi32, #tpu.memory_space<vmem>> -> memref<80xi32, #tpu.memory_space<vmem>>
        %dma_start3A_303 = arith.constant 0 : i32
        %dma_start3A_304 = arith.constant 0 : i32
        %dma_start3A_305 = tpu.memref_slice %arg13[%dma_start3A_303, %dma_start3A_304] : memref<10000x128xf32, #tpu.memory_space<vmem_shared>> -> memref<10000x128xf32, #tpu.memory_space<vmem_shared>>
        tpu.enqueue_indirect_dma source(%arg9 : memref<80x128xf32, #tpu.memory_space<vmem>>) target(%dma_start3A_305 : memref<10000x128xf32, #tpu.memory_space<vmem_shared>>) offsets(%dma_start3A_302 : memref<80xi32, #tpu.memory_space<vmem>>) semaphore(%run_scoped3A_299 : memref<!tpu.dma_semaphore, #tpu.memory_space<semaphore_mem>>) {add = true}
        %dma_wait3A_306 = arith.constant 0 : i32
        %dma_wait3A_307 = tpu.memref_slice %arg8[%add3A_235, %dma_wait3A_306] : memref<25x80xi32, #tpu.memory_space<vmem>> -> memref<1x80xi32, #tpu.memory_space<vmem>>
        %dma_wait3A_308 = tpu.memref_squeeze %dma_wait3A_307 : memref<1x80xi32, #tpu.memory_space<vmem>> -> memref<80xi32, #tpu.memory_space<vmem>>
        %dma_wait3A_309 = arith.constant 0 : i32
        %dma_wait3A_310 = arith.constant 0 : i32
        %dma_wait3A_311 = tpu.memref_slice %arg13[%dma_wait3A_309, %dma_wait3A_310] : memref<10000x128xf32, #tpu.memory_space<vmem_shared>> -> memref<10000x128xf32, #tpu.memory_space<vmem_shared>>
        tpu.wait_indirect_dma semaphore(%run_scoped3A_299 : memref<!tpu.dma_semaphore, #tpu.memory_space<semaphore_mem>>) src(%arg9 : memref<80x128xf32, #tpu.memory_space<vmem>>) dst(%dma_wait3A_311 : memref<10000x128xf32, #tpu.memory_space<vmem_shared>>)
        tpu.yield
      }) : () -> ()
      %add3A_242 = arith.constant 4 : i32
      %add3A_243 = arith.addi %add3A_235, %add3A_242 : i32
      %lt3A = arith.constant 25 : i32
      %lt3A_244 = arith.cmpi slt, %add3A_243, %lt3A : i32
      %convert_element_type3A_245 = arith.extui %lt3A_244 : i1 to i32
      %cond3A_246 = arith.constant 0 : i32
      %cond3A_247 = arith.cmpi ne, %convert_element_type3A_245, %cond3A_246 : i32
      scf.if %cond3A_247 {
        %dma_start3A_299 = arith.constant 0 : i32
        %dma_start3A_300 = tpu.memref_slice %arg7[%add3A_243, %dma_start3A_299] : memref<25x80xi32, #tpu.memory_space<vmem>> -> memref<1x80xi32, #tpu.memory_space<vmem>>
        %dma_start3A_301 = tpu.memref_squeeze %dma_start3A_300 : memref<1x80xi32, #tpu.memory_space<vmem>> -> memref<80xi32, #tpu.memory_space<vmem>>
        %dma_start3A_302 = arith.constant 0 : i32
        %dma_start3A_303 = arith.constant 0 : i32
        %dma_start3A_304 = tpu.memref_slice %arg4[%dma_start3A_302, %dma_start3A_303] : memref<10000x128xf32, #tpu.memory_space<hbm>> -> memref<10000x128xf32, #tpu.memory_space<hbm>>
        tpu.enqueue_indirect_dma source(%dma_start3A_304 : memref<10000x128xf32, #tpu.memory_space<hbm>>) target(%arg9 : memref<80x128xf32, #tpu.memory_space<vmem>>) offsets(%dma_start3A_301 : memref<80xi32, #tpu.memory_space<vmem>>) semaphore(%arg14 : memref<!tpu.dma_semaphore, #tpu.memory_space<semaphore_mem>>)
      } else {
      }
      %mul3A_248 = arith.constant 4 : i32
      %mul3A_249 = arith.muli %mul3A_248, %scan3A_231 : i32
      %add3A_250 = arith.constant 1 : i32
      %add3A_251 = arith.addi %mul3A_249, %add3A_250 : i32
      %dma_wait3A_252 = arith.constant 0 : i32
      %dma_wait3A_253 = tpu.memref_slice %arg7[%add3A_251, %dma_wait3A_252] : memref<25x80xi32, #tpu.memory_space<vmem>> -> memref<1x80xi32, #tpu.memory_space<vmem>>
      %dma_wait3A_254 = tpu.memref_squeeze %dma_wait3A_253 : memref<1x80xi32, #tpu.memory_space<vmem>> -> memref<80xi32, #tpu.memory_space<vmem>>
      %dma_wait3A_255 = arith.constant 0 : i32
      %dma_wait3A_256 = arith.constant 0 : i32
      %dma_wait3A_257 = tpu.memref_slice %arg4[%dma_wait3A_255, %dma_wait3A_256] : memref<10000x128xf32, #tpu.memory_space<hbm>> -> memref<10000x128xf32, #tpu.memory_space<hbm>>
      tpu.wait_indirect_dma semaphore(%arg15 : memref<!tpu.dma_semaphore, #tpu.memory_space<semaphore_mem>>) src(%dma_wait3A_257 : memref<10000x128xf32, #tpu.memory_space<hbm>>) dst(%arg10 : memref<80x128xf32, #tpu.memory_space<vmem>>)
      "tpu.region"() ({
        %run_scoped3A_299 = tpu.sem_alloc : memref<!tpu.dma_semaphore, #tpu.memory_space<semaphore_mem>>
        %dma_start3A_300 = arith.constant 0 : i32
        %dma_start3A_301 = tpu.memref_slice %arg8[%add3A_251, %dma_start3A_300] : memref<25x80xi32, #tpu.memory_space<vmem>> -> memref<1x80xi32, #tpu.memory_space<vmem>>
        %dma_start3A_302 = tpu.memref_squeeze %dma_start3A_301 : memref<1x80xi32, #tpu.memory_space<vmem>> -> memref<80xi32, #tpu.memory_space<vmem>>
        %dma_start3A_303 = arith.constant 0 : i32
        %dma_start3A_304 = arith.constant 0 : i32
        %dma_start3A_305 = tpu.memref_slice %arg13[%dma_start3A_303, %dma_start3A_304] : memref<10000x128xf32, #tpu.memory_space<vmem_shared>> -> memref<10000x128xf32, #tpu.memory_space<vmem_shared>>
        tpu.enqueue_indirect_dma source(%arg10 : memref<80x128xf32, #tpu.memory_space<vmem>>) target(%dma_start3A_305 : memref<10000x128xf32, #tpu.memory_space<vmem_shared>>) offsets(%dma_start3A_302 : memref<80xi32, #tpu.memory_space<vmem>>) semaphore(%run_scoped3A_299 : memref<!tpu.dma_semaphore, #tpu.memory_space<semaphore_mem>>) {add = true}
        %dma_wait3A_306 = arith.constant 0 : i32
        %dma_wait3A_307 = tpu.memref_slice %arg8[%add3A_251, %dma_wait3A_306] : memref<25x80xi32, #tpu.memory_space<vmem>> -> memref<1x80xi32, #tpu.memory_space<vmem>>
        %dma_wait3A_308 = tpu.memref_squeeze %dma_wait3A_307 : memref<1x80xi32, #tpu.memory_space<vmem>> -> memref<80xi32, #tpu.memory_space<vmem>>
        %dma_wait3A_309 = arith.constant 0 : i32
        %dma_wait3A_310 = arith.constant 0 : i32
        %dma_wait3A_311 = tpu.memref_slice %arg13[%dma_wait3A_309, %dma_wait3A_310] : memref<10000x128xf32, #tpu.memory_space<vmem_shared>> -> memref<10000x128xf32, #tpu.memory_space<vmem_shared>>
        tpu.wait_indirect_dma semaphore(%run_scoped3A_299 : memref<!tpu.dma_semaphore, #tpu.memory_space<semaphore_mem>>) src(%arg10 : memref<80x128xf32, #tpu.memory_space<vmem>>) dst(%dma_wait3A_311 : memref<10000x128xf32, #tpu.memory_space<vmem_shared>>)
        tpu.yield
      }) : () -> ()
      %add3A_258 = arith.constant 4 : i32
      %add3A_259 = arith.addi %add3A_251, %add3A_258 : i32
      %lt3A_260 = arith.constant 25 : i32
      %lt3A_261 = arith.cmpi slt, %add3A_259, %lt3A_260 : i32
      %convert_element_type3A_262 = arith.extui %lt3A_261 : i1 to i32
      %cond3A_263 = arith.constant 0 : i32
      %cond3A_264 = arith.cmpi ne, %convert_element_type3A_262, %cond3A_263 : i32
      scf.if %cond3A_264 {
        %dma_start3A_299 = arith.constant 0 : i32
        %dma_start3A_300 = tpu.memref_slice %arg7[%add3A_259, %dma_start3A_299] : memref<25x80xi32, #tpu.memory_space<vmem>> -> memref<1x80xi32, #tpu.memory_space<vmem>>
        %dma_start3A_301 = tpu.memref_squeeze %dma_start3A_300 : memref<1x80xi32, #tpu.memory_space<vmem>> -> memref<80xi32, #tpu.memory_space<vmem>>
        %dma_start3A_302 = arith.constant 0 : i32
        %dma_start3A_303 = arith.constant 0 : i32
        %dma_start3A_304 = tpu.memref_slice %arg4[%dma_start3A_302, %dma_start3A_303] : memref<10000x128xf32, #tpu.memory_space<hbm>> -> memref<10000x128xf32, #tpu.memory_space<hbm>>
        tpu.enqueue_indirect_dma source(%dma_start3A_304 : memref<10000x128xf32, #tpu.memory_space<hbm>>) target(%arg10 : memref<80x128xf32, #tpu.memory_space<vmem>>) offsets(%dma_start3A_301 : memref<80xi32, #tpu.memory_space<vmem>>) semaphore(%arg15 : memref<!tpu.dma_semaphore, #tpu.memory_space<semaphore_mem>>)
      } else {
      }
      %mul3A_265 = arith.constant 4 : i32
      %mul3A_266 = arith.muli %mul3A_265, %scan3A_231 : i32
      %add3A_267 = arith.constant 2 : i32
      %add3A_268 = arith.addi %mul3A_266, %add3A_267 : i32
      %dma_wait3A_269 = arith.constant 0 : i32
      %dma_wait3A_270 = tpu.memref_slice %arg7[%add3A_268, %dma_wait3A_269] : memref<25x80xi32, #tpu.memory_space<vmem>> -> memref<1x80xi32, #tpu.memory_space<vmem>>
      %dma_wait3A_271 = tpu.memref_squeeze %dma_wait3A_270 : memref<1x80xi32, #tpu.memory_space<vmem>> -> memref<80xi32, #tpu.memory_space<vmem>>
      %dma_wait3A_272 = arith.constant 0 : i32
      %dma_wait3A_273 = arith.constant 0 : i32
      %dma_wait3A_274 = tpu.memref_slice %arg4[%dma_wait3A_272, %dma_wait3A_273] : memref<10000x128xf32, #tpu.memory_space<hbm>> -> memref<10000x128xf32, #tpu.memory_space<hbm>>
      tpu.wait_indirect_dma semaphore(%arg16 : memref<!tpu.dma_semaphore, #tpu.memory_space<semaphore_mem>>) src(%dma_wait3A_274 : memref<10000x128xf32, #tpu.memory_space<hbm>>) dst(%arg11 : memref<80x128xf32, #tpu.memory_space<vmem>>)
      "tpu.region"() ({
        %run_scoped3A_299 = tpu.sem_alloc : memref<!tpu.dma_semaphore, #tpu.memory_space<semaphore_mem>>
        %dma_start3A_300 = arith.constant 0 : i32
        %dma_start3A_301 = tpu.memref_slice %arg8[%add3A_268, %dma_start3A_300] : memref<25x80xi32, #tpu.memory_space<vmem>> -> memref<1x80xi32, #tpu.memory_space<vmem>>
        %dma_start3A_302 = tpu.memref_squeeze %dma_start3A_301 : memref<1x80xi32, #tpu.memory_space<vmem>> -> memref<80xi32, #tpu.memory_space<vmem>>
        %dma_start3A_303 = arith.constant 0 : i32
        %dma_start3A_304 = arith.constant 0 : i32
        %dma_start3A_305 = tpu.memref_slice %arg13[%dma_start3A_303, %dma_start3A_304] : memref<10000x128xf32, #tpu.memory_space<vmem_shared>> -> memref<10000x128xf32, #tpu.memory_space<vmem_shared>>
        tpu.enqueue_indirect_dma source(%arg11 : memref<80x128xf32, #tpu.memory_space<vmem>>) target(%dma_start3A_305 : memref<10000x128xf32, #tpu.memory_space<vmem_shared>>) offsets(%dma_start3A_302 : memref<80xi32, #tpu.memory_space<vmem>>) semaphore(%run_scoped3A_299 : memref<!tpu.dma_semaphore, #tpu.memory_space<semaphore_mem>>) {add = true}
        %dma_wait3A_306 = arith.constant 0 : i32
        %dma_wait3A_307 = tpu.memref_slice %arg8[%add3A_268, %dma_wait3A_306] : memref<25x80xi32, #tpu.memory_space<vmem>> -> memref<1x80xi32, #tpu.memory_space<vmem>>
        %dma_wait3A_308 = tpu.memref_squeeze %dma_wait3A_307 : memref<1x80xi32, #tpu.memory_space<vmem>> -> memref<80xi32, #tpu.memory_space<vmem>>
        %dma_wait3A_309 = arith.constant 0 : i32
        %dma_wait3A_310 = arith.constant 0 : i32
        %dma_wait3A_311 = tpu.memref_slice %arg13[%dma_wait3A_309, %dma_wait3A_310] : memref<10000x128xf32, #tpu.memory_space<vmem_shared>> -> memref<10000x128xf32, #tpu.memory_space<vmem_shared>>
        tpu.wait_indirect_dma semaphore(%run_scoped3A_299 : memref<!tpu.dma_semaphore, #tpu.memory_space<semaphore_mem>>) src(%arg11 : memref<80x128xf32, #tpu.memory_space<vmem>>) dst(%dma_wait3A_311 : memref<10000x128xf32, #tpu.memory_space<vmem_shared>>)
        tpu.yield
      }) : () -> ()
      %add3A_275 = arith.constant 4 : i32
      %add3A_276 = arith.addi %add3A_268, %add3A_275 : i32
      %lt3A_277 = arith.constant 25 : i32
      %lt3A_278 = arith.cmpi slt, %add3A_276, %lt3A_277 : i32
      %convert_element_type3A_279 = arith.extui %lt3A_278 : i1 to i32
      %cond3A_280 = arith.constant 0 : i32
      %cond3A_281 = arith.cmpi ne, %convert_element_type3A_279, %cond3A_280 : i32
      scf.if %cond3A_281 {
        %dma_start3A_299 = arith.constant 0 : i32
        %dma_start3A_300 = tpu.memref_slice %arg7[%add3A_276, %dma_start3A_299] : memref<25x80xi32, #tpu.memory_space<vmem>> -> memref<1x80xi32, #tpu.memory_space<vmem>>
        %dma_start3A_301 = tpu.memref_squeeze %dma_start3A_300 : memref<1x80xi32, #tpu.memory_space<vmem>> -> memref<80xi32, #tpu.memory_space<vmem>>
        %dma_start3A_302 = arith.constant 0 : i32
        %dma_start3A_303 = arith.constant 0 : i32
        %dma_start3A_304 = tpu.memref_slice %arg4[%dma_start3A_302, %dma_start3A_303] : memref<10000x128xf32, #tpu.memory_space<hbm>> -> memref<10000x128xf32, #tpu.memory_space<hbm>>
        tpu.enqueue_indirect_dma source(%dma_start3A_304 : memref<10000x128xf32, #tpu.memory_space<hbm>>) target(%arg11 : memref<80x128xf32, #tpu.memory_space<vmem>>) offsets(%dma_start3A_301 : memref<80xi32, #tpu.memory_space<vmem>>) semaphore(%arg16 : memref<!tpu.dma_semaphore, #tpu.memory_space<semaphore_mem>>)
      } else {
      }
      %mul3A_282 = arith.constant 4 : i32
      %mul3A_283 = arith.muli %mul3A_282, %scan3A_231 : i32
      %add3A_284 = arith.constant 3 : i32
      %add3A_285 = arith.addi %mul3A_283, %add3A_284 : i32
      %dma_wait3A_286 = arith.constant 0 : i32
      %dma_wait3A_287 = tpu.memref_slice %arg7[%add3A_285, %dma_wait3A_286] : memref<25x80xi32, #tpu.memory_space<vmem>> -> memref<1x80xi32, #tpu.memory_space<vmem>>
      %dma_wait3A_288 = tpu.memref_squeeze %dma_wait3A_287 : memref<1x80xi32, #tpu.memory_space<vmem>> -> memref<80xi32, #tpu.memory_space<vmem>>
      %dma_wait3A_289 = arith.constant 0 : i32
      %dma_wait3A_290 = arith.constant 0 : i32
      %dma_wait3A_291 = tpu.memref_slice %arg4[%dma_wait3A_289, %dma_wait3A_290] : memref<10000x128xf32, #tpu.memory_space<hbm>> -> memref<10000x128xf32, #tpu.memory_space<hbm>>
      tpu.wait_indirect_dma semaphore(%arg17 : memref<!tpu.dma_semaphore, #tpu.memory_space<semaphore_mem>>) src(%dma_wait3A_291 : memref<10000x128xf32, #tpu.memory_space<hbm>>) dst(%arg12 : memref<80x128xf32, #tpu.memory_space<vmem>>)
      "tpu.region"() ({
        %run_scoped3A_299 = tpu.sem_alloc : memref<!tpu.dma_semaphore, #tpu.memory_space<semaphore_mem>>
        %dma_start3A_300 = arith.constant 0 : i32
        %dma_start3A_301 = tpu.memref_slice %arg8[%add3A_285, %dma_start3A_300] : memref<25x80xi32, #tpu.memory_space<vmem>> -> memref<1x80xi32, #tpu.memory_space<vmem>>
        %dma_start3A_302 = tpu.memref_squeeze %dma_start3A_301 : memref<1x80xi32, #tpu.memory_space<vmem>> -> memref<80xi32, #tpu.memory_space<vmem>>
        %dma_start3A_303 = arith.constant 0 : i32
        %dma_start3A_304 = arith.constant 0 : i32
        %dma_start3A_305 = tpu.memref_slice %arg13[%dma_start3A_303, %dma_start3A_304] : memref<10000x128xf32, #tpu.memory_space<vmem_shared>> -> memref<10000x128xf32, #tpu.memory_space<vmem_shared>>
        tpu.enqueue_indirect_dma source(%arg12 : memref<80x128xf32, #tpu.memory_space<vmem>>) target(%dma_start3A_305 : memref<10000x128xf32, #tpu.memory_space<vmem_shared>>) offsets(%dma_start3A_302 : memref<80xi32, #tpu.memory_space<vmem>>) semaphore(%run_scoped3A_299 : memref<!tpu.dma_semaphore, #tpu.memory_space<semaphore_mem>>) {add = true}
        %dma_wait3A_306 = arith.constant 0 : i32
        %dma_wait3A_307 = tpu.memref_slice %arg8[%add3A_285, %dma_wait3A_306] : memref<25x80xi32, #tpu.memory_space<vmem>> -> memref<1x80xi32, #tpu.memory_space<vmem>>
        %dma_wait3A_308 = tpu.memref_squeeze %dma_wait3A_307 : memref<1x80xi32, #tpu.memory_space<vmem>> -> memref<80xi32, #tpu.memory_space<vmem>>
        %dma_wait3A_309 = arith.constant 0 : i32
        %dma_wait3A_310 = arith.constant 0 : i32
        %dma_wait3A_311 = tpu.memref_slice %arg13[%dma_wait3A_309, %dma_wait3A_310] : memref<10000x128xf32, #tpu.memory_space<vmem_shared>> -> memref<10000x128xf32, #tpu.memory_space<vmem_shared>>
        tpu.wait_indirect_dma semaphore(%run_scoped3A_299 : memref<!tpu.dma_semaphore, #tpu.memory_space<semaphore_mem>>) src(%arg12 : memref<80x128xf32, #tpu.memory_space<vmem>>) dst(%dma_wait3A_311 : memref<10000x128xf32, #tpu.memory_space<vmem_shared>>)
        tpu.yield
      }) : () -> ()
      %add3A_292 = arith.constant 4 : i32
      %add3A_293 = arith.addi %add3A_285, %add3A_292 : i32
      %lt3A_294 = arith.constant 25 : i32
      %lt3A_295 = arith.cmpi slt, %add3A_293, %lt3A_294 : i32
      %convert_element_type3A_296 = arith.extui %lt3A_295 : i1 to i32
      %cond3A_297 = arith.constant 0 : i32
      %cond3A_298 = arith.cmpi ne, %convert_element_type3A_296, %cond3A_297 : i32
      scf.if %cond3A_298 {
        %dma_start3A_299 = arith.constant 0 : i32
        %dma_start3A_300 = tpu.memref_slice %arg7[%add3A_293, %dma_start3A_299] : memref<25x80xi32, #tpu.memory_space<vmem>> -> memref<1x80xi32, #tpu.memory_space<vmem>>
        %dma_start3A_301 = tpu.memref_squeeze %dma_start3A_300 : memref<1x80xi32, #tpu.memory_space<vmem>> -> memref<80xi32, #tpu.memory_space<vmem>>
        %dma_start3A_302 = arith.constant 0 : i32
        %dma_start3A_303 = arith.constant 0 : i32
        %dma_start3A_304 = tpu.memref_slice %arg4[%dma_start3A_302, %dma_start3A_303] : memref<10000x128xf32, #tpu.memory_space<hbm>> -> memref<10000x128xf32, #tpu.memory_space<hbm>>
        tpu.enqueue_indirect_dma source(%dma_start3A_304 : memref<10000x128xf32, #tpu.memory_space<hbm>>) target(%arg12 : memref<80x128xf32, #tpu.memory_space<vmem>>) offsets(%dma_start3A_301 : memref<80xi32, #tpu.memory_space<vmem>>) semaphore(%arg17 : memref<!tpu.dma_semaphore, #tpu.memory_space<semaphore_mem>>)
      } else {
      }
    }
    %scan3A_80 = arith.constant 6 : i32
    %dma_wait3A_81 = arith.constant 24 : i32
    %dma_wait3A_82 = arith.constant 0 : i32
    %dma_wait3A_83 = tpu.memref_slice %arg7[%dma_wait3A_81, %dma_wait3A_82] : memref<25x80xi32, #tpu.memory_space<vmem>> -> memref<1x80xi32, #tpu.memory_space<vmem>>
    %dma_wait3A_84 = tpu.memref_squeeze %dma_wait3A_83 : memref<1x80xi32, #tpu.memory_space<vmem>> -> memref<80xi32, #tpu.memory_space<vmem>>
    %dma_wait3A_85 = arith.constant 0 : i32
    %dma_wait3A_86 = arith.constant 0 : i32
    %dma_wait3A_87 = tpu.memref_slice %arg4[%dma_wait3A_85, %dma_wait3A_86] : memref<10000x128xf32, #tpu.memory_space<hbm>> -> memref<10000x128xf32, #tpu.memory_space<hbm>>
    tpu.wait_indirect_dma semaphore(%arg14 : memref<!tpu.dma_semaphore, #tpu.memory_space<semaphore_mem>>) src(%dma_wait3A_87 : memref<10000x128xf32, #tpu.memory_space<hbm>>) dst(%arg9 : memref<80x128xf32, #tpu.memory_space<vmem>>)
    %run_scoped3A_88 = arith.constant 24 : i32
    "tpu.region"() ({
      %run_scoped3A_231 = tpu.sem_alloc : memref<!tpu.dma_semaphore, #tpu.memory_space<semaphore_mem>>
      %dma_start3A_232 = arith.constant 0 : i32
      %dma_start3A_233 = tpu.memref_slice %arg8[%run_scoped3A_88, %dma_start3A_232] : memref<25x80xi32, #tpu.memory_space<vmem>> -> memref<1x80xi32, #tpu.memory_space<vmem>>
      %dma_start3A_234 = tpu.memref_squeeze %dma_start3A_233 : memref<1x80xi32, #tpu.memory_space<vmem>> -> memref<80xi32, #tpu.memory_space<vmem>>
      %dma_start3A_235 = arith.constant 0 : i32
      %dma_start3A_236 = arith.constant 0 : i32
      %dma_start3A_237 = tpu.memref_slice %arg13[%dma_start3A_235, %dma_start3A_236] : memref<10000x128xf32, #tpu.memory_space<vmem_shared>> -> memref<10000x128xf32, #tpu.memory_space<vmem_shared>>
      tpu.enqueue_indirect_dma source(%arg9 : memref<80x128xf32, #tpu.memory_space<vmem>>) target(%dma_start3A_237 : memref<10000x128xf32, #tpu.memory_space<vmem_shared>>) offsets(%dma_start3A_234 : memref<80xi32, #tpu.memory_space<vmem>>) semaphore(%run_scoped3A_231 : memref<!tpu.dma_semaphore, #tpu.memory_space<semaphore_mem>>) {add = true}
      %dma_wait3A_238 = arith.constant 0 : i32
      %dma_wait3A_239 = tpu.memref_slice %arg8[%run_scoped3A_88, %dma_wait3A_238] : memref<25x80xi32, #tpu.memory_space<vmem>> -> memref<1x80xi32, #tpu.memory_space<vmem>>
      %dma_wait3A_240 = tpu.memref_squeeze %dma_wait3A_239 : memref<1x80xi32, #tpu.memory_space<vmem>> -> memref<80xi32, #tpu.memory_space<vmem>>
      %dma_wait3A_241 = arith.constant 0 : i32
      %dma_wait3A_242 = arith.constant 0 : i32
      %dma_wait3A_243 = tpu.memref_slice %arg13[%dma_wait3A_241, %dma_wait3A_242] : memref<10000x128xf32, #tpu.memory_space<vmem_shared>> -> memref<10000x128xf32, #tpu.memory_space<vmem_shared>>
      tpu.wait_indirect_dma semaphore(%run_scoped3A_231 : memref<!tpu.dma_semaphore, #tpu.memory_space<semaphore_mem>>) src(%arg9 : memref<80x128xf32, #tpu.memory_space<vmem>>) dst(%dma_wait3A_243 : memref<10000x128xf32, #tpu.memory_space<vmem_shared>>)
      tpu.yield
    }) : () -> ()
    %run_scoped3A_89 = arith.constant 2 : i32
    "tpu.region"() ({
      %run_scoped3A_231 = tpu.sem_alloc : memref<!tpu.dma_semaphore, #tpu.memory_space<semaphore_mem>>
      %dma_start3A_232 = arith.constant 0 : i32
      %dma_start3A_233 = arith.constant 0 : i32
      %dma_start3A_234 = tpu.memref_slice %arg2[%add3A, %run_scoped3A_89, %dma_start3A_232, %dma_start3A_233] : memref<32x5x25x80xi32, #tpu.memory_space<hbm>> -> memref<1x1x25x80xi32, #tpu.memory_space<hbm>>
      %dma_start3A_235 = tpu.memref_squeeze %dma_start3A_234 : memref<1x1x25x80xi32, #tpu.memory_space<hbm>> -> memref<25x80xi32, #tpu.memory_space<hbm>>
      %dma_start3A_236 = arith.constant 0 : i32
      %dma_start3A_237 = arith.constant 0 : i32
      %dma_start3A_238 = tpu.memref_slice %arg2[%add3A, %run_scoped3A_89, %dma_start3A_236, %dma_start3A_237] : memref<32x5x25x80xi32, #tpu.memory_space<hbm>> -> memref<1x1x25x80xi32, #tpu.memory_space<hbm>>
      %dma_start3A_239 = tpu.memref_squeeze %dma_start3A_238 : memref<1x1x25x80xi32, #tpu.memory_space<hbm>> -> memref<25x80xi32, #tpu.memory_space<hbm>>
      tpu.enqueue_dma source(%dma_start3A_239 : memref<25x80xi32, #tpu.memory_space<hbm>>) target(%arg7 : memref<25x80xi32, #tpu.memory_space<vmem>>) target_semaphore(%run_scoped3A_231 : memref<!tpu.dma_semaphore, #tpu.memory_space<semaphore_mem>>)
      %dma_wait3A_240 = arith.constant 0 : i32
      %dma_wait3A_241 = arith.constant 0 : i32
      %dma_wait3A_242 = tpu.memref_slice %arg2[%add3A, %run_scoped3A_89, %dma_wait3A_240, %dma_wait3A_241] : memref<32x5x25x80xi32, #tpu.memory_space<hbm>> -> memref<1x1x25x80xi32, #tpu.memory_space<hbm>>
      %dma_wait3A_243 = tpu.memref_squeeze %dma_wait3A_242 : memref<1x1x25x80xi32, #tpu.memory_space<hbm>> -> memref<25x80xi32, #tpu.memory_space<hbm>>
      %dma_wait3A_244 = arith.constant 0 : i32
      %dma_wait3A_245 = arith.constant 0 : i32
      %dma_wait3A_246 = tpu.memref_slice %arg2[%add3A, %run_scoped3A_89, %dma_wait3A_244, %dma_wait3A_245] : memref<32x5x25x80xi32, #tpu.memory_space<hbm>> -> memref<1x1x25x80xi32, #tpu.memory_space<hbm>>
      %dma_wait3A_247 = tpu.memref_squeeze %dma_wait3A_246 : memref<1x1x25x80xi32, #tpu.memory_space<hbm>> -> memref<25x80xi32, #tpu.memory_space<hbm>>
      tpu.wait_dma2 semaphore(%run_scoped3A_231 : memref<!tpu.dma_semaphore, #tpu.memory_space<semaphore_mem>>) src(%dma_wait3A_247 : memref<25x80xi32, #tpu.memory_space<hbm>>) dst(%arg7 : memref<25x80xi32, #tpu.memory_space<vmem>>)
      tpu.yield
    }) : () -> ()
    %run_scoped3A_90 = arith.constant 2 : i32
    "tpu.region"() ({
      %run_scoped3A_231 = tpu.sem_alloc : memref<!tpu.dma_semaphore, #tpu.memory_space<semaphore_mem>>
      %dma_start3A_232 = arith.constant 0 : i32
      %dma_start3A_233 = arith.constant 0 : i32
      %dma_start3A_234 = tpu.memref_slice %arg3[%add3A, %run_scoped3A_90, %dma_start3A_232, %dma_start3A_233] : memref<32x5x25x80xi32, #tpu.memory_space<hbm>> -> memref<1x1x25x80xi32, #tpu.memory_space<hbm>>
      %dma_start3A_235 = tpu.memref_squeeze %dma_start3A_234 : memref<1x1x25x80xi32, #tpu.memory_space<hbm>> -> memref<25x80xi32, #tpu.memory_space<hbm>>
      %dma_start3A_236 = arith.constant 0 : i32
      %dma_start3A_237 = arith.constant 0 : i32
      %dma_start3A_238 = tpu.memref_slice %arg3[%add3A, %run_scoped3A_90, %dma_start3A_236, %dma_start3A_237] : memref<32x5x25x80xi32, #tpu.memory_space<hbm>> -> memref<1x1x25x80xi32, #tpu.memory_space<hbm>>
      %dma_start3A_239 = tpu.memref_squeeze %dma_start3A_238 : memref<1x1x25x80xi32, #tpu.memory_space<hbm>> -> memref<25x80xi32, #tpu.memory_space<hbm>>
      tpu.enqueue_dma source(%dma_start3A_239 : memref<25x80xi32, #tpu.memory_space<hbm>>) target(%arg8 : memref<25x80xi32, #tpu.memory_space<vmem>>) target_semaphore(%run_scoped3A_231 : memref<!tpu.dma_semaphore, #tpu.memory_space<semaphore_mem>>)
      %dma_wait3A_240 = arith.constant 0 : i32
      %dma_wait3A_241 = arith.constant 0 : i32
      %dma_wait3A_242 = tpu.memref_slice %arg3[%add3A, %run_scoped3A_90, %dma_wait3A_240, %dma_wait3A_241] : memref<32x5x25x80xi32, #tpu.memory_space<hbm>> -> memref<1x1x25x80xi32, #tpu.memory_space<hbm>>
      %dma_wait3A_243 = tpu.memref_squeeze %dma_wait3A_242 : memref<1x1x25x80xi32, #tpu.memory_space<hbm>> -> memref<25x80xi32, #tpu.memory_space<hbm>>
      %dma_wait3A_244 = arith.constant 0 : i32
      %dma_wait3A_245 = arith.constant 0 : i32
      %dma_wait3A_246 = tpu.memref_slice %arg3[%add3A, %run_scoped3A_90, %dma_wait3A_244, %dma_wait3A_245] : memref<32x5x25x80xi32, #tpu.memory_space<hbm>> -> memref<1x1x25x80xi32, #tpu.memory_space<hbm>>
      %dma_wait3A_247 = tpu.memref_squeeze %dma_wait3A_246 : memref<1x1x25x80xi32, #tpu.memory_space<hbm>> -> memref<25x80xi32, #tpu.memory_space<hbm>>
      tpu.wait_dma2 semaphore(%run_scoped3A_231 : memref<!tpu.dma_semaphore, #tpu.memory_space<semaphore_mem>>) src(%dma_wait3A_247 : memref<25x80xi32, #tpu.memory_space<hbm>>) dst(%arg8 : memref<25x80xi32, #tpu.memory_space<vmem>>)
      tpu.yield
    }) : () -> ()
    %dma_start3A_91 = arith.constant 0 : i32
    %dma_start3A_92 = arith.constant 0 : i32
    %dma_start3A_93 = tpu.memref_slice %arg7[%dma_start3A_91, %dma_start3A_92] : memref<25x80xi32, #tpu.memory_space<vmem>> -> memref<1x80xi32, #tpu.memory_space<vmem>>
    %dma_start3A_94 = tpu.memref_squeeze %dma_start3A_93 : memref<1x80xi32, #tpu.memory_space<vmem>> -> memref<80xi32, #tpu.memory_space<vmem>>
    %dma_start3A_95 = arith.constant 0 : i32
    %dma_start3A_96 = arith.constant 0 : i32
    %dma_start3A_97 = tpu.memref_slice %arg4[%dma_start3A_95, %dma_start3A_96] : memref<10000x128xf32, #tpu.memory_space<hbm>> -> memref<10000x128xf32, #tpu.memory_space<hbm>>
    tpu.enqueue_indirect_dma source(%dma_start3A_97 : memref<10000x128xf32, #tpu.memory_space<hbm>>) target(%arg9 : memref<80x128xf32, #tpu.memory_space<vmem>>) offsets(%dma_start3A_94 : memref<80xi32, #tpu.memory_space<vmem>>) semaphore(%arg14 : memref<!tpu.dma_semaphore, #tpu.memory_space<semaphore_mem>>)
    %dma_start3A_98 = arith.constant 1 : i32
    %dma_start3A_99 = arith.constant 0 : i32
    %dma_start3A_100 = tpu.memref_slice %arg7[%dma_start3A_98, %dma_start3A_99] : memref<25x80xi32, #tpu.memory_space<vmem>> -> memref<1x80xi32, #tpu.memory_space<vmem>>
    %dma_start3A_101 = tpu.memref_squeeze %dma_start3A_100 : memref<1x80xi32, #tpu.memory_space<vmem>> -> memref<80xi32, #tpu.memory_space<vmem>>
    %dma_start3A_102 = arith.constant 0 : i32
    %dma_start3A_103 = arith.constant 0 : i32
    %dma_start3A_104 = tpu.memref_slice %arg4[%dma_start3A_102, %dma_start3A_103] : memref<10000x128xf32, #tpu.memory_space<hbm>> -> memref<10000x128xf32, #tpu.memory_space<hbm>>
    tpu.enqueue_indirect_dma source(%dma_start3A_104 : memref<10000x128xf32, #tpu.memory_space<hbm>>) target(%arg10 : memref<80x128xf32, #tpu.memory_space<vmem>>) offsets(%dma_start3A_101 : memref<80xi32, #tpu.memory_space<vmem>>) semaphore(%arg15 : memref<!tpu.dma_semaphore, #tpu.memory_space<semaphore_mem>>)
    %dma_start3A_105 = arith.constant 2 : i32
    %dma_start3A_106 = arith.constant 0 : i32
    %dma_start3A_107 = tpu.memref_slice %arg7[%dma_start3A_105, %dma_start3A_106] : memref<25x80xi32, #tpu.memory_space<vmem>> -> memref<1x80xi32, #tpu.memory_space<vmem>>
    %dma_start3A_108 = tpu.memref_squeeze %dma_start3A_107 : memref<1x80xi32, #tpu.memory_space<vmem>> -> memref<80xi32, #tpu.memory_space<vmem>>
    %dma_start3A_109 = arith.constant 0 : i32
    %dma_start3A_110 = arith.constant 0 : i32
    %dma_start3A_111 = tpu.memref_slice %arg4[%dma_start3A_109, %dma_start3A_110] : memref<10000x128xf32, #tpu.memory_space<hbm>> -> memref<10000x128xf32, #tpu.memory_space<hbm>>
    tpu.enqueue_indirect_dma source(%dma_start3A_111 : memref<10000x128xf32, #tpu.memory_space<hbm>>) target(%arg11 : memref<80x128xf32, #tpu.memory_space<vmem>>) offsets(%dma_start3A_108 : memref<80xi32, #tpu.memory_space<vmem>>) semaphore(%arg16 : memref<!tpu.dma_semaphore, #tpu.memory_space<semaphore_mem>>)
    %dma_start3A_112 = arith.constant 3 : i32
    %dma_start3A_113 = arith.constant 0 : i32
    %dma_start3A_114 = tpu.memref_slice %arg7[%dma_start3A_112, %dma_start3A_113] : memref<25x80xi32, #tpu.memory_space<vmem>> -> memref<1x80xi32, #tpu.memory_space<vmem>>
    %dma_start3A_115 = tpu.memref_squeeze %dma_start3A_114 : memref<1x80xi32, #tpu.memory_space<vmem>> -> memref<80xi32, #tpu.memory_space<vmem>>
    %dma_start3A_116 = arith.constant 0 : i32
    %dma_start3A_117 = arith.constant 0 : i32
    %dma_start3A_118 = tpu.memref_slice %arg4[%dma_start3A_116, %dma_start3A_117] : memref<10000x128xf32, #tpu.memory_space<hbm>> -> memref<10000x128xf32, #tpu.memory_space<hbm>>
    tpu.enqueue_indirect_dma source(%dma_start3A_118 : memref<10000x128xf32, #tpu.memory_space<hbm>>) target(%arg12 : memref<80x128xf32, #tpu.memory_space<vmem>>) offsets(%dma_start3A_115 : memref<80xi32, #tpu.memory_space<vmem>>) semaphore(%arg17 : memref<!tpu.dma_semaphore, #tpu.memory_space<semaphore_mem>>)
    %scan3A_119 = arith.constant 0 : i32
    %scan3A_120 = arith.constant 0 : i32
    %scan3A_121 = arith.constant 6 : i32
    %scan3A_122 = arith.addi %scan3A_120, %scan3A_121 : i32
    %scan3A_123 = arith.constant 1 : i32
    scf.for %scan3A_231 = %scan3A_120 to %scan3A_122 step %scan3A_123  : i32 {
      %mul3A_232 = arith.constant 4 : i32
      %mul3A_233 = arith.muli %mul3A_232, %scan3A_231 : i32
      %add3A_234 = arith.constant 0 : i32
      %add3A_235 = arith.addi %mul3A_233, %add3A_234 : i32
      %dma_wait3A_236 = arith.constant 0 : i32
      %dma_wait3A_237 = tpu.memref_slice %arg7[%add3A_235, %dma_wait3A_236] : memref<25x80xi32, #tpu.memory_space<vmem>> -> memref<1x80xi32, #tpu.memory_space<vmem>>
      %dma_wait3A_238 = tpu.memref_squeeze %dma_wait3A_237 : memref<1x80xi32, #tpu.memory_space<vmem>> -> memref<80xi32, #tpu.memory_space<vmem>>
      %dma_wait3A_239 = arith.constant 0 : i32
      %dma_wait3A_240 = arith.constant 0 : i32
      %dma_wait3A_241 = tpu.memref_slice %arg4[%dma_wait3A_239, %dma_wait3A_240] : memref<10000x128xf32, #tpu.memory_space<hbm>> -> memref<10000x128xf32, #tpu.memory_space<hbm>>
      tpu.wait_indirect_dma semaphore(%arg14 : memref<!tpu.dma_semaphore, #tpu.memory_space<semaphore_mem>>) src(%dma_wait3A_241 : memref<10000x128xf32, #tpu.memory_space<hbm>>) dst(%arg9 : memref<80x128xf32, #tpu.memory_space<vmem>>)
      "tpu.region"() ({
        %run_scoped3A_299 = tpu.sem_alloc : memref<!tpu.dma_semaphore, #tpu.memory_space<semaphore_mem>>
        %dma_start3A_300 = arith.constant 0 : i32
        %dma_start3A_301 = tpu.memref_slice %arg8[%add3A_235, %dma_start3A_300] : memref<25x80xi32, #tpu.memory_space<vmem>> -> memref<1x80xi32, #tpu.memory_space<vmem>>
        %dma_start3A_302 = tpu.memref_squeeze %dma_start3A_301 : memref<1x80xi32, #tpu.memory_space<vmem>> -> memref<80xi32, #tpu.memory_space<vmem>>
        %dma_start3A_303 = arith.constant 0 : i32
        %dma_start3A_304 = arith.constant 0 : i32
        %dma_start3A_305 = tpu.memref_slice %arg13[%dma_start3A_303, %dma_start3A_304] : memref<10000x128xf32, #tpu.memory_space<vmem_shared>> -> memref<10000x128xf32, #tpu.memory_space<vmem_shared>>
        tpu.enqueue_indirect_dma source(%arg9 : memref<80x128xf32, #tpu.memory_space<vmem>>) target(%dma_start3A_305 : memref<10000x128xf32, #tpu.memory_space<vmem_shared>>) offsets(%dma_start3A_302 : memref<80xi32, #tpu.memory_space<vmem>>) semaphore(%run_scoped3A_299 : memref<!tpu.dma_semaphore, #tpu.memory_space<semaphore_mem>>) {add = true}
        %dma_wait3A_306 = arith.constant 0 : i32
        %dma_wait3A_307 = tpu.memref_slice %arg8[%add3A_235, %dma_wait3A_306] : memref<25x80xi32, #tpu.memory_space<vmem>> -> memref<1x80xi32, #tpu.memory_space<vmem>>
        %dma_wait3A_308 = tpu.memref_squeeze %dma_wait3A_307 : memref<1x80xi32, #tpu.memory_space<vmem>> -> memref<80xi32, #tpu.memory_space<vmem>>
        %dma_wait3A_309 = arith.constant 0 : i32
        %dma_wait3A_310 = arith.constant 0 : i32
        %dma_wait3A_311 = tpu.memref_slice %arg13[%dma_wait3A_309, %dma_wait3A_310] : memref<10000x128xf32, #tpu.memory_space<vmem_shared>> -> memref<10000x128xf32, #tpu.memory_space<vmem_shared>>
        tpu.wait_indirect_dma semaphore(%run_scoped3A_299 : memref<!tpu.dma_semaphore, #tpu.memory_space<semaphore_mem>>) src(%arg9 : memref<80x128xf32, #tpu.memory_space<vmem>>) dst(%dma_wait3A_311 : memref<10000x128xf32, #tpu.memory_space<vmem_shared>>)
        tpu.yield
      }) : () -> ()
      %add3A_242 = arith.constant 4 : i32
      %add3A_243 = arith.addi %add3A_235, %add3A_242 : i32
      %lt3A = arith.constant 25 : i32
      %lt3A_244 = arith.cmpi slt, %add3A_243, %lt3A : i32
      %convert_element_type3A_245 = arith.extui %lt3A_244 : i1 to i32
      %cond3A_246 = arith.constant 0 : i32
      %cond3A_247 = arith.cmpi ne, %convert_element_type3A_245, %cond3A_246 : i32
      scf.if %cond3A_247 {
        %dma_start3A_299 = arith.constant 0 : i32
        %dma_start3A_300 = tpu.memref_slice %arg7[%add3A_243, %dma_start3A_299] : memref<25x80xi32, #tpu.memory_space<vmem>> -> memref<1x80xi32, #tpu.memory_space<vmem>>
        %dma_start3A_301 = tpu.memref_squeeze %dma_start3A_300 : memref<1x80xi32, #tpu.memory_space<vmem>> -> memref<80xi32, #tpu.memory_space<vmem>>
        %dma_start3A_302 = arith.constant 0 : i32
        %dma_start3A_303 = arith.constant 0 : i32
        %dma_start3A_304 = tpu.memref_slice %arg4[%dma_start3A_302, %dma_start3A_303] : memref<10000x128xf32, #tpu.memory_space<hbm>> -> memref<10000x128xf32, #tpu.memory_space<hbm>>
        tpu.enqueue_indirect_dma source(%dma_start3A_304 : memref<10000x128xf32, #tpu.memory_space<hbm>>) target(%arg9 : memref<80x128xf32, #tpu.memory_space<vmem>>) offsets(%dma_start3A_301 : memref<80xi32, #tpu.memory_space<vmem>>) semaphore(%arg14 : memref<!tpu.dma_semaphore, #tpu.memory_space<semaphore_mem>>)
      } else {
      }
      %mul3A_248 = arith.constant 4 : i32
      %mul3A_249 = arith.muli %mul3A_248, %scan3A_231 : i32
      %add3A_250 = arith.constant 1 : i32
      %add3A_251 = arith.addi %mul3A_249, %add3A_250 : i32
      %dma_wait3A_252 = arith.constant 0 : i32
      %dma_wait3A_253 = tpu.memref_slice %arg7[%add3A_251, %dma_wait3A_252] : memref<25x80xi32, #tpu.memory_space<vmem>> -> memref<1x80xi32, #tpu.memory_space<vmem>>
      %dma_wait3A_254 = tpu.memref_squeeze %dma_wait3A_253 : memref<1x80xi32, #tpu.memory_space<vmem>> -> memref<80xi32, #tpu.memory_space<vmem>>
      %dma_wait3A_255 = arith.constant 0 : i32
      %dma_wait3A_256 = arith.constant 0 : i32
      %dma_wait3A_257 = tpu.memref_slice %arg4[%dma_wait3A_255, %dma_wait3A_256] : memref<10000x128xf32, #tpu.memory_space<hbm>> -> memref<10000x128xf32, #tpu.memory_space<hbm>>
      tpu.wait_indirect_dma semaphore(%arg15 : memref<!tpu.dma_semaphore, #tpu.memory_space<semaphore_mem>>) src(%dma_wait3A_257 : memref<10000x128xf32, #tpu.memory_space<hbm>>) dst(%arg10 : memref<80x128xf32, #tpu.memory_space<vmem>>)
      "tpu.region"() ({
        %run_scoped3A_299 = tpu.sem_alloc : memref<!tpu.dma_semaphore, #tpu.memory_space<semaphore_mem>>
        %dma_start3A_300 = arith.constant 0 : i32
        %dma_start3A_301 = tpu.memref_slice %arg8[%add3A_251, %dma_start3A_300] : memref<25x80xi32, #tpu.memory_space<vmem>> -> memref<1x80xi32, #tpu.memory_space<vmem>>
        %dma_start3A_302 = tpu.memref_squeeze %dma_start3A_301 : memref<1x80xi32, #tpu.memory_space<vmem>> -> memref<80xi32, #tpu.memory_space<vmem>>
        %dma_start3A_303 = arith.constant 0 : i32
        %dma_start3A_304 = arith.constant 0 : i32
        %dma_start3A_305 = tpu.memref_slice %arg13[%dma_start3A_303, %dma_start3A_304] : memref<10000x128xf32, #tpu.memory_space<vmem_shared>> -> memref<10000x128xf32, #tpu.memory_space<vmem_shared>>
        tpu.enqueue_indirect_dma source(%arg10 : memref<80x128xf32, #tpu.memory_space<vmem>>) target(%dma_start3A_305 : memref<10000x128xf32, #tpu.memory_space<vmem_shared>>) offsets(%dma_start3A_302 : memref<80xi32, #tpu.memory_space<vmem>>) semaphore(%run_scoped3A_299 : memref<!tpu.dma_semaphore, #tpu.memory_space<semaphore_mem>>) {add = true}
        %dma_wait3A_306 = arith.constant 0 : i32
        %dma_wait3A_307 = tpu.memref_slice %arg8[%add3A_251, %dma_wait3A_306] : memref<25x80xi32, #tpu.memory_space<vmem>> -> memref<1x80xi32, #tpu.memory_space<vmem>>
        %dma_wait3A_308 = tpu.memref_squeeze %dma_wait3A_307 : memref<1x80xi32, #tpu.memory_space<vmem>> -> memref<80xi32, #tpu.memory_space<vmem>>
        %dma_wait3A_309 = arith.constant 0 : i32
        %dma_wait3A_310 = arith.constant 0 : i32
        %dma_wait3A_311 = tpu.memref_slice %arg13[%dma_wait3A_309, %dma_wait3A_310] : memref<10000x128xf32, #tpu.memory_space<vmem_shared>> -> memref<10000x128xf32, #tpu.memory_space<vmem_shared>>
        tpu.wait_indirect_dma semaphore(%run_scoped3A_299 : memref<!tpu.dma_semaphore, #tpu.memory_space<semaphore_mem>>) src(%arg10 : memref<80x128xf32, #tpu.memory_space<vmem>>) dst(%dma_wait3A_311 : memref<10000x128xf32, #tpu.memory_space<vmem_shared>>)
        tpu.yield
      }) : () -> ()
      %add3A_258 = arith.constant 4 : i32
      %add3A_259 = arith.addi %add3A_251, %add3A_258 : i32
      %lt3A_260 = arith.constant 25 : i32
      %lt3A_261 = arith.cmpi slt, %add3A_259, %lt3A_260 : i32
      %convert_element_type3A_262 = arith.extui %lt3A_261 : i1 to i32
      %cond3A_263 = arith.constant 0 : i32
      %cond3A_264 = arith.cmpi ne, %convert_element_type3A_262, %cond3A_263 : i32
      scf.if %cond3A_264 {
        %dma_start3A_299 = arith.constant 0 : i32
        %dma_start3A_300 = tpu.memref_slice %arg7[%add3A_259, %dma_start3A_299] : memref<25x80xi32, #tpu.memory_space<vmem>> -> memref<1x80xi32, #tpu.memory_space<vmem>>
        %dma_start3A_301 = tpu.memref_squeeze %dma_start3A_300 : memref<1x80xi32, #tpu.memory_space<vmem>> -> memref<80xi32, #tpu.memory_space<vmem>>
        %dma_start3A_302 = arith.constant 0 : i32
        %dma_start3A_303 = arith.constant 0 : i32
        %dma_start3A_304 = tpu.memref_slice %arg4[%dma_start3A_302, %dma_start3A_303] : memref<10000x128xf32, #tpu.memory_space<hbm>> -> memref<10000x128xf32, #tpu.memory_space<hbm>>
        tpu.enqueue_indirect_dma source(%dma_start3A_304 : memref<10000x128xf32, #tpu.memory_space<hbm>>) target(%arg10 : memref<80x128xf32, #tpu.memory_space<vmem>>) offsets(%dma_start3A_301 : memref<80xi32, #tpu.memory_space<vmem>>) semaphore(%arg15 : memref<!tpu.dma_semaphore, #tpu.memory_space<semaphore_mem>>)
      } else {
      }
      %mul3A_265 = arith.constant 4 : i32
      %mul3A_266 = arith.muli %mul3A_265, %scan3A_231 : i32
      %add3A_267 = arith.constant 2 : i32
      %add3A_268 = arith.addi %mul3A_266, %add3A_267 : i32
      %dma_wait3A_269 = arith.constant 0 : i32
      %dma_wait3A_270 = tpu.memref_slice %arg7[%add3A_268, %dma_wait3A_269] : memref<25x80xi32, #tpu.memory_space<vmem>> -> memref<1x80xi32, #tpu.memory_space<vmem>>
      %dma_wait3A_271 = tpu.memref_squeeze %dma_wait3A_270 : memref<1x80xi32, #tpu.memory_space<vmem>> -> memref<80xi32, #tpu.memory_space<vmem>>
      %dma_wait3A_272 = arith.constant 0 : i32
      %dma_wait3A_273 = arith.constant 0 : i32
      %dma_wait3A_274 = tpu.memref_slice %arg4[%dma_wait3A_272, %dma_wait3A_273] : memref<10000x128xf32, #tpu.memory_space<hbm>> -> memref<10000x128xf32, #tpu.memory_space<hbm>>
      tpu.wait_indirect_dma semaphore(%arg16 : memref<!tpu.dma_semaphore, #tpu.memory_space<semaphore_mem>>) src(%dma_wait3A_274 : memref<10000x128xf32, #tpu.memory_space<hbm>>) dst(%arg11 : memref<80x128xf32, #tpu.memory_space<vmem>>)
      "tpu.region"() ({
        %run_scoped3A_299 = tpu.sem_alloc : memref<!tpu.dma_semaphore, #tpu.memory_space<semaphore_mem>>
        %dma_start3A_300 = arith.constant 0 : i32
        %dma_start3A_301 = tpu.memref_slice %arg8[%add3A_268, %dma_start3A_300] : memref<25x80xi32, #tpu.memory_space<vmem>> -> memref<1x80xi32, #tpu.memory_space<vmem>>
        %dma_start3A_302 = tpu.memref_squeeze %dma_start3A_301 : memref<1x80xi32, #tpu.memory_space<vmem>> -> memref<80xi32, #tpu.memory_space<vmem>>
        %dma_start3A_303 = arith.constant 0 : i32
        %dma_start3A_304 = arith.constant 0 : i32
        %dma_start3A_305 = tpu.memref_slice %arg13[%dma_start3A_303, %dma_start3A_304] : memref<10000x128xf32, #tpu.memory_space<vmem_shared>> -> memref<10000x128xf32, #tpu.memory_space<vmem_shared>>
        tpu.enqueue_indirect_dma source(%arg11 : memref<80x128xf32, #tpu.memory_space<vmem>>) target(%dma_start3A_305 : memref<10000x128xf32, #tpu.memory_space<vmem_shared>>) offsets(%dma_start3A_302 : memref<80xi32, #tpu.memory_space<vmem>>) semaphore(%run_scoped3A_299 : memref<!tpu.dma_semaphore, #tpu.memory_space<semaphore_mem>>) {add = true}
        %dma_wait3A_306 = arith.constant 0 : i32
        %dma_wait3A_307 = tpu.memref_slice %arg8[%add3A_268, %dma_wait3A_306] : memref<25x80xi32, #tpu.memory_space<vmem>> -> memref<1x80xi32, #tpu.memory_space<vmem>>
        %dma_wait3A_308 = tpu.memref_squeeze %dma_wait3A_307 : memref<1x80xi32, #tpu.memory_space<vmem>> -> memref<80xi32, #tpu.memory_space<vmem>>
        %dma_wait3A_309 = arith.constant 0 : i32
        %dma_wait3A_310 = arith.constant 0 : i32
        %dma_wait3A_311 = tpu.memref_slice %arg13[%dma_wait3A_309, %dma_wait3A_310] : memref<10000x128xf32, #tpu.memory_space<vmem_shared>> -> memref<10000x128xf32, #tpu.memory_space<vmem_shared>>
        tpu.wait_indirect_dma semaphore(%run_scoped3A_299 : memref<!tpu.dma_semaphore, #tpu.memory_space<semaphore_mem>>) src(%arg11 : memref<80x128xf32, #tpu.memory_space<vmem>>) dst(%dma_wait3A_311 : memref<10000x128xf32, #tpu.memory_space<vmem_shared>>)
        tpu.yield
      }) : () -> ()
      %add3A_275 = arith.constant 4 : i32
      %add3A_276 = arith.addi %add3A_268, %add3A_275 : i32
      %lt3A_277 = arith.constant 25 : i32
      %lt3A_278 = arith.cmpi slt, %add3A_276, %lt3A_277 : i32
      %convert_element_type3A_279 = arith.extui %lt3A_278 : i1 to i32
      %cond3A_280 = arith.constant 0 : i32
      %cond3A_281 = arith.cmpi ne, %convert_element_type3A_279, %cond3A_280 : i32
      scf.if %cond3A_281 {
        %dma_start3A_299 = arith.constant 0 : i32
        %dma_start3A_300 = tpu.memref_slice %arg7[%add3A_276, %dma_start3A_299] : memref<25x80xi32, #tpu.memory_space<vmem>> -> memref<1x80xi32, #tpu.memory_space<vmem>>
        %dma_start3A_301 = tpu.memref_squeeze %dma_start3A_300 : memref<1x80xi32, #tpu.memory_space<vmem>> -> memref<80xi32, #tpu.memory_space<vmem>>
        %dma_start3A_302 = arith.constant 0 : i32
        %dma_start3A_303 = arith.constant 0 : i32
        %dma_start3A_304 = tpu.memref_slice %arg4[%dma_start3A_302, %dma_start3A_303] : memref<10000x128xf32, #tpu.memory_space<hbm>> -> memref<10000x128xf32, #tpu.memory_space<hbm>>
        tpu.enqueue_indirect_dma source(%dma_start3A_304 : memref<10000x128xf32, #tpu.memory_space<hbm>>) target(%arg11 : memref<80x128xf32, #tpu.memory_space<vmem>>) offsets(%dma_start3A_301 : memref<80xi32, #tpu.memory_space<vmem>>) semaphore(%arg16 : memref<!tpu.dma_semaphore, #tpu.memory_space<semaphore_mem>>)
      } else {
      }
      %mul3A_282 = arith.constant 4 : i32
      %mul3A_283 = arith.muli %mul3A_282, %scan3A_231 : i32
      %add3A_284 = arith.constant 3 : i32
      %add3A_285 = arith.addi %mul3A_283, %add3A_284 : i32
      %dma_wait3A_286 = arith.constant 0 : i32
      %dma_wait3A_287 = tpu.memref_slice %arg7[%add3A_285, %dma_wait3A_286] : memref<25x80xi32, #tpu.memory_space<vmem>> -> memref<1x80xi32, #tpu.memory_space<vmem>>
      %dma_wait3A_288 = tpu.memref_squeeze %dma_wait3A_287 : memref<1x80xi32, #tpu.memory_space<vmem>> -> memref<80xi32, #tpu.memory_space<vmem>>
      %dma_wait3A_289 = arith.constant 0 : i32
      %dma_wait3A_290 = arith.constant 0 : i32
      %dma_wait3A_291 = tpu.memref_slice %arg4[%dma_wait3A_289, %dma_wait3A_290] : memref<10000x128xf32, #tpu.memory_space<hbm>> -> memref<10000x128xf32, #tpu.memory_space<hbm>>
      tpu.wait_indirect_dma semaphore(%arg17 : memref<!tpu.dma_semaphore, #tpu.memory_space<semaphore_mem>>) src(%dma_wait3A_291 : memref<10000x128xf32, #tpu.memory_space<hbm>>) dst(%arg12 : memref<80x128xf32, #tpu.memory_space<vmem>>)
      "tpu.region"() ({
        %run_scoped3A_299 = tpu.sem_alloc : memref<!tpu.dma_semaphore, #tpu.memory_space<semaphore_mem>>
        %dma_start3A_300 = arith.constant 0 : i32
        %dma_start3A_301 = tpu.memref_slice %arg8[%add3A_285, %dma_start3A_300] : memref<25x80xi32, #tpu.memory_space<vmem>> -> memref<1x80xi32, #tpu.memory_space<vmem>>
        %dma_start3A_302 = tpu.memref_squeeze %dma_start3A_301 : memref<1x80xi32, #tpu.memory_space<vmem>> -> memref<80xi32, #tpu.memory_space<vmem>>
        %dma_start3A_303 = arith.constant 0 : i32
        %dma_start3A_304 = arith.constant 0 : i32
        %dma_start3A_305 = tpu.memref_slice %arg13[%dma_start3A_303, %dma_start3A_304] : memref<10000x128xf32, #tpu.memory_space<vmem_shared>> -> memref<10000x128xf32, #tpu.memory_space<vmem_shared>>
        tpu.enqueue_indirect_dma source(%arg12 : memref<80x128xf32, #tpu.memory_space<vmem>>) target(%dma_start3A_305 : memref<10000x128xf32, #tpu.memory_space<vmem_shared>>) offsets(%dma_start3A_302 : memref<80xi32, #tpu.memory_space<vmem>>) semaphore(%run_scoped3A_299 : memref<!tpu.dma_semaphore, #tpu.memory_space<semaphore_mem>>) {add = true}
        %dma_wait3A_306 = arith.constant 0 : i32
        %dma_wait3A_307 = tpu.memref_slice %arg8[%add3A_285, %dma_wait3A_306] : memref<25x80xi32, #tpu.memory_space<vmem>> -> memref<1x80xi32, #tpu.memory_space<vmem>>
        %dma_wait3A_308 = tpu.memref_squeeze %dma_wait3A_307 : memref<1x80xi32, #tpu.memory_space<vmem>> -> memref<80xi32, #tpu.memory_space<vmem>>
        %dma_wait3A_309 = arith.constant 0 : i32
        %dma_wait3A_310 = arith.constant 0 : i32
        %dma_wait3A_311 = tpu.memref_slice %arg13[%dma_wait3A_309, %dma_wait3A_310] : memref<10000x128xf32, #tpu.memory_space<vmem_shared>> -> memref<10000x128xf32, #tpu.memory_space<vmem_shared>>
        tpu.wait_indirect_dma semaphore(%run_scoped3A_299 : memref<!tpu.dma_semaphore, #tpu.memory_space<semaphore_mem>>) src(%arg12 : memref<80x128xf32, #tpu.memory_space<vmem>>) dst(%dma_wait3A_311 : memref<10000x128xf32, #tpu.memory_space<vmem_shared>>)
        tpu.yield
      }) : () -> ()
      %add3A_292 = arith.constant 4 : i32
      %add3A_293 = arith.addi %add3A_285, %add3A_292 : i32
      %lt3A_294 = arith.constant 25 : i32
      %lt3A_295 = arith.cmpi slt, %add3A_293, %lt3A_294 : i32
      %convert_element_type3A_296 = arith.extui %lt3A_295 : i1 to i32
      %cond3A_297 = arith.constant 0 : i32
      %cond3A_298 = arith.cmpi ne, %convert_element_type3A_296, %cond3A_297 : i32
      scf.if %cond3A_298 {
        %dma_start3A_299 = arith.constant 0 : i32
        %dma_start3A_300 = tpu.memref_slice %arg7[%add3A_293, %dma_start3A_299] : memref<25x80xi32, #tpu.memory_space<vmem>> -> memref<1x80xi32, #tpu.memory_space<vmem>>
        %dma_start3A_301 = tpu.memref_squeeze %dma_start3A_300 : memref<1x80xi32, #tpu.memory_space<vmem>> -> memref<80xi32, #tpu.memory_space<vmem>>
        %dma_start3A_302 = arith.constant 0 : i32
        %dma_start3A_303 = arith.constant 0 : i32
        %dma_start3A_304 = tpu.memref_slice %arg4[%dma_start3A_302, %dma_start3A_303] : memref<10000x128xf32, #tpu.memory_space<hbm>> -> memref<10000x128xf32, #tpu.memory_space<hbm>>
        tpu.enqueue_indirect_dma source(%dma_start3A_304 : memref<10000x128xf32, #tpu.memory_space<hbm>>) target(%arg12 : memref<80x128xf32, #tpu.memory_space<vmem>>) offsets(%dma_start3A_301 : memref<80xi32, #tpu.memory_space<vmem>>) semaphore(%arg17 : memref<!tpu.dma_semaphore, #tpu.memory_space<semaphore_mem>>)
      } else {
      }
    }
    %scan3A_124 = arith.constant 6 : i32
    %dma_wait3A_125 = arith.constant 24 : i32
    %dma_wait3A_126 = arith.constant 0 : i32
    %dma_wait3A_127 = tpu.memref_slice %arg7[%dma_wait3A_125, %dma_wait3A_126] : memref<25x80xi32, #tpu.memory_space<vmem>> -> memref<1x80xi32, #tpu.memory_space<vmem>>
    %dma_wait3A_128 = tpu.memref_squeeze %dma_wait3A_127 : memref<1x80xi32, #tpu.memory_space<vmem>> -> memref<80xi32, #tpu.memory_space<vmem>>
    %dma_wait3A_129 = arith.constant 0 : i32
    %dma_wait3A_130 = arith.constant 0 : i32
    %dma_wait3A_131 = tpu.memref_slice %arg4[%dma_wait3A_129, %dma_wait3A_130] : memref<10000x128xf32, #tpu.memory_space<hbm>> -> memref<10000x128xf32, #tpu.memory_space<hbm>>
    tpu.wait_indirect_dma semaphore(%arg14 : memref<!tpu.dma_semaphore, #tpu.memory_space<semaphore_mem>>) src(%dma_wait3A_131 : memref<10000x128xf32, #tpu.memory_space<hbm>>) dst(%arg9 : memref<80x128xf32, #tpu.memory_space<vmem>>)
    %run_scoped3A_132 = arith.constant 24 : i32
    "tpu.region"() ({
      %run_scoped3A_231 = tpu.sem_alloc : memref<!tpu.dma_semaphore, #tpu.memory_space<semaphore_mem>>
      %dma_start3A_232 = arith.constant 0 : i32
      %dma_start3A_233 = tpu.memref_slice %arg8[%run_scoped3A_132, %dma_start3A_232] : memref<25x80xi32, #tpu.memory_space<vmem>> -> memref<1x80xi32, #tpu.memory_space<vmem>>
      %dma_start3A_234 = tpu.memref_squeeze %dma_start3A_233 : memref<1x80xi32, #tpu.memory_space<vmem>> -> memref<80xi32, #tpu.memory_space<vmem>>
      %dma_start3A_235 = arith.constant 0 : i32
      %dma_start3A_236 = arith.constant 0 : i32
      %dma_start3A_237 = tpu.memref_slice %arg13[%dma_start3A_235, %dma_start3A_236] : memref<10000x128xf32, #tpu.memory_space<vmem_shared>> -> memref<10000x128xf32, #tpu.memory_space<vmem_shared>>
      tpu.enqueue_indirect_dma source(%arg9 : memref<80x128xf32, #tpu.memory_space<vmem>>) target(%dma_start3A_237 : memref<10000x128xf32, #tpu.memory_space<vmem_shared>>) offsets(%dma_start3A_234 : memref<80xi32, #tpu.memory_space<vmem>>) semaphore(%run_scoped3A_231 : memref<!tpu.dma_semaphore, #tpu.memory_space<semaphore_mem>>) {add = true}
      %dma_wait3A_238 = arith.constant 0 : i32
      %dma_wait3A_239 = tpu.memref_slice %arg8[%run_scoped3A_132, %dma_wait3A_238] : memref<25x80xi32, #tpu.memory_space<vmem>> -> memref<1x80xi32, #tpu.memory_space<vmem>>
      %dma_wait3A_240 = tpu.memref_squeeze %dma_wait3A_239 : memref<1x80xi32, #tpu.memory_space<vmem>> -> memref<80xi32, #tpu.memory_space<vmem>>
      %dma_wait3A_241 = arith.constant 0 : i32
      %dma_wait3A_242 = arith.constant 0 : i32
      %dma_wait3A_243 = tpu.memref_slice %arg13[%dma_wait3A_241, %dma_wait3A_242] : memref<10000x128xf32, #tpu.memory_space<vmem_shared>> -> memref<10000x128xf32, #tpu.memory_space<vmem_shared>>
      tpu.wait_indirect_dma semaphore(%run_scoped3A_231 : memref<!tpu.dma_semaphore, #tpu.memory_space<semaphore_mem>>) src(%arg9 : memref<80x128xf32, #tpu.memory_space<vmem>>) dst(%dma_wait3A_243 : memref<10000x128xf32, #tpu.memory_space<vmem_shared>>)
      tpu.yield
    }) : () -> ()
    %run_scoped3A_133 = arith.constant 3 : i32
    "tpu.region"() ({
      %run_scoped3A_231 = tpu.sem_alloc : memref<!tpu.dma_semaphore, #tpu.memory_space<semaphore_mem>>
      %dma_start3A_232 = arith.constant 0 : i32
      %dma_start3A_233 = arith.constant 0 : i32
      %dma_start3A_234 = tpu.memref_slice %arg2[%add3A, %run_scoped3A_133, %dma_start3A_232, %dma_start3A_233] : memref<32x5x25x80xi32, #tpu.memory_space<hbm>> -> memref<1x1x25x80xi32, #tpu.memory_space<hbm>>
      %dma_start3A_235 = tpu.memref_squeeze %dma_start3A_234 : memref<1x1x25x80xi32, #tpu.memory_space<hbm>> -> memref<25x80xi32, #tpu.memory_space<hbm>>
      %dma_start3A_236 = arith.constant 0 : i32
      %dma_start3A_237 = arith.constant 0 : i32
      %dma_start3A_238 = tpu.memref_slice %arg2[%add3A, %run_scoped3A_133, %dma_start3A_236, %dma_start3A_237] : memref<32x5x25x80xi32, #tpu.memory_space<hbm>> -> memref<1x1x25x80xi32, #tpu.memory_space<hbm>>
      %dma_start3A_239 = tpu.memref_squeeze %dma_start3A_238 : memref<1x1x25x80xi32, #tpu.memory_space<hbm>> -> memref<25x80xi32, #tpu.memory_space<hbm>>
      tpu.enqueue_dma source(%dma_start3A_239 : memref<25x80xi32, #tpu.memory_space<hbm>>) target(%arg7 : memref<25x80xi32, #tpu.memory_space<vmem>>) target_semaphore(%run_scoped3A_231 : memref<!tpu.dma_semaphore, #tpu.memory_space<semaphore_mem>>)
      %dma_wait3A_240 = arith.constant 0 : i32
      %dma_wait3A_241 = arith.constant 0 : i32
      %dma_wait3A_242 = tpu.memref_slice %arg2[%add3A, %run_scoped3A_133, %dma_wait3A_240, %dma_wait3A_241] : memref<32x5x25x80xi32, #tpu.memory_space<hbm>> -> memref<1x1x25x80xi32, #tpu.memory_space<hbm>>
      %dma_wait3A_243 = tpu.memref_squeeze %dma_wait3A_242 : memref<1x1x25x80xi32, #tpu.memory_space<hbm>> -> memref<25x80xi32, #tpu.memory_space<hbm>>
      %dma_wait3A_244 = arith.constant 0 : i32
      %dma_wait3A_245 = arith.constant 0 : i32
      %dma_wait3A_246 = tpu.memref_slice %arg2[%add3A, %run_scoped3A_133, %dma_wait3A_244, %dma_wait3A_245] : memref<32x5x25x80xi32, #tpu.memory_space<hbm>> -> memref<1x1x25x80xi32, #tpu.memory_space<hbm>>
      %dma_wait3A_247 = tpu.memref_squeeze %dma_wait3A_246 : memref<1x1x25x80xi32, #tpu.memory_space<hbm>> -> memref<25x80xi32, #tpu.memory_space<hbm>>
      tpu.wait_dma2 semaphore(%run_scoped3A_231 : memref<!tpu.dma_semaphore, #tpu.memory_space<semaphore_mem>>) src(%dma_wait3A_247 : memref<25x80xi32, #tpu.memory_space<hbm>>) dst(%arg7 : memref<25x80xi32, #tpu.memory_space<vmem>>)
      tpu.yield
    }) : () -> ()
    %run_scoped3A_134 = arith.constant 3 : i32
    "tpu.region"() ({
      %run_scoped3A_231 = tpu.sem_alloc : memref<!tpu.dma_semaphore, #tpu.memory_space<semaphore_mem>>
      %dma_start3A_232 = arith.constant 0 : i32
      %dma_start3A_233 = arith.constant 0 : i32
      %dma_start3A_234 = tpu.memref_slice %arg3[%add3A, %run_scoped3A_134, %dma_start3A_232, %dma_start3A_233] : memref<32x5x25x80xi32, #tpu.memory_space<hbm>> -> memref<1x1x25x80xi32, #tpu.memory_space<hbm>>
      %dma_start3A_235 = tpu.memref_squeeze %dma_start3A_234 : memref<1x1x25x80xi32, #tpu.memory_space<hbm>> -> memref<25x80xi32, #tpu.memory_space<hbm>>
      %dma_start3A_236 = arith.constant 0 : i32
      %dma_start3A_237 = arith.constant 0 : i32
      %dma_start3A_238 = tpu.memref_slice %arg3[%add3A, %run_scoped3A_134, %dma_start3A_236, %dma_start3A_237] : memref<32x5x25x80xi32, #tpu.memory_space<hbm>> -> memref<1x1x25x80xi32, #tpu.memory_space<hbm>>
      %dma_start3A_239 = tpu.memref_squeeze %dma_start3A_238 : memref<1x1x25x80xi32, #tpu.memory_space<hbm>> -> memref<25x80xi32, #tpu.memory_space<hbm>>
      tpu.enqueue_dma source(%dma_start3A_239 : memref<25x80xi32, #tpu.memory_space<hbm>>) target(%arg8 : memref<25x80xi32, #tpu.memory_space<vmem>>) target_semaphore(%run_scoped3A_231 : memref<!tpu.dma_semaphore, #tpu.memory_space<semaphore_mem>>)
      %dma_wait3A_240 = arith.constant 0 : i32
      %dma_wait3A_241 = arith.constant 0 : i32
      %dma_wait3A_242 = tpu.memref_slice %arg3[%add3A, %run_scoped3A_134, %dma_wait3A_240, %dma_wait3A_241] : memref<32x5x25x80xi32, #tpu.memory_space<hbm>> -> memref<1x1x25x80xi32, #tpu.memory_space<hbm>>
      %dma_wait3A_243 = tpu.memref_squeeze %dma_wait3A_242 : memref<1x1x25x80xi32, #tpu.memory_space<hbm>> -> memref<25x80xi32, #tpu.memory_space<hbm>>
      %dma_wait3A_244 = arith.constant 0 : i32
      %dma_wait3A_245 = arith.constant 0 : i32
      %dma_wait3A_246 = tpu.memref_slice %arg3[%add3A, %run_scoped3A_134, %dma_wait3A_244, %dma_wait3A_245] : memref<32x5x25x80xi32, #tpu.memory_space<hbm>> -> memref<1x1x25x80xi32, #tpu.memory_space<hbm>>
      %dma_wait3A_247 = tpu.memref_squeeze %dma_wait3A_246 : memref<1x1x25x80xi32, #tpu.memory_space<hbm>> -> memref<25x80xi32, #tpu.memory_space<hbm>>
      tpu.wait_dma2 semaphore(%run_scoped3A_231 : memref<!tpu.dma_semaphore, #tpu.memory_space<semaphore_mem>>) src(%dma_wait3A_247 : memref<25x80xi32, #tpu.memory_space<hbm>>) dst(%arg8 : memref<25x80xi32, #tpu.memory_space<vmem>>)
      tpu.yield
    }) : () -> ()
    %dma_start3A_135 = arith.constant 0 : i32
    %dma_start3A_136 = arith.constant 0 : i32
    %dma_start3A_137 = tpu.memref_slice %arg7[%dma_start3A_135, %dma_start3A_136] : memref<25x80xi32, #tpu.memory_space<vmem>> -> memref<1x80xi32, #tpu.memory_space<vmem>>
    %dma_start3A_138 = tpu.memref_squeeze %dma_start3A_137 : memref<1x80xi32, #tpu.memory_space<vmem>> -> memref<80xi32, #tpu.memory_space<vmem>>
    %dma_start3A_139 = arith.constant 0 : i32
    %dma_start3A_140 = arith.constant 0 : i32
    %dma_start3A_141 = tpu.memref_slice %arg4[%dma_start3A_139, %dma_start3A_140] : memref<10000x128xf32, #tpu.memory_space<hbm>> -> memref<10000x128xf32, #tpu.memory_space<hbm>>
    tpu.enqueue_indirect_dma source(%dma_start3A_141 : memref<10000x128xf32, #tpu.memory_space<hbm>>) target(%arg9 : memref<80x128xf32, #tpu.memory_space<vmem>>) offsets(%dma_start3A_138 : memref<80xi32, #tpu.memory_space<vmem>>) semaphore(%arg14 : memref<!tpu.dma_semaphore, #tpu.memory_space<semaphore_mem>>)
    %dma_start3A_142 = arith.constant 1 : i32
    %dma_start3A_143 = arith.constant 0 : i32
    %dma_start3A_144 = tpu.memref_slice %arg7[%dma_start3A_142, %dma_start3A_143] : memref<25x80xi32, #tpu.memory_space<vmem>> -> memref<1x80xi32, #tpu.memory_space<vmem>>
    %dma_start3A_145 = tpu.memref_squeeze %dma_start3A_144 : memref<1x80xi32, #tpu.memory_space<vmem>> -> memref<80xi32, #tpu.memory_space<vmem>>
    %dma_start3A_146 = arith.constant 0 : i32
    %dma_start3A_147 = arith.constant 0 : i32
    %dma_start3A_148 = tpu.memref_slice %arg4[%dma_start3A_146, %dma_start3A_147] : memref<10000x128xf32, #tpu.memory_space<hbm>> -> memref<10000x128xf32, #tpu.memory_space<hbm>>
    tpu.enqueue_indirect_dma source(%dma_start3A_148 : memref<10000x128xf32, #tpu.memory_space<hbm>>) target(%arg10 : memref<80x128xf32, #tpu.memory_space<vmem>>) offsets(%dma_start3A_145 : memref<80xi32, #tpu.memory_space<vmem>>) semaphore(%arg15 : memref<!tpu.dma_semaphore, #tpu.memory_space<semaphore_mem>>)
    %dma_start3A_149 = arith.constant 2 : i32
    %dma_start3A_150 = arith.constant 0 : i32
    %dma_start3A_151 = tpu.memref_slice %arg7[%dma_start3A_149, %dma_start3A_150] : memref<25x80xi32, #tpu.memory_space<vmem>> -> memref<1x80xi32, #tpu.memory_space<vmem>>
    %dma_start3A_152 = tpu.memref_squeeze %dma_start3A_151 : memref<1x80xi32, #tpu.memory_space<vmem>> -> memref<80xi32, #tpu.memory_space<vmem>>
    %dma_start3A_153 = arith.constant 0 : i32
    %dma_start3A_154 = arith.constant 0 : i32
    %dma_start3A_155 = tpu.memref_slice %arg4[%dma_start3A_153, %dma_start3A_154] : memref<10000x128xf32, #tpu.memory_space<hbm>> -> memref<10000x128xf32, #tpu.memory_space<hbm>>
    tpu.enqueue_indirect_dma source(%dma_start3A_155 : memref<10000x128xf32, #tpu.memory_space<hbm>>) target(%arg11 : memref<80x128xf32, #tpu.memory_space<vmem>>) offsets(%dma_start3A_152 : memref<80xi32, #tpu.memory_space<vmem>>) semaphore(%arg16 : memref<!tpu.dma_semaphore, #tpu.memory_space<semaphore_mem>>)
    %dma_start3A_156 = arith.constant 3 : i32
    %dma_start3A_157 = arith.constant 0 : i32
    %dma_start3A_158 = tpu.memref_slice %arg7[%dma_start3A_156, %dma_start3A_157] : memref<25x80xi32, #tpu.memory_space<vmem>> -> memref<1x80xi32, #tpu.memory_space<vmem>>
    %dma_start3A_159 = tpu.memref_squeeze %dma_start3A_158 : memref<1x80xi32, #tpu.memory_space<vmem>> -> memref<80xi32, #tpu.memory_space<vmem>>
    %dma_start3A_160 = arith.constant 0 : i32
    %dma_start3A_161 = arith.constant 0 : i32
    %dma_start3A_162 = tpu.memref_slice %arg4[%dma_start3A_160, %dma_start3A_161] : memref<10000x128xf32, #tpu.memory_space<hbm>> -> memref<10000x128xf32, #tpu.memory_space<hbm>>
    tpu.enqueue_indirect_dma source(%dma_start3A_162 : memref<10000x128xf32, #tpu.memory_space<hbm>>) target(%arg12 : memref<80x128xf32, #tpu.memory_space<vmem>>) offsets(%dma_start3A_159 : memref<80xi32, #tpu.memory_space<vmem>>) semaphore(%arg17 : memref<!tpu.dma_semaphore, #tpu.memory_space<semaphore_mem>>)
    %scan3A_163 = arith.constant 0 : i32
    %scan3A_164 = arith.constant 0 : i32
    %scan3A_165 = arith.constant 6 : i32
    %scan3A_166 = arith.addi %scan3A_164, %scan3A_165 : i32
    %scan3A_167 = arith.constant 1 : i32
    scf.for %scan3A_231 = %scan3A_164 to %scan3A_166 step %scan3A_167  : i32 {
      %mul3A_232 = arith.constant 4 : i32
      %mul3A_233 = arith.muli %mul3A_232, %scan3A_231 : i32
      %add3A_234 = arith.constant 0 : i32
      %add3A_235 = arith.addi %mul3A_233, %add3A_234 : i32
      %dma_wait3A_236 = arith.constant 0 : i32
      %dma_wait3A_237 = tpu.memref_slice %arg7[%add3A_235, %dma_wait3A_236] : memref<25x80xi32, #tpu.memory_space<vmem>> -> memref<1x80xi32, #tpu.memory_space<vmem>>
      %dma_wait3A_238 = tpu.memref_squeeze %dma_wait3A_237 : memref<1x80xi32, #tpu.memory_space<vmem>> -> memref<80xi32, #tpu.memory_space<vmem>>
      %dma_wait3A_239 = arith.constant 0 : i32
      %dma_wait3A_240 = arith.constant 0 : i32
      %dma_wait3A_241 = tpu.memref_slice %arg4[%dma_wait3A_239, %dma_wait3A_240] : memref<10000x128xf32, #tpu.memory_space<hbm>> -> memref<10000x128xf32, #tpu.memory_space<hbm>>
      tpu.wait_indirect_dma semaphore(%arg14 : memref<!tpu.dma_semaphore, #tpu.memory_space<semaphore_mem>>) src(%dma_wait3A_241 : memref<10000x128xf32, #tpu.memory_space<hbm>>) dst(%arg9 : memref<80x128xf32, #tpu.memory_space<vmem>>)
      "tpu.region"() ({
        %run_scoped3A_299 = tpu.sem_alloc : memref<!tpu.dma_semaphore, #tpu.memory_space<semaphore_mem>>
        %dma_start3A_300 = arith.constant 0 : i32
        %dma_start3A_301 = tpu.memref_slice %arg8[%add3A_235, %dma_start3A_300] : memref<25x80xi32, #tpu.memory_space<vmem>> -> memref<1x80xi32, #tpu.memory_space<vmem>>
        %dma_start3A_302 = tpu.memref_squeeze %dma_start3A_301 : memref<1x80xi32, #tpu.memory_space<vmem>> -> memref<80xi32, #tpu.memory_space<vmem>>
        %dma_start3A_303 = arith.constant 0 : i32
        %dma_start3A_304 = arith.constant 0 : i32
        %dma_start3A_305 = tpu.memref_slice %arg13[%dma_start3A_303, %dma_start3A_304] : memref<10000x128xf32, #tpu.memory_space<vmem_shared>> -> memref<10000x128xf32, #tpu.memory_space<vmem_shared>>
        tpu.enqueue_indirect_dma source(%arg9 : memref<80x128xf32, #tpu.memory_space<vmem>>) target(%dma_start3A_305 : memref<10000x128xf32, #tpu.memory_space<vmem_shared>>) offsets(%dma_start3A_302 : memref<80xi32, #tpu.memory_space<vmem>>) semaphore(%run_scoped3A_299 : memref<!tpu.dma_semaphore, #tpu.memory_space<semaphore_mem>>) {add = true}
        %dma_wait3A_306 = arith.constant 0 : i32
        %dma_wait3A_307 = tpu.memref_slice %arg8[%add3A_235, %dma_wait3A_306] : memref<25x80xi32, #tpu.memory_space<vmem>> -> memref<1x80xi32, #tpu.memory_space<vmem>>
        %dma_wait3A_308 = tpu.memref_squeeze %dma_wait3A_307 : memref<1x80xi32, #tpu.memory_space<vmem>> -> memref<80xi32, #tpu.memory_space<vmem>>
        %dma_wait3A_309 = arith.constant 0 : i32
        %dma_wait3A_310 = arith.constant 0 : i32
        %dma_wait3A_311 = tpu.memref_slice %arg13[%dma_wait3A_309, %dma_wait3A_310] : memref<10000x128xf32, #tpu.memory_space<vmem_shared>> -> memref<10000x128xf32, #tpu.memory_space<vmem_shared>>
        tpu.wait_indirect_dma semaphore(%run_scoped3A_299 : memref<!tpu.dma_semaphore, #tpu.memory_space<semaphore_mem>>) src(%arg9 : memref<80x128xf32, #tpu.memory_space<vmem>>) dst(%dma_wait3A_311 : memref<10000x128xf32, #tpu.memory_space<vmem_shared>>)
        tpu.yield
      }) : () -> ()
      %add3A_242 = arith.constant 4 : i32
      %add3A_243 = arith.addi %add3A_235, %add3A_242 : i32
      %lt3A = arith.constant 25 : i32
      %lt3A_244 = arith.cmpi slt, %add3A_243, %lt3A : i32
      %convert_element_type3A_245 = arith.extui %lt3A_244 : i1 to i32
      %cond3A_246 = arith.constant 0 : i32
      %cond3A_247 = arith.cmpi ne, %convert_element_type3A_245, %cond3A_246 : i32
      scf.if %cond3A_247 {
        %dma_start3A_299 = arith.constant 0 : i32
        %dma_start3A_300 = tpu.memref_slice %arg7[%add3A_243, %dma_start3A_299] : memref<25x80xi32, #tpu.memory_space<vmem>> -> memref<1x80xi32, #tpu.memory_space<vmem>>
        %dma_start3A_301 = tpu.memref_squeeze %dma_start3A_300 : memref<1x80xi32, #tpu.memory_space<vmem>> -> memref<80xi32, #tpu.memory_space<vmem>>
        %dma_start3A_302 = arith.constant 0 : i32
        %dma_start3A_303 = arith.constant 0 : i32
        %dma_start3A_304 = tpu.memref_slice %arg4[%dma_start3A_302, %dma_start3A_303] : memref<10000x128xf32, #tpu.memory_space<hbm>> -> memref<10000x128xf32, #tpu.memory_space<hbm>>
        tpu.enqueue_indirect_dma source(%dma_start3A_304 : memref<10000x128xf32, #tpu.memory_space<hbm>>) target(%arg9 : memref<80x128xf32, #tpu.memory_space<vmem>>) offsets(%dma_start3A_301 : memref<80xi32, #tpu.memory_space<vmem>>) semaphore(%arg14 : memref<!tpu.dma_semaphore, #tpu.memory_space<semaphore_mem>>)
      } else {
      }
      %mul3A_248 = arith.constant 4 : i32
      %mul3A_249 = arith.muli %mul3A_248, %scan3A_231 : i32
      %add3A_250 = arith.constant 1 : i32
      %add3A_251 = arith.addi %mul3A_249, %add3A_250 : i32
      %dma_wait3A_252 = arith.constant 0 : i32
      %dma_wait3A_253 = tpu.memref_slice %arg7[%add3A_251, %dma_wait3A_252] : memref<25x80xi32, #tpu.memory_space<vmem>> -> memref<1x80xi32, #tpu.memory_space<vmem>>
      %dma_wait3A_254 = tpu.memref_squeeze %dma_wait3A_253 : memref<1x80xi32, #tpu.memory_space<vmem>> -> memref<80xi32, #tpu.memory_space<vmem>>
      %dma_wait3A_255 = arith.constant 0 : i32
      %dma_wait3A_256 = arith.constant 0 : i32
      %dma_wait3A_257 = tpu.memref_slice %arg4[%dma_wait3A_255, %dma_wait3A_256] : memref<10000x128xf32, #tpu.memory_space<hbm>> -> memref<10000x128xf32, #tpu.memory_space<hbm>>
      tpu.wait_indirect_dma semaphore(%arg15 : memref<!tpu.dma_semaphore, #tpu.memory_space<semaphore_mem>>) src(%dma_wait3A_257 : memref<10000x128xf32, #tpu.memory_space<hbm>>) dst(%arg10 : memref<80x128xf32, #tpu.memory_space<vmem>>)
      "tpu.region"() ({
        %run_scoped3A_299 = tpu.sem_alloc : memref<!tpu.dma_semaphore, #tpu.memory_space<semaphore_mem>>
        %dma_start3A_300 = arith.constant 0 : i32
        %dma_start3A_301 = tpu.memref_slice %arg8[%add3A_251, %dma_start3A_300] : memref<25x80xi32, #tpu.memory_space<vmem>> -> memref<1x80xi32, #tpu.memory_space<vmem>>
        %dma_start3A_302 = tpu.memref_squeeze %dma_start3A_301 : memref<1x80xi32, #tpu.memory_space<vmem>> -> memref<80xi32, #tpu.memory_space<vmem>>
        %dma_start3A_303 = arith.constant 0 : i32
        %dma_start3A_304 = arith.constant 0 : i32
        %dma_start3A_305 = tpu.memref_slice %arg13[%dma_start3A_303, %dma_start3A_304] : memref<10000x128xf32, #tpu.memory_space<vmem_shared>> -> memref<10000x128xf32, #tpu.memory_space<vmem_shared>>
        tpu.enqueue_indirect_dma source(%arg10 : memref<80x128xf32, #tpu.memory_space<vmem>>) target(%dma_start3A_305 : memref<10000x128xf32, #tpu.memory_space<vmem_shared>>) offsets(%dma_start3A_302 : memref<80xi32, #tpu.memory_space<vmem>>) semaphore(%run_scoped3A_299 : memref<!tpu.dma_semaphore, #tpu.memory_space<semaphore_mem>>) {add = true}
        %dma_wait3A_306 = arith.constant 0 : i32
        %dma_wait3A_307 = tpu.memref_slice %arg8[%add3A_251, %dma_wait3A_306] : memref<25x80xi32, #tpu.memory_space<vmem>> -> memref<1x80xi32, #tpu.memory_space<vmem>>
        %dma_wait3A_308 = tpu.memref_squeeze %dma_wait3A_307 : memref<1x80xi32, #tpu.memory_space<vmem>> -> memref<80xi32, #tpu.memory_space<vmem>>
        %dma_wait3A_309 = arith.constant 0 : i32
        %dma_wait3A_310 = arith.constant 0 : i32
        %dma_wait3A_311 = tpu.memref_slice %arg13[%dma_wait3A_309, %dma_wait3A_310] : memref<10000x128xf32, #tpu.memory_space<vmem_shared>> -> memref<10000x128xf32, #tpu.memory_space<vmem_shared>>
        tpu.wait_indirect_dma semaphore(%run_scoped3A_299 : memref<!tpu.dma_semaphore, #tpu.memory_space<semaphore_mem>>) src(%arg10 : memref<80x128xf32, #tpu.memory_space<vmem>>) dst(%dma_wait3A_311 : memref<10000x128xf32, #tpu.memory_space<vmem_shared>>)
        tpu.yield
      }) : () -> ()
      %add3A_258 = arith.constant 4 : i32
      %add3A_259 = arith.addi %add3A_251, %add3A_258 : i32
      %lt3A_260 = arith.constant 25 : i32
      %lt3A_261 = arith.cmpi slt, %add3A_259, %lt3A_260 : i32
      %convert_element_type3A_262 = arith.extui %lt3A_261 : i1 to i32
      %cond3A_263 = arith.constant 0 : i32
      %cond3A_264 = arith.cmpi ne, %convert_element_type3A_262, %cond3A_263 : i32
      scf.if %cond3A_264 {
        %dma_start3A_299 = arith.constant 0 : i32
        %dma_start3A_300 = tpu.memref_slice %arg7[%add3A_259, %dma_start3A_299] : memref<25x80xi32, #tpu.memory_space<vmem>> -> memref<1x80xi32, #tpu.memory_space<vmem>>
        %dma_start3A_301 = tpu.memref_squeeze %dma_start3A_300 : memref<1x80xi32, #tpu.memory_space<vmem>> -> memref<80xi32, #tpu.memory_space<vmem>>
        %dma_start3A_302 = arith.constant 0 : i32
        %dma_start3A_303 = arith.constant 0 : i32
        %dma_start3A_304 = tpu.memref_slice %arg4[%dma_start3A_302, %dma_start3A_303] : memref<10000x128xf32, #tpu.memory_space<hbm>> -> memref<10000x128xf32, #tpu.memory_space<hbm>>
        tpu.enqueue_indirect_dma source(%dma_start3A_304 : memref<10000x128xf32, #tpu.memory_space<hbm>>) target(%arg10 : memref<80x128xf32, #tpu.memory_space<vmem>>) offsets(%dma_start3A_301 : memref<80xi32, #tpu.memory_space<vmem>>) semaphore(%arg15 : memref<!tpu.dma_semaphore, #tpu.memory_space<semaphore_mem>>)
      } else {
      }
      %mul3A_265 = arith.constant 4 : i32
      %mul3A_266 = arith.muli %mul3A_265, %scan3A_231 : i32
      %add3A_267 = arith.constant 2 : i32
      %add3A_268 = arith.addi %mul3A_266, %add3A_267 : i32
      %dma_wait3A_269 = arith.constant 0 : i32
      %dma_wait3A_270 = tpu.memref_slice %arg7[%add3A_268, %dma_wait3A_269] : memref<25x80xi32, #tpu.memory_space<vmem>> -> memref<1x80xi32, #tpu.memory_space<vmem>>
      %dma_wait3A_271 = tpu.memref_squeeze %dma_wait3A_270 : memref<1x80xi32, #tpu.memory_space<vmem>> -> memref<80xi32, #tpu.memory_space<vmem>>
      %dma_wait3A_272 = arith.constant 0 : i32
      %dma_wait3A_273 = arith.constant 0 : i32
      %dma_wait3A_274 = tpu.memref_slice %arg4[%dma_wait3A_272, %dma_wait3A_273] : memref<10000x128xf32, #tpu.memory_space<hbm>> -> memref<10000x128xf32, #tpu.memory_space<hbm>>
      tpu.wait_indirect_dma semaphore(%arg16 : memref<!tpu.dma_semaphore, #tpu.memory_space<semaphore_mem>>) src(%dma_wait3A_274 : memref<10000x128xf32, #tpu.memory_space<hbm>>) dst(%arg11 : memref<80x128xf32, #tpu.memory_space<vmem>>)
      "tpu.region"() ({
        %run_scoped3A_299 = tpu.sem_alloc : memref<!tpu.dma_semaphore, #tpu.memory_space<semaphore_mem>>
        %dma_start3A_300 = arith.constant 0 : i32
        %dma_start3A_301 = tpu.memref_slice %arg8[%add3A_268, %dma_start3A_300] : memref<25x80xi32, #tpu.memory_space<vmem>> -> memref<1x80xi32, #tpu.memory_space<vmem>>
        %dma_start3A_302 = tpu.memref_squeeze %dma_start3A_301 : memref<1x80xi32, #tpu.memory_space<vmem>> -> memref<80xi32, #tpu.memory_space<vmem>>
        %dma_start3A_303 = arith.constant 0 : i32
        %dma_start3A_304 = arith.constant 0 : i32
        %dma_start3A_305 = tpu.memref_slice %arg13[%dma_start3A_303, %dma_start3A_304] : memref<10000x128xf32, #tpu.memory_space<vmem_shared>> -> memref<10000x128xf32, #tpu.memory_space<vmem_shared>>
        tpu.enqueue_indirect_dma source(%arg11 : memref<80x128xf32, #tpu.memory_space<vmem>>) target(%dma_start3A_305 : memref<10000x128xf32, #tpu.memory_space<vmem_shared>>) offsets(%dma_start3A_302 : memref<80xi32, #tpu.memory_space<vmem>>) semaphore(%run_scoped3A_299 : memref<!tpu.dma_semaphore, #tpu.memory_space<semaphore_mem>>) {add = true}
        %dma_wait3A_306 = arith.constant 0 : i32
        %dma_wait3A_307 = tpu.memref_slice %arg8[%add3A_268, %dma_wait3A_306] : memref<25x80xi32, #tpu.memory_space<vmem>> -> memref<1x80xi32, #tpu.memory_space<vmem>>
        %dma_wait3A_308 = tpu.memref_squeeze %dma_wait3A_307 : memref<1x80xi32, #tpu.memory_space<vmem>> -> memref<80xi32, #tpu.memory_space<vmem>>
        %dma_wait3A_309 = arith.constant 0 : i32
        %dma_wait3A_310 = arith.constant 0 : i32
        %dma_wait3A_311 = tpu.memref_slice %arg13[%dma_wait3A_309, %dma_wait3A_310] : memref<10000x128xf32, #tpu.memory_space<vmem_shared>> -> memref<10000x128xf32, #tpu.memory_space<vmem_shared>>
        tpu.wait_indirect_dma semaphore(%run_scoped3A_299 : memref<!tpu.dma_semaphore, #tpu.memory_space<semaphore_mem>>) src(%arg11 : memref<80x128xf32, #tpu.memory_space<vmem>>) dst(%dma_wait3A_311 : memref<10000x128xf32, #tpu.memory_space<vmem_shared>>)
        tpu.yield
      }) : () -> ()
      %add3A_275 = arith.constant 4 : i32
      %add3A_276 = arith.addi %add3A_268, %add3A_275 : i32
      %lt3A_277 = arith.constant 25 : i32
      %lt3A_278 = arith.cmpi slt, %add3A_276, %lt3A_277 : i32
      %convert_element_type3A_279 = arith.extui %lt3A_278 : i1 to i32
      %cond3A_280 = arith.constant 0 : i32
      %cond3A_281 = arith.cmpi ne, %convert_element_type3A_279, %cond3A_280 : i32
      scf.if %cond3A_281 {
        %dma_start3A_299 = arith.constant 0 : i32
        %dma_start3A_300 = tpu.memref_slice %arg7[%add3A_276, %dma_start3A_299] : memref<25x80xi32, #tpu.memory_space<vmem>> -> memref<1x80xi32, #tpu.memory_space<vmem>>
        %dma_start3A_301 = tpu.memref_squeeze %dma_start3A_300 : memref<1x80xi32, #tpu.memory_space<vmem>> -> memref<80xi32, #tpu.memory_space<vmem>>
        %dma_start3A_302 = arith.constant 0 : i32
        %dma_start3A_303 = arith.constant 0 : i32
        %dma_start3A_304 = tpu.memref_slice %arg4[%dma_start3A_302, %dma_start3A_303] : memref<10000x128xf32, #tpu.memory_space<hbm>> -> memref<10000x128xf32, #tpu.memory_space<hbm>>
        tpu.enqueue_indirect_dma source(%dma_start3A_304 : memref<10000x128xf32, #tpu.memory_space<hbm>>) target(%arg11 : memref<80x128xf32, #tpu.memory_space<vmem>>) offsets(%dma_start3A_301 : memref<80xi32, #tpu.memory_space<vmem>>) semaphore(%arg16 : memref<!tpu.dma_semaphore, #tpu.memory_space<semaphore_mem>>)
      } else {
      }
      %mul3A_282 = arith.constant 4 : i32
      %mul3A_283 = arith.muli %mul3A_282, %scan3A_231 : i32
      %add3A_284 = arith.constant 3 : i32
      %add3A_285 = arith.addi %mul3A_283, %add3A_284 : i32
      %dma_wait3A_286 = arith.constant 0 : i32
      %dma_wait3A_287 = tpu.memref_slice %arg7[%add3A_285, %dma_wait3A_286] : memref<25x80xi32, #tpu.memory_space<vmem>> -> memref<1x80xi32, #tpu.memory_space<vmem>>
      %dma_wait3A_288 = tpu.memref_squeeze %dma_wait3A_287 : memref<1x80xi32, #tpu.memory_space<vmem>> -> memref<80xi32, #tpu.memory_space<vmem>>
      %dma_wait3A_289 = arith.constant 0 : i32
      %dma_wait3A_290 = arith.constant 0 : i32
      %dma_wait3A_291 = tpu.memref_slice %arg4[%dma_wait3A_289, %dma_wait3A_290] : memref<10000x128xf32, #tpu.memory_space<hbm>> -> memref<10000x128xf32, #tpu.memory_space<hbm>>
      tpu.wait_indirect_dma semaphore(%arg17 : memref<!tpu.dma_semaphore, #tpu.memory_space<semaphore_mem>>) src(%dma_wait3A_291 : memref<10000x128xf32, #tpu.memory_space<hbm>>) dst(%arg12 : memref<80x128xf32, #tpu.memory_space<vmem>>)
      "tpu.region"() ({
        %run_scoped3A_299 = tpu.sem_alloc : memref<!tpu.dma_semaphore, #tpu.memory_space<semaphore_mem>>
        %dma_start3A_300 = arith.constant 0 : i32
        %dma_start3A_301 = tpu.memref_slice %arg8[%add3A_285, %dma_start3A_300] : memref<25x80xi32, #tpu.memory_space<vmem>> -> memref<1x80xi32, #tpu.memory_space<vmem>>
        %dma_start3A_302 = tpu.memref_squeeze %dma_start3A_301 : memref<1x80xi32, #tpu.memory_space<vmem>> -> memref<80xi32, #tpu.memory_space<vmem>>
        %dma_start3A_303 = arith.constant 0 : i32
        %dma_start3A_304 = arith.constant 0 : i32
        %dma_start3A_305 = tpu.memref_slice %arg13[%dma_start3A_303, %dma_start3A_304] : memref<10000x128xf32, #tpu.memory_space<vmem_shared>> -> memref<10000x128xf32, #tpu.memory_space<vmem_shared>>
        tpu.enqueue_indirect_dma source(%arg12 : memref<80x128xf32, #tpu.memory_space<vmem>>) target(%dma_start3A_305 : memref<10000x128xf32, #tpu.memory_space<vmem_shared>>) offsets(%dma_start3A_302 : memref<80xi32, #tpu.memory_space<vmem>>) semaphore(%run_scoped3A_299 : memref<!tpu.dma_semaphore, #tpu.memory_space<semaphore_mem>>) {add = true}
        %dma_wait3A_306 = arith.constant 0 : i32
        %dma_wait3A_307 = tpu.memref_slice %arg8[%add3A_285, %dma_wait3A_306] : memref<25x80xi32, #tpu.memory_space<vmem>> -> memref<1x80xi32, #tpu.memory_space<vmem>>
        %dma_wait3A_308 = tpu.memref_squeeze %dma_wait3A_307 : memref<1x80xi32, #tpu.memory_space<vmem>> -> memref<80xi32, #tpu.memory_space<vmem>>
        %dma_wait3A_309 = arith.constant 0 : i32
        %dma_wait3A_310 = arith.constant 0 : i32
        %dma_wait3A_311 = tpu.memref_slice %arg13[%dma_wait3A_309, %dma_wait3A_310] : memref<10000x128xf32, #tpu.memory_space<vmem_shared>> -> memref<10000x128xf32, #tpu.memory_space<vmem_shared>>
        tpu.wait_indirect_dma semaphore(%run_scoped3A_299 : memref<!tpu.dma_semaphore, #tpu.memory_space<semaphore_mem>>) src(%arg12 : memref<80x128xf32, #tpu.memory_space<vmem>>) dst(%dma_wait3A_311 : memref<10000x128xf32, #tpu.memory_space<vmem_shared>>)
        tpu.yield
      }) : () -> ()
      %add3A_292 = arith.constant 4 : i32
      %add3A_293 = arith.addi %add3A_285, %add3A_292 : i32
      %lt3A_294 = arith.constant 25 : i32
      %lt3A_295 = arith.cmpi slt, %add3A_293, %lt3A_294 : i32
      %convert_element_type3A_296 = arith.extui %lt3A_295 : i1 to i32
      %cond3A_297 = arith.constant 0 : i32
      %cond3A_298 = arith.cmpi ne, %convert_element_type3A_296, %cond3A_297 : i32
      scf.if %cond3A_298 {
        %dma_start3A_299 = arith.constant 0 : i32
        %dma_start3A_300 = tpu.memref_slice %arg7[%add3A_293, %dma_start3A_299] : memref<25x80xi32, #tpu.memory_space<vmem>> -> memref<1x80xi32, #tpu.memory_space<vmem>>
        %dma_start3A_301 = tpu.memref_squeeze %dma_start3A_300 : memref<1x80xi32, #tpu.memory_space<vmem>> -> memref<80xi32, #tpu.memory_space<vmem>>
        %dma_start3A_302 = arith.constant 0 : i32
        %dma_start3A_303 = arith.constant 0 : i32
        %dma_start3A_304 = tpu.memref_slice %arg4[%dma_start3A_302, %dma_start3A_303] : memref<10000x128xf32, #tpu.memory_space<hbm>> -> memref<10000x128xf32, #tpu.memory_space<hbm>>
        tpu.enqueue_indirect_dma source(%dma_start3A_304 : memref<10000x128xf32, #tpu.memory_space<hbm>>) target(%arg12 : memref<80x128xf32, #tpu.memory_space<vmem>>) offsets(%dma_start3A_301 : memref<80xi32, #tpu.memory_space<vmem>>) semaphore(%arg17 : memref<!tpu.dma_semaphore, #tpu.memory_space<semaphore_mem>>)
      } else {
      }
    }
    %scan3A_168 = arith.constant 6 : i32
    %dma_wait3A_169 = arith.constant 24 : i32
    %dma_wait3A_170 = arith.constant 0 : i32
    %dma_wait3A_171 = tpu.memref_slice %arg7[%dma_wait3A_169, %dma_wait3A_170] : memref<25x80xi32, #tpu.memory_space<vmem>> -> memref<1x80xi32, #tpu.memory_space<vmem>>
    %dma_wait3A_172 = tpu.memref_squeeze %dma_wait3A_171 : memref<1x80xi32, #tpu.memory_space<vmem>> -> memref<80xi32, #tpu.memory_space<vmem>>
    %dma_wait3A_173 = arith.constant 0 : i32
    %dma_wait3A_174 = arith.constant 0 : i32
    %dma_wait3A_175 = tpu.memref_slice %arg4[%dma_wait3A_173, %dma_wait3A_174] : memref<10000x128xf32, #tpu.memory_space<hbm>> -> memref<10000x128xf32, #tpu.memory_space<hbm>>
    tpu.wait_indirect_dma semaphore(%arg14 : memref<!tpu.dma_semaphore, #tpu.memory_space<semaphore_mem>>) src(%dma_wait3A_175 : memref<10000x128xf32, #tpu.memory_space<hbm>>) dst(%arg9 : memref<80x128xf32, #tpu.memory_space<vmem>>)
    %run_scoped3A_176 = arith.constant 24 : i32
    "tpu.region"() ({
      %run_scoped3A_231 = tpu.sem_alloc : memref<!tpu.dma_semaphore, #tpu.memory_space<semaphore_mem>>
      %dma_start3A_232 = arith.constant 0 : i32
      %dma_start3A_233 = tpu.memref_slice %arg8[%run_scoped3A_176, %dma_start3A_232] : memref<25x80xi32, #tpu.memory_space<vmem>> -> memref<1x80xi32, #tpu.memory_space<vmem>>
      %dma_start3A_234 = tpu.memref_squeeze %dma_start3A_233 : memref<1x80xi32, #tpu.memory_space<vmem>> -> memref<80xi32, #tpu.memory_space<vmem>>
      %dma_start3A_235 = arith.constant 0 : i32
      %dma_start3A_236 = arith.constant 0 : i32
      %dma_start3A_237 = tpu.memref_slice %arg13[%dma_start3A_235, %dma_start3A_236] : memref<10000x128xf32, #tpu.memory_space<vmem_shared>> -> memref<10000x128xf32, #tpu.memory_space<vmem_shared>>
      tpu.enqueue_indirect_dma source(%arg9 : memref<80x128xf32, #tpu.memory_space<vmem>>) target(%dma_start3A_237 : memref<10000x128xf32, #tpu.memory_space<vmem_shared>>) offsets(%dma_start3A_234 : memref<80xi32, #tpu.memory_space<vmem>>) semaphore(%run_scoped3A_231 : memref<!tpu.dma_semaphore, #tpu.memory_space<semaphore_mem>>) {add = true}
      %dma_wait3A_238 = arith.constant 0 : i32
      %dma_wait3A_239 = tpu.memref_slice %arg8[%run_scoped3A_176, %dma_wait3A_238] : memref<25x80xi32, #tpu.memory_space<vmem>> -> memref<1x80xi32, #tpu.memory_space<vmem>>
      %dma_wait3A_240 = tpu.memref_squeeze %dma_wait3A_239 : memref<1x80xi32, #tpu.memory_space<vmem>> -> memref<80xi32, #tpu.memory_space<vmem>>
      %dma_wait3A_241 = arith.constant 0 : i32
      %dma_wait3A_242 = arith.constant 0 : i32
      %dma_wait3A_243 = tpu.memref_slice %arg13[%dma_wait3A_241, %dma_wait3A_242] : memref<10000x128xf32, #tpu.memory_space<vmem_shared>> -> memref<10000x128xf32, #tpu.memory_space<vmem_shared>>
      tpu.wait_indirect_dma semaphore(%run_scoped3A_231 : memref<!tpu.dma_semaphore, #tpu.memory_space<semaphore_mem>>) src(%arg9 : memref<80x128xf32, #tpu.memory_space<vmem>>) dst(%dma_wait3A_243 : memref<10000x128xf32, #tpu.memory_space<vmem_shared>>)
      tpu.yield
    }) : () -> ()
    %run_scoped3A_177 = arith.constant 4 : i32
    "tpu.region"() ({
      %run_scoped3A_231 = tpu.sem_alloc : memref<!tpu.dma_semaphore, #tpu.memory_space<semaphore_mem>>
      %dma_start3A_232 = arith.constant 0 : i32
      %dma_start3A_233 = arith.constant 0 : i32
      %dma_start3A_234 = tpu.memref_slice %arg2[%add3A, %run_scoped3A_177, %dma_start3A_232, %dma_start3A_233] : memref<32x5x25x80xi32, #tpu.memory_space<hbm>> -> memref<1x1x25x80xi32, #tpu.memory_space<hbm>>
      %dma_start3A_235 = tpu.memref_squeeze %dma_start3A_234 : memref<1x1x25x80xi32, #tpu.memory_space<hbm>> -> memref<25x80xi32, #tpu.memory_space<hbm>>
      %dma_start3A_236 = arith.constant 0 : i32
      %dma_start3A_237 = arith.constant 0 : i32
      %dma_start3A_238 = tpu.memref_slice %arg2[%add3A, %run_scoped3A_177, %dma_start3A_236, %dma_start3A_237] : memref<32x5x25x80xi32, #tpu.memory_space<hbm>> -> memref<1x1x25x80xi32, #tpu.memory_space<hbm>>
      %dma_start3A_239 = tpu.memref_squeeze %dma_start3A_238 : memref<1x1x25x80xi32, #tpu.memory_space<hbm>> -> memref<25x80xi32, #tpu.memory_space<hbm>>
      tpu.enqueue_dma source(%dma_start3A_239 : memref<25x80xi32, #tpu.memory_space<hbm>>) target(%arg7 : memref<25x80xi32, #tpu.memory_space<vmem>>) target_semaphore(%run_scoped3A_231 : memref<!tpu.dma_semaphore, #tpu.memory_space<semaphore_mem>>)
      %dma_wait3A_240 = arith.constant 0 : i32
      %dma_wait3A_241 = arith.constant 0 : i32
      %dma_wait3A_242 = tpu.memref_slice %arg2[%add3A, %run_scoped3A_177, %dma_wait3A_240, %dma_wait3A_241] : memref<32x5x25x80xi32, #tpu.memory_space<hbm>> -> memref<1x1x25x80xi32, #tpu.memory_space<hbm>>
      %dma_wait3A_243 = tpu.memref_squeeze %dma_wait3A_242 : memref<1x1x25x80xi32, #tpu.memory_space<hbm>> -> memref<25x80xi32, #tpu.memory_space<hbm>>
      %dma_wait3A_244 = arith.constant 0 : i32
      %dma_wait3A_245 = arith.constant 0 : i32
      %dma_wait3A_246 = tpu.memref_slice %arg2[%add3A, %run_scoped3A_177, %dma_wait3A_244, %dma_wait3A_245] : memref<32x5x25x80xi32, #tpu.memory_space<hbm>> -> memref<1x1x25x80xi32, #tpu.memory_space<hbm>>
      %dma_wait3A_247 = tpu.memref_squeeze %dma_wait3A_246 : memref<1x1x25x80xi32, #tpu.memory_space<hbm>> -> memref<25x80xi32, #tpu.memory_space<hbm>>
      tpu.wait_dma2 semaphore(%run_scoped3A_231 : memref<!tpu.dma_semaphore, #tpu.memory_space<semaphore_mem>>) src(%dma_wait3A_247 : memref<25x80xi32, #tpu.memory_space<hbm>>) dst(%arg7 : memref<25x80xi32, #tpu.memory_space<vmem>>)
      tpu.yield
    }) : () -> ()
    %run_scoped3A_178 = arith.constant 4 : i32
    "tpu.region"() ({
      %run_scoped3A_231 = tpu.sem_alloc : memref<!tpu.dma_semaphore, #tpu.memory_space<semaphore_mem>>
      %dma_start3A_232 = arith.constant 0 : i32
      %dma_start3A_233 = arith.constant 0 : i32
      %dma_start3A_234 = tpu.memref_slice %arg3[%add3A, %run_scoped3A_178, %dma_start3A_232, %dma_start3A_233] : memref<32x5x25x80xi32, #tpu.memory_space<hbm>> -> memref<1x1x25x80xi32, #tpu.memory_space<hbm>>
      %dma_start3A_235 = tpu.memref_squeeze %dma_start3A_234 : memref<1x1x25x80xi32, #tpu.memory_space<hbm>> -> memref<25x80xi32, #tpu.memory_space<hbm>>
      %dma_start3A_236 = arith.constant 0 : i32
      %dma_start3A_237 = arith.constant 0 : i32
      %dma_start3A_238 = tpu.memref_slice %arg3[%add3A, %run_scoped3A_178, %dma_start3A_236, %dma_start3A_237] : memref<32x5x25x80xi32, #tpu.memory_space<hbm>> -> memref<1x1x25x80xi32, #tpu.memory_space<hbm>>
      %dma_start3A_239 = tpu.memref_squeeze %dma_start3A_238 : memref<1x1x25x80xi32, #tpu.memory_space<hbm>> -> memref<25x80xi32, #tpu.memory_space<hbm>>
      tpu.enqueue_dma source(%dma_start3A_239 : memref<25x80xi32, #tpu.memory_space<hbm>>) target(%arg8 : memref<25x80xi32, #tpu.memory_space<vmem>>) target_semaphore(%run_scoped3A_231 : memref<!tpu.dma_semaphore, #tpu.memory_space<semaphore_mem>>)
      %dma_wait3A_240 = arith.constant 0 : i32
      %dma_wait3A_241 = arith.constant 0 : i32
      %dma_wait3A_242 = tpu.memref_slice %arg3[%add3A, %run_scoped3A_178, %dma_wait3A_240, %dma_wait3A_241] : memref<32x5x25x80xi32, #tpu.memory_space<hbm>> -> memref<1x1x25x80xi32, #tpu.memory_space<hbm>>
      %dma_wait3A_243 = tpu.memref_squeeze %dma_wait3A_242 : memref<1x1x25x80xi32, #tpu.memory_space<hbm>> -> memref<25x80xi32, #tpu.memory_space<hbm>>
      %dma_wait3A_244 = arith.constant 0 : i32
      %dma_wait3A_245 = arith.constant 0 : i32
      %dma_wait3A_246 = tpu.memref_slice %arg3[%add3A, %run_scoped3A_178, %dma_wait3A_244, %dma_wait3A_245] : memref<32x5x25x80xi32, #tpu.memory_space<hbm>> -> memref<1x1x25x80xi32, #tpu.memory_space<hbm>>
      %dma_wait3A_247 = tpu.memref_squeeze %dma_wait3A_246 : memref<1x1x25x80xi32, #tpu.memory_space<hbm>> -> memref<25x80xi32, #tpu.memory_space<hbm>>
      tpu.wait_dma2 semaphore(%run_scoped3A_231 : memref<!tpu.dma_semaphore, #tpu.memory_space<semaphore_mem>>) src(%dma_wait3A_247 : memref<25x80xi32, #tpu.memory_space<hbm>>) dst(%arg8 : memref<25x80xi32, #tpu.memory_space<vmem>>)
      tpu.yield
    }) : () -> ()
    %dma_start3A_179 = arith.constant 0 : i32
    %dma_start3A_180 = arith.constant 0 : i32
    %dma_start3A_181 = tpu.memref_slice %arg7[%dma_start3A_179, %dma_start3A_180] : memref<25x80xi32, #tpu.memory_space<vmem>> -> memref<1x80xi32, #tpu.memory_space<vmem>>
    %dma_start3A_182 = tpu.memref_squeeze %dma_start3A_181 : memref<1x80xi32, #tpu.memory_space<vmem>> -> memref<80xi32, #tpu.memory_space<vmem>>
    %dma_start3A_183 = arith.constant 0 : i32
    %dma_start3A_184 = arith.constant 0 : i32
    %dma_start3A_185 = tpu.memref_slice %arg4[%dma_start3A_183, %dma_start3A_184] : memref<10000x128xf32, #tpu.memory_space<hbm>> -> memref<10000x128xf32, #tpu.memory_space<hbm>>
    tpu.enqueue_indirect_dma source(%dma_start3A_185 : memref<10000x128xf32, #tpu.memory_space<hbm>>) target(%arg9 : memref<80x128xf32, #tpu.memory_space<vmem>>) offsets(%dma_start3A_182 : memref<80xi32, #tpu.memory_space<vmem>>) semaphore(%arg14 : memref<!tpu.dma_semaphore, #tpu.memory_space<semaphore_mem>>)
    %dma_start3A_186 = arith.constant 1 : i32
    %dma_start3A_187 = arith.constant 0 : i32
    %dma_start3A_188 = tpu.memref_slice %arg7[%dma_start3A_186, %dma_start3A_187] : memref<25x80xi32, #tpu.memory_space<vmem>> -> memref<1x80xi32, #tpu.memory_space<vmem>>
    %dma_start3A_189 = tpu.memref_squeeze %dma_start3A_188 : memref<1x80xi32, #tpu.memory_space<vmem>> -> memref<80xi32, #tpu.memory_space<vmem>>
    %dma_start3A_190 = arith.constant 0 : i32
    %dma_start3A_191 = arith.constant 0 : i32
    %dma_start3A_192 = tpu.memref_slice %arg4[%dma_start3A_190, %dma_start3A_191] : memref<10000x128xf32, #tpu.memory_space<hbm>> -> memref<10000x128xf32, #tpu.memory_space<hbm>>
    tpu.enqueue_indirect_dma source(%dma_start3A_192 : memref<10000x128xf32, #tpu.memory_space<hbm>>) target(%arg10 : memref<80x128xf32, #tpu.memory_space<vmem>>) offsets(%dma_start3A_189 : memref<80xi32, #tpu.memory_space<vmem>>) semaphore(%arg15 : memref<!tpu.dma_semaphore, #tpu.memory_space<semaphore_mem>>)
    %dma_start3A_193 = arith.constant 2 : i32
    %dma_start3A_194 = arith.constant 0 : i32
    %dma_start3A_195 = tpu.memref_slice %arg7[%dma_start3A_193, %dma_start3A_194] : memref<25x80xi32, #tpu.memory_space<vmem>> -> memref<1x80xi32, #tpu.memory_space<vmem>>
    %dma_start3A_196 = tpu.memref_squeeze %dma_start3A_195 : memref<1x80xi32, #tpu.memory_space<vmem>> -> memref<80xi32, #tpu.memory_space<vmem>>
    %dma_start3A_197 = arith.constant 0 : i32
    %dma_start3A_198 = arith.constant 0 : i32
    %dma_start3A_199 = tpu.memref_slice %arg4[%dma_start3A_197, %dma_start3A_198] : memref<10000x128xf32, #tpu.memory_space<hbm>> -> memref<10000x128xf32, #tpu.memory_space<hbm>>
    tpu.enqueue_indirect_dma source(%dma_start3A_199 : memref<10000x128xf32, #tpu.memory_space<hbm>>) target(%arg11 : memref<80x128xf32, #tpu.memory_space<vmem>>) offsets(%dma_start3A_196 : memref<80xi32, #tpu.memory_space<vmem>>) semaphore(%arg16 : memref<!tpu.dma_semaphore, #tpu.memory_space<semaphore_mem>>)
    %dma_start3A_200 = arith.constant 3 : i32
    %dma_start3A_201 = arith.constant 0 : i32
    %dma_start3A_202 = tpu.memref_slice %arg7[%dma_start3A_200, %dma_start3A_201] : memref<25x80xi32, #tpu.memory_space<vmem>> -> memref<1x80xi32, #tpu.memory_space<vmem>>
    %dma_start3A_203 = tpu.memref_squeeze %dma_start3A_202 : memref<1x80xi32, #tpu.memory_space<vmem>> -> memref<80xi32, #tpu.memory_space<vmem>>
    %dma_start3A_204 = arith.constant 0 : i32
    %dma_start3A_205 = arith.constant 0 : i32
    %dma_start3A_206 = tpu.memref_slice %arg4[%dma_start3A_204, %dma_start3A_205] : memref<10000x128xf32, #tpu.memory_space<hbm>> -> memref<10000x128xf32, #tpu.memory_space<hbm>>
    tpu.enqueue_indirect_dma source(%dma_start3A_206 : memref<10000x128xf32, #tpu.memory_space<hbm>>) target(%arg12 : memref<80x128xf32, #tpu.memory_space<vmem>>) offsets(%dma_start3A_203 : memref<80xi32, #tpu.memory_space<vmem>>) semaphore(%arg17 : memref<!tpu.dma_semaphore, #tpu.memory_space<semaphore_mem>>)
    %scan3A_207 = arith.constant 0 : i32
    %scan3A_208 = arith.constant 0 : i32
    %scan3A_209 = arith.constant 6 : i32
    %scan3A_210 = arith.addi %scan3A_208, %scan3A_209 : i32
    %scan3A_211 = arith.constant 1 : i32
    scf.for %scan3A_231 = %scan3A_208 to %scan3A_210 step %scan3A_211  : i32 {
      %mul3A_232 = arith.constant 4 : i32
      %mul3A_233 = arith.muli %mul3A_232, %scan3A_231 : i32
      %add3A_234 = arith.constant 0 : i32
      %add3A_235 = arith.addi %mul3A_233, %add3A_234 : i32
      %dma_wait3A_236 = arith.constant 0 : i32
      %dma_wait3A_237 = tpu.memref_slice %arg7[%add3A_235, %dma_wait3A_236] : memref<25x80xi32, #tpu.memory_space<vmem>> -> memref<1x80xi32, #tpu.memory_space<vmem>>
      %dma_wait3A_238 = tpu.memref_squeeze %dma_wait3A_237 : memref<1x80xi32, #tpu.memory_space<vmem>> -> memref<80xi32, #tpu.memory_space<vmem>>
      %dma_wait3A_239 = arith.constant 0 : i32
      %dma_wait3A_240 = arith.constant 0 : i32
      %dma_wait3A_241 = tpu.memref_slice %arg4[%dma_wait3A_239, %dma_wait3A_240] : memref<10000x128xf32, #tpu.memory_space<hbm>> -> memref<10000x128xf32, #tpu.memory_space<hbm>>
      tpu.wait_indirect_dma semaphore(%arg14 : memref<!tpu.dma_semaphore, #tpu.memory_space<semaphore_mem>>) src(%dma_wait3A_241 : memref<10000x128xf32, #tpu.memory_space<hbm>>) dst(%arg9 : memref<80x128xf32, #tpu.memory_space<vmem>>)
      "tpu.region"() ({
        %run_scoped3A_299 = tpu.sem_alloc : memref<!tpu.dma_semaphore, #tpu.memory_space<semaphore_mem>>
        %dma_start3A_300 = arith.constant 0 : i32
        %dma_start3A_301 = tpu.memref_slice %arg8[%add3A_235, %dma_start3A_300] : memref<25x80xi32, #tpu.memory_space<vmem>> -> memref<1x80xi32, #tpu.memory_space<vmem>>
        %dma_start3A_302 = tpu.memref_squeeze %dma_start3A_301 : memref<1x80xi32, #tpu.memory_space<vmem>> -> memref<80xi32, #tpu.memory_space<vmem>>
        %dma_start3A_303 = arith.constant 0 : i32
        %dma_start3A_304 = arith.constant 0 : i32
        %dma_start3A_305 = tpu.memref_slice %arg13[%dma_start3A_303, %dma_start3A_304] : memref<10000x128xf32, #tpu.memory_space<vmem_shared>> -> memref<10000x128xf32, #tpu.memory_space<vmem_shared>>
        tpu.enqueue_indirect_dma source(%arg9 : memref<80x128xf32, #tpu.memory_space<vmem>>) target(%dma_start3A_305 : memref<10000x128xf32, #tpu.memory_space<vmem_shared>>) offsets(%dma_start3A_302 : memref<80xi32, #tpu.memory_space<vmem>>) semaphore(%run_scoped3A_299 : memref<!tpu.dma_semaphore, #tpu.memory_space<semaphore_mem>>) {add = true}
        %dma_wait3A_306 = arith.constant 0 : i32
        %dma_wait3A_307 = tpu.memref_slice %arg8[%add3A_235, %dma_wait3A_306] : memref<25x80xi32, #tpu.memory_space<vmem>> -> memref<1x80xi32, #tpu.memory_space<vmem>>
        %dma_wait3A_308 = tpu.memref_squeeze %dma_wait3A_307 : memref<1x80xi32, #tpu.memory_space<vmem>> -> memref<80xi32, #tpu.memory_space<vmem>>
        %dma_wait3A_309 = arith.constant 0 : i32
        %dma_wait3A_310 = arith.constant 0 : i32
        %dma_wait3A_311 = tpu.memref_slice %arg13[%dma_wait3A_309, %dma_wait3A_310] : memref<10000x128xf32, #tpu.memory_space<vmem_shared>> -> memref<10000x128xf32, #tpu.memory_space<vmem_shared>>
        tpu.wait_indirect_dma semaphore(%run_scoped3A_299 : memref<!tpu.dma_semaphore, #tpu.memory_space<semaphore_mem>>) src(%arg9 : memref<80x128xf32, #tpu.memory_space<vmem>>) dst(%dma_wait3A_311 : memref<10000x128xf32, #tpu.memory_space<vmem_shared>>)
        tpu.yield
      }) : () -> ()
      %add3A_242 = arith.constant 4 : i32
      %add3A_243 = arith.addi %add3A_235, %add3A_242 : i32
      %lt3A = arith.constant 25 : i32
      %lt3A_244 = arith.cmpi slt, %add3A_243, %lt3A : i32
      %convert_element_type3A_245 = arith.extui %lt3A_244 : i1 to i32
      %cond3A_246 = arith.constant 0 : i32
      %cond3A_247 = arith.cmpi ne, %convert_element_type3A_245, %cond3A_246 : i32
      scf.if %cond3A_247 {
        %dma_start3A_299 = arith.constant 0 : i32
        %dma_start3A_300 = tpu.memref_slice %arg7[%add3A_243, %dma_start3A_299] : memref<25x80xi32, #tpu.memory_space<vmem>> -> memref<1x80xi32, #tpu.memory_space<vmem>>
        %dma_start3A_301 = tpu.memref_squeeze %dma_start3A_300 : memref<1x80xi32, #tpu.memory_space<vmem>> -> memref<80xi32, #tpu.memory_space<vmem>>
        %dma_start3A_302 = arith.constant 0 : i32
        %dma_start3A_303 = arith.constant 0 : i32
        %dma_start3A_304 = tpu.memref_slice %arg4[%dma_start3A_302, %dma_start3A_303] : memref<10000x128xf32, #tpu.memory_space<hbm>> -> memref<10000x128xf32, #tpu.memory_space<hbm>>
        tpu.enqueue_indirect_dma source(%dma_start3A_304 : memref<10000x128xf32, #tpu.memory_space<hbm>>) target(%arg9 : memref<80x128xf32, #tpu.memory_space<vmem>>) offsets(%dma_start3A_301 : memref<80xi32, #tpu.memory_space<vmem>>) semaphore(%arg14 : memref<!tpu.dma_semaphore, #tpu.memory_space<semaphore_mem>>)
      } else {
      }
      %mul3A_248 = arith.constant 4 : i32
      %mul3A_249 = arith.muli %mul3A_248, %scan3A_231 : i32
      %add3A_250 = arith.constant 1 : i32
      %add3A_251 = arith.addi %mul3A_249, %add3A_250 : i32
      %dma_wait3A_252 = arith.constant 0 : i32
      %dma_wait3A_253 = tpu.memref_slice %arg7[%add3A_251, %dma_wait3A_252] : memref<25x80xi32, #tpu.memory_space<vmem>> -> memref<1x80xi32, #tpu.memory_space<vmem>>
      %dma_wait3A_254 = tpu.memref_squeeze %dma_wait3A_253 : memref<1x80xi32, #tpu.memory_space<vmem>> -> memref<80xi32, #tpu.memory_space<vmem>>
      %dma_wait3A_255 = arith.constant 0 : i32
      %dma_wait3A_256 = arith.constant 0 : i32
      %dma_wait3A_257 = tpu.memref_slice %arg4[%dma_wait3A_255, %dma_wait3A_256] : memref<10000x128xf32, #tpu.memory_space<hbm>> -> memref<10000x128xf32, #tpu.memory_space<hbm>>
      tpu.wait_indirect_dma semaphore(%arg15 : memref<!tpu.dma_semaphore, #tpu.memory_space<semaphore_mem>>) src(%dma_wait3A_257 : memref<10000x128xf32, #tpu.memory_space<hbm>>) dst(%arg10 : memref<80x128xf32, #tpu.memory_space<vmem>>)
      "tpu.region"() ({
        %run_scoped3A_299 = tpu.sem_alloc : memref<!tpu.dma_semaphore, #tpu.memory_space<semaphore_mem>>
        %dma_start3A_300 = arith.constant 0 : i32
        %dma_start3A_301 = tpu.memref_slice %arg8[%add3A_251, %dma_start3A_300] : memref<25x80xi32, #tpu.memory_space<vmem>> -> memref<1x80xi32, #tpu.memory_space<vmem>>
        %dma_start3A_302 = tpu.memref_squeeze %dma_start3A_301 : memref<1x80xi32, #tpu.memory_space<vmem>> -> memref<80xi32, #tpu.memory_space<vmem>>
        %dma_start3A_303 = arith.constant 0 : i32
        %dma_start3A_304 = arith.constant 0 : i32
        %dma_start3A_305 = tpu.memref_slice %arg13[%dma_start3A_303, %dma_start3A_304] : memref<10000x128xf32, #tpu.memory_space<vmem_shared>> -> memref<10000x128xf32, #tpu.memory_space<vmem_shared>>
        tpu.enqueue_indirect_dma source(%arg10 : memref<80x128xf32, #tpu.memory_space<vmem>>) target(%dma_start3A_305 : memref<10000x128xf32, #tpu.memory_space<vmem_shared>>) offsets(%dma_start3A_302 : memref<80xi32, #tpu.memory_space<vmem>>) semaphore(%run_scoped3A_299 : memref<!tpu.dma_semaphore, #tpu.memory_space<semaphore_mem>>) {add = true}
        %dma_wait3A_306 = arith.constant 0 : i32
        %dma_wait3A_307 = tpu.memref_slice %arg8[%add3A_251, %dma_wait3A_306] : memref<25x80xi32, #tpu.memory_space<vmem>> -> memref<1x80xi32, #tpu.memory_space<vmem>>
        %dma_wait3A_308 = tpu.memref_squeeze %dma_wait3A_307 : memref<1x80xi32, #tpu.memory_space<vmem>> -> memref<80xi32, #tpu.memory_space<vmem>>
        %dma_wait3A_309 = arith.constant 0 : i32
        %dma_wait3A_310 = arith.constant 0 : i32
        %dma_wait3A_311 = tpu.memref_slice %arg13[%dma_wait3A_309, %dma_wait3A_310] : memref<10000x128xf32, #tpu.memory_space<vmem_shared>> -> memref<10000x128xf32, #tpu.memory_space<vmem_shared>>
        tpu.wait_indirect_dma semaphore(%run_scoped3A_299 : memref<!tpu.dma_semaphore, #tpu.memory_space<semaphore_mem>>) src(%arg10 : memref<80x128xf32, #tpu.memory_space<vmem>>) dst(%dma_wait3A_311 : memref<10000x128xf32, #tpu.memory_space<vmem_shared>>)
        tpu.yield
      }) : () -> ()
      %add3A_258 = arith.constant 4 : i32
      %add3A_259 = arith.addi %add3A_251, %add3A_258 : i32
      %lt3A_260 = arith.constant 25 : i32
      %lt3A_261 = arith.cmpi slt, %add3A_259, %lt3A_260 : i32
      %convert_element_type3A_262 = arith.extui %lt3A_261 : i1 to i32
      %cond3A_263 = arith.constant 0 : i32
      %cond3A_264 = arith.cmpi ne, %convert_element_type3A_262, %cond3A_263 : i32
      scf.if %cond3A_264 {
        %dma_start3A_299 = arith.constant 0 : i32
        %dma_start3A_300 = tpu.memref_slice %arg7[%add3A_259, %dma_start3A_299] : memref<25x80xi32, #tpu.memory_space<vmem>> -> memref<1x80xi32, #tpu.memory_space<vmem>>
        %dma_start3A_301 = tpu.memref_squeeze %dma_start3A_300 : memref<1x80xi32, #tpu.memory_space<vmem>> -> memref<80xi32, #tpu.memory_space<vmem>>
        %dma_start3A_302 = arith.constant 0 : i32
        %dma_start3A_303 = arith.constant 0 : i32
        %dma_start3A_304 = tpu.memref_slice %arg4[%dma_start3A_302, %dma_start3A_303] : memref<10000x128xf32, #tpu.memory_space<hbm>> -> memref<10000x128xf32, #tpu.memory_space<hbm>>
        tpu.enqueue_indirect_dma source(%dma_start3A_304 : memref<10000x128xf32, #tpu.memory_space<hbm>>) target(%arg10 : memref<80x128xf32, #tpu.memory_space<vmem>>) offsets(%dma_start3A_301 : memref<80xi32, #tpu.memory_space<vmem>>) semaphore(%arg15 : memref<!tpu.dma_semaphore, #tpu.memory_space<semaphore_mem>>)
      } else {
      }
      %mul3A_265 = arith.constant 4 : i32
      %mul3A_266 = arith.muli %mul3A_265, %scan3A_231 : i32
      %add3A_267 = arith.constant 2 : i32
      %add3A_268 = arith.addi %mul3A_266, %add3A_267 : i32
      %dma_wait3A_269 = arith.constant 0 : i32
      %dma_wait3A_270 = tpu.memref_slice %arg7[%add3A_268, %dma_wait3A_269] : memref<25x80xi32, #tpu.memory_space<vmem>> -> memref<1x80xi32, #tpu.memory_space<vmem>>
      %dma_wait3A_271 = tpu.memref_squeeze %dma_wait3A_270 : memref<1x80xi32, #tpu.memory_space<vmem>> -> memref<80xi32, #tpu.memory_space<vmem>>
      %dma_wait3A_272 = arith.constant 0 : i32
      %dma_wait3A_273 = arith.constant 0 : i32
      %dma_wait3A_274 = tpu.memref_slice %arg4[%dma_wait3A_272, %dma_wait3A_273] : memref<10000x128xf32, #tpu.memory_space<hbm>> -> memref<10000x128xf32, #tpu.memory_space<hbm>>
      tpu.wait_indirect_dma semaphore(%arg16 : memref<!tpu.dma_semaphore, #tpu.memory_space<semaphore_mem>>) src(%dma_wait3A_274 : memref<10000x128xf32, #tpu.memory_space<hbm>>) dst(%arg11 : memref<80x128xf32, #tpu.memory_space<vmem>>)
      "tpu.region"() ({
        %run_scoped3A_299 = tpu.sem_alloc : memref<!tpu.dma_semaphore, #tpu.memory_space<semaphore_mem>>
        %dma_start3A_300 = arith.constant 0 : i32
        %dma_start3A_301 = tpu.memref_slice %arg8[%add3A_268, %dma_start3A_300] : memref<25x80xi32, #tpu.memory_space<vmem>> -> memref<1x80xi32, #tpu.memory_space<vmem>>
        %dma_start3A_302 = tpu.memref_squeeze %dma_start3A_301 : memref<1x80xi32, #tpu.memory_space<vmem>> -> memref<80xi32, #tpu.memory_space<vmem>>
        %dma_start3A_303 = arith.constant 0 : i32
        %dma_start3A_304 = arith.constant 0 : i32
        %dma_start3A_305 = tpu.memref_slice %arg13[%dma_start3A_303, %dma_start3A_304] : memref<10000x128xf32, #tpu.memory_space<vmem_shared>> -> memref<10000x128xf32, #tpu.memory_space<vmem_shared>>
        tpu.enqueue_indirect_dma source(%arg11 : memref<80x128xf32, #tpu.memory_space<vmem>>) target(%dma_start3A_305 : memref<10000x128xf32, #tpu.memory_space<vmem_shared>>) offsets(%dma_start3A_302 : memref<80xi32, #tpu.memory_space<vmem>>) semaphore(%run_scoped3A_299 : memref<!tpu.dma_semaphore, #tpu.memory_space<semaphore_mem>>) {add = true}
        %dma_wait3A_306 = arith.constant 0 : i32
        %dma_wait3A_307 = tpu.memref_slice %arg8[%add3A_268, %dma_wait3A_306] : memref<25x80xi32, #tpu.memory_space<vmem>> -> memref<1x80xi32, #tpu.memory_space<vmem>>
        %dma_wait3A_308 = tpu.memref_squeeze %dma_wait3A_307 : memref<1x80xi32, #tpu.memory_space<vmem>> -> memref<80xi32, #tpu.memory_space<vmem>>
        %dma_wait3A_309 = arith.constant 0 : i32
        %dma_wait3A_310 = arith.constant 0 : i32
        %dma_wait3A_311 = tpu.memref_slice %arg13[%dma_wait3A_309, %dma_wait3A_310] : memref<10000x128xf32, #tpu.memory_space<vmem_shared>> -> memref<10000x128xf32, #tpu.memory_space<vmem_shared>>
        tpu.wait_indirect_dma semaphore(%run_scoped3A_299 : memref<!tpu.dma_semaphore, #tpu.memory_space<semaphore_mem>>) src(%arg11 : memref<80x128xf32, #tpu.memory_space<vmem>>) dst(%dma_wait3A_311 : memref<10000x128xf32, #tpu.memory_space<vmem_shared>>)
        tpu.yield
      }) : () -> ()
      %add3A_275 = arith.constant 4 : i32
      %add3A_276 = arith.addi %add3A_268, %add3A_275 : i32
      %lt3A_277 = arith.constant 25 : i32
      %lt3A_278 = arith.cmpi slt, %add3A_276, %lt3A_277 : i32
      %convert_element_type3A_279 = arith.extui %lt3A_278 : i1 to i32
      %cond3A_280 = arith.constant 0 : i32
      %cond3A_281 = arith.cmpi ne, %convert_element_type3A_279, %cond3A_280 : i32
      scf.if %cond3A_281 {
        %dma_start3A_299 = arith.constant 0 : i32
        %dma_start3A_300 = tpu.memref_slice %arg7[%add3A_276, %dma_start3A_299] : memref<25x80xi32, #tpu.memory_space<vmem>> -> memref<1x80xi32, #tpu.memory_space<vmem>>
        %dma_start3A_301 = tpu.memref_squeeze %dma_start3A_300 : memref<1x80xi32, #tpu.memory_space<vmem>> -> memref<80xi32, #tpu.memory_space<vmem>>
        %dma_start3A_302 = arith.constant 0 : i32
        %dma_start3A_303 = arith.constant 0 : i32
        %dma_start3A_304 = tpu.memref_slice %arg4[%dma_start3A_302, %dma_start3A_303] : memref<10000x128xf32, #tpu.memory_space<hbm>> -> memref<10000x128xf32, #tpu.memory_space<hbm>>
        tpu.enqueue_indirect_dma source(%dma_start3A_304 : memref<10000x128xf32, #tpu.memory_space<hbm>>) target(%arg11 : memref<80x128xf32, #tpu.memory_space<vmem>>) offsets(%dma_start3A_301 : memref<80xi32, #tpu.memory_space<vmem>>) semaphore(%arg16 : memref<!tpu.dma_semaphore, #tpu.memory_space<semaphore_mem>>)
      } else {
      }
      %mul3A_282 = arith.constant 4 : i32
      %mul3A_283 = arith.muli %mul3A_282, %scan3A_231 : i32
      %add3A_284 = arith.constant 3 : i32
      %add3A_285 = arith.addi %mul3A_283, %add3A_284 : i32
      %dma_wait3A_286 = arith.constant 0 : i32
      %dma_wait3A_287 = tpu.memref_slice %arg7[%add3A_285, %dma_wait3A_286] : memref<25x80xi32, #tpu.memory_space<vmem>> -> memref<1x80xi32, #tpu.memory_space<vmem>>
      %dma_wait3A_288 = tpu.memref_squeeze %dma_wait3A_287 : memref<1x80xi32, #tpu.memory_space<vmem>> -> memref<80xi32, #tpu.memory_space<vmem>>
      %dma_wait3A_289 = arith.constant 0 : i32
      %dma_wait3A_290 = arith.constant 0 : i32
      %dma_wait3A_291 = tpu.memref_slice %arg4[%dma_wait3A_289, %dma_wait3A_290] : memref<10000x128xf32, #tpu.memory_space<hbm>> -> memref<10000x128xf32, #tpu.memory_space<hbm>>
      tpu.wait_indirect_dma semaphore(%arg17 : memref<!tpu.dma_semaphore, #tpu.memory_space<semaphore_mem>>) src(%dma_wait3A_291 : memref<10000x128xf32, #tpu.memory_space<hbm>>) dst(%arg12 : memref<80x128xf32, #tpu.memory_space<vmem>>)
      "tpu.region"() ({
        %run_scoped3A_299 = tpu.sem_alloc : memref<!tpu.dma_semaphore, #tpu.memory_space<semaphore_mem>>
        %dma_start3A_300 = arith.constant 0 : i32
        %dma_start3A_301 = tpu.memref_slice %arg8[%add3A_285, %dma_start3A_300] : memref<25x80xi32, #tpu.memory_space<vmem>> -> memref<1x80xi32, #tpu.memory_space<vmem>>
        %dma_start3A_302 = tpu.memref_squeeze %dma_start3A_301 : memref<1x80xi32, #tpu.memory_space<vmem>> -> memref<80xi32, #tpu.memory_space<vmem>>
        %dma_start3A_303 = arith.constant 0 : i32
        %dma_start3A_304 = arith.constant 0 : i32
        %dma_start3A_305 = tpu.memref_slice %arg13[%dma_start3A_303, %dma_start3A_304] : memref<10000x128xf32, #tpu.memory_space<vmem_shared>> -> memref<10000x128xf32, #tpu.memory_space<vmem_shared>>
        tpu.enqueue_indirect_dma source(%arg12 : memref<80x128xf32, #tpu.memory_space<vmem>>) target(%dma_start3A_305 : memref<10000x128xf32, #tpu.memory_space<vmem_shared>>) offsets(%dma_start3A_302 : memref<80xi32, #tpu.memory_space<vmem>>) semaphore(%run_scoped3A_299 : memref<!tpu.dma_semaphore, #tpu.memory_space<semaphore_mem>>) {add = true}
        %dma_wait3A_306 = arith.constant 0 : i32
        %dma_wait3A_307 = tpu.memref_slice %arg8[%add3A_285, %dma_wait3A_306] : memref<25x80xi32, #tpu.memory_space<vmem>> -> memref<1x80xi32, #tpu.memory_space<vmem>>
        %dma_wait3A_308 = tpu.memref_squeeze %dma_wait3A_307 : memref<1x80xi32, #tpu.memory_space<vmem>> -> memref<80xi32, #tpu.memory_space<vmem>>
        %dma_wait3A_309 = arith.constant 0 : i32
        %dma_wait3A_310 = arith.constant 0 : i32
        %dma_wait3A_311 = tpu.memref_slice %arg13[%dma_wait3A_309, %dma_wait3A_310] : memref<10000x128xf32, #tpu.memory_space<vmem_shared>> -> memref<10000x128xf32, #tpu.memory_space<vmem_shared>>
        tpu.wait_indirect_dma semaphore(%run_scoped3A_299 : memref<!tpu.dma_semaphore, #tpu.memory_space<semaphore_mem>>) src(%arg12 : memref<80x128xf32, #tpu.memory_space<vmem>>) dst(%dma_wait3A_311 : memref<10000x128xf32, #tpu.memory_space<vmem_shared>>)
        tpu.yield
      }) : () -> ()
      %add3A_292 = arith.constant 4 : i32
      %add3A_293 = arith.addi %add3A_285, %add3A_292 : i32
      %lt3A_294 = arith.constant 25 : i32
      %lt3A_295 = arith.cmpi slt, %add3A_293, %lt3A_294 : i32
      %convert_element_type3A_296 = arith.extui %lt3A_295 : i1 to i32
      %cond3A_297 = arith.constant 0 : i32
      %cond3A_298 = arith.cmpi ne, %convert_element_type3A_296, %cond3A_297 : i32
      scf.if %cond3A_298 {
        %dma_start3A_299 = arith.constant 0 : i32
        %dma_start3A_300 = tpu.memref_slice %arg7[%add3A_293, %dma_start3A_299] : memref<25x80xi32, #tpu.memory_space<vmem>> -> memref<1x80xi32, #tpu.memory_space<vmem>>
        %dma_start3A_301 = tpu.memref_squeeze %dma_start3A_300 : memref<1x80xi32, #tpu.memory_space<vmem>> -> memref<80xi32, #tpu.memory_space<vmem>>
        %dma_start3A_302 = arith.constant 0 : i32
        %dma_start3A_303 = arith.constant 0 : i32
        %dma_start3A_304 = tpu.memref_slice %arg4[%dma_start3A_302, %dma_start3A_303] : memref<10000x128xf32, #tpu.memory_space<hbm>> -> memref<10000x128xf32, #tpu.memory_space<hbm>>
        tpu.enqueue_indirect_dma source(%dma_start3A_304 : memref<10000x128xf32, #tpu.memory_space<hbm>>) target(%arg12 : memref<80x128xf32, #tpu.memory_space<vmem>>) offsets(%dma_start3A_301 : memref<80xi32, #tpu.memory_space<vmem>>) semaphore(%arg17 : memref<!tpu.dma_semaphore, #tpu.memory_space<semaphore_mem>>)
      } else {
      }
    }
    %scan3A_212 = arith.constant 6 : i32
    %dma_wait3A_213 = arith.constant 24 : i32
    %dma_wait3A_214 = arith.constant 0 : i32
    %dma_wait3A_215 = tpu.memref_slice %arg7[%dma_wait3A_213, %dma_wait3A_214] : memref<25x80xi32, #tpu.memory_space<vmem>> -> memref<1x80xi32, #tpu.memory_space<vmem>>
    %dma_wait3A_216 = tpu.memref_squeeze %dma_wait3A_215 : memref<1x80xi32, #tpu.memory_space<vmem>> -> memref<80xi32, #tpu.memory_space<vmem>>
    %dma_wait3A_217 = arith.constant 0 : i32
    %dma_wait3A_218 = arith.constant 0 : i32
    %dma_wait3A_219 = tpu.memref_slice %arg4[%dma_wait3A_217, %dma_wait3A_218] : memref<10000x128xf32, #tpu.memory_space<hbm>> -> memref<10000x128xf32, #tpu.memory_space<hbm>>
    tpu.wait_indirect_dma semaphore(%arg14 : memref<!tpu.dma_semaphore, #tpu.memory_space<semaphore_mem>>) src(%dma_wait3A_219 : memref<10000x128xf32, #tpu.memory_space<hbm>>) dst(%arg9 : memref<80x128xf32, #tpu.memory_space<vmem>>)
    %run_scoped3A_220 = arith.constant 24 : i32
    "tpu.region"() ({
      %run_scoped3A_231 = tpu.sem_alloc : memref<!tpu.dma_semaphore, #tpu.memory_space<semaphore_mem>>
      %dma_start3A_232 = arith.constant 0 : i32
      %dma_start3A_233 = tpu.memref_slice %arg8[%run_scoped3A_220, %dma_start3A_232] : memref<25x80xi32, #tpu.memory_space<vmem>> -> memref<1x80xi32, #tpu.memory_space<vmem>>
      %dma_start3A_234 = tpu.memref_squeeze %dma_start3A_233 : memref<1x80xi32, #tpu.memory_space<vmem>> -> memref<80xi32, #tpu.memory_space<vmem>>
      %dma_start3A_235 = arith.constant 0 : i32
      %dma_start3A_236 = arith.constant 0 : i32
      %dma_start3A_237 = tpu.memref_slice %arg13[%dma_start3A_235, %dma_start3A_236] : memref<10000x128xf32, #tpu.memory_space<vmem_shared>> -> memref<10000x128xf32, #tpu.memory_space<vmem_shared>>
      tpu.enqueue_indirect_dma source(%arg9 : memref<80x128xf32, #tpu.memory_space<vmem>>) target(%dma_start3A_237 : memref<10000x128xf32, #tpu.memory_space<vmem_shared>>) offsets(%dma_start3A_234 : memref<80xi32, #tpu.memory_space<vmem>>) semaphore(%run_scoped3A_231 : memref<!tpu.dma_semaphore, #tpu.memory_space<semaphore_mem>>) {add = true}
      %dma_wait3A_238 = arith.constant 0 : i32
      %dma_wait3A_239 = tpu.memref_slice %arg8[%run_scoped3A_220, %dma_wait3A_238] : memref<25x80xi32, #tpu.memory_space<vmem>> -> memref<1x80xi32, #tpu.memory_space<vmem>>
      %dma_wait3A_240 = tpu.memref_squeeze %dma_wait3A_239 : memref<1x80xi32, #tpu.memory_space<vmem>> -> memref<80xi32, #tpu.memory_space<vmem>>
      %dma_wait3A_241 = arith.constant 0 : i32
      %dma_wait3A_242 = arith.constant 0 : i32
      %dma_wait3A_243 = tpu.memref_slice %arg13[%dma_wait3A_241, %dma_wait3A_242] : memref<10000x128xf32, #tpu.memory_space<vmem_shared>> -> memref<10000x128xf32, #tpu.memory_space<vmem_shared>>
      tpu.wait_indirect_dma semaphore(%run_scoped3A_231 : memref<!tpu.dma_semaphore, #tpu.memory_space<semaphore_mem>>) src(%arg9 : memref<80x128xf32, #tpu.memory_space<vmem>>) dst(%dma_wait3A_243 : memref<10000x128xf32, #tpu.memory_space<vmem_shared>>)
      tpu.yield
    }) : () -> ()
    %barrier3A_221 = arith.constant 0 : index
    tpu.barrier barrier_id(%barrier3A_221)
    %mul3A_222 = arith.constant 624 : i32
    %mul3A_223 = arith.muli %arg1, %mul3A_222 : i32
    %mul3A_224 = arith.constant 624 : i32
    %mul3A_225 = arith.muli %arg1, %mul3A_224 : i32
    "tpu.region"() ({
      %run_scoped3A_231 = tpu.sem_alloc : memref<!tpu.dma_semaphore, #tpu.memory_space<semaphore_mem>>
      %dma_start3A_232 = arith.constant 0 : i32
      %dma_start3A_233 = tpu.memref_slice %arg6[%arg0, %mul3A_225, %dma_start3A_232] : memref<2x10000x128xf32, #tpu.memory_space<hbm>> -> memref<1x624x128xf32, #tpu.memory_space<hbm>>
      %dma_start3A_234 = tpu.memref_squeeze %dma_start3A_233 : memref<1x624x128xf32, #tpu.memory_space<hbm>> -> memref<624x128xf32, #tpu.memory_space<hbm>>
      %dma_start3A_235 = arith.constant 0 : i32
      %dma_start3A_236 = tpu.memref_slice %arg13[%mul3A_223, %dma_start3A_235] : memref<10000x128xf32, #tpu.memory_space<vmem_shared>> -> memref<624x128xf32, #tpu.memory_space<vmem_shared>>
      tpu.enqueue_dma source(%dma_start3A_236 : memref<624x128xf32, #tpu.memory_space<vmem_shared>>) target(%dma_start3A_234 : memref<624x128xf32, #tpu.memory_space<hbm>>) target_semaphore(%run_scoped3A_231 : memref<!tpu.dma_semaphore, #tpu.memory_space<semaphore_mem>>)
      %dma_wait3A_237 = arith.constant 0 : i32
      %dma_wait3A_238 = tpu.memref_slice %arg6[%arg0, %mul3A_225, %dma_wait3A_237] : memref<2x10000x128xf32, #tpu.memory_space<hbm>> -> memref<1x624x128xf32, #tpu.memory_space<hbm>>
      %dma_wait3A_239 = tpu.memref_squeeze %dma_wait3A_238 : memref<1x624x128xf32, #tpu.memory_space<hbm>> -> memref<624x128xf32, #tpu.memory_space<hbm>>
      %dma_wait3A_240 = arith.constant 0 : i32
      %dma_wait3A_241 = tpu.memref_slice %arg13[%mul3A_223, %dma_wait3A_240] : memref<10000x128xf32, #tpu.memory_space<vmem_shared>> -> memref<624x128xf32, #tpu.memory_space<vmem_shared>>
      tpu.wait_dma2 semaphore(%run_scoped3A_231 : memref<!tpu.dma_semaphore, #tpu.memory_space<semaphore_mem>>) src(%dma_wait3A_241 : memref<624x128xf32, #tpu.memory_space<vmem_shared>>) dst(%dma_wait3A_239 : memref<624x128xf32, #tpu.memory_space<hbm>>)
      tpu.yield
    }) : () -> ()
    %eq3A_226 = arith.constant 15 : i32
    %eq3A_227 = arith.cmpi eq, %arg1, %eq3A_226 : i32
    %convert_element_type3A_228 = arith.extui %eq3A_227 : i1 to i32
    %cond3A_229 = arith.constant 0 : i32
    %cond3A_230 = arith.cmpi ne, %convert_element_type3A_228, %cond3A_229 : i32
    scf.if %cond3A_230 {
      "tpu.region"() ({
        %run_scoped3A_231 = tpu.sem_alloc : memref<!tpu.dma_semaphore, #tpu.memory_space<semaphore_mem>>
        %dma_start3A_232 = arith.constant 9984 : i32
        %dma_start3A_233 = arith.constant 0 : i32
        %dma_start3A_234 = tpu.memref_slice %arg6[%arg0, %dma_start3A_232, %dma_start3A_233] : memref<2x10000x128xf32, #tpu.memory_space<hbm>> -> memref<1x16x128xf32, #tpu.memory_space<hbm>>
        %dma_start3A_235 = tpu.memref_squeeze %dma_start3A_234 : memref<1x16x128xf32, #tpu.memory_space<hbm>> -> memref<16x128xf32, #tpu.memory_space<hbm>>
        %dma_start3A_236 = arith.constant 9984 : i32
        %dma_start3A_237 = arith.constant 0 : i32
        %dma_start3A_238 = tpu.memref_slice %arg13[%dma_start3A_236, %dma_start3A_237] : memref<10000x128xf32, #tpu.memory_space<vmem_shared>> -> memref<16x128xf32, #tpu.memory_space<vmem_shared>>
        tpu.enqueue_dma source(%dma_start3A_238 : memref<16x128xf32, #tpu.memory_space<vmem_shared>>) target(%dma_start3A_235 : memref<16x128xf32, #tpu.memory_space<hbm>>) target_semaphore(%run_scoped3A_231 : memref<!tpu.dma_semaphore, #tpu.memory_space<semaphore_mem>>)
        %dma_wait3A_239 = arith.constant 9984 : i32
        %dma_wait3A_240 = arith.constant 0 : i32
        %dma_wait3A_241 = tpu.memref_slice %arg6[%arg0, %dma_wait3A_239, %dma_wait3A_240] : memref<2x10000x128xf32, #tpu.memory_space<hbm>> -> memref<1x16x128xf32, #tpu.memory_space<hbm>>
        %dma_wait3A_242 = tpu.memref_squeeze %dma_wait3A_241 : memref<1x16x128xf32, #tpu.memory_space<hbm>> -> memref<16x128xf32, #tpu.memory_space<hbm>>
        %dma_wait3A_243 = arith.constant 9984 : i32
        %dma_wait3A_244 = arith.constant 0 : i32
        %dma_wait3A_245 = tpu.memref_slice %arg13[%dma_wait3A_243, %dma_wait3A_244] : memref<10000x128xf32, #tpu.memory_space<vmem_shared>> -> memref<16x128xf32, #tpu.memory_space<vmem_shared>>
        tpu.wait_dma2 semaphore(%run_scoped3A_231 : memref<!tpu.dma_semaphore, #tpu.memory_space<semaphore_mem>>) src(%dma_wait3A_245 : memref<16x128xf32, #tpu.memory_space<vmem_shared>>) dst(%dma_wait3A_242 : memref<16x128xf32, #tpu.memory_space<hbm>>)
        tpu.yield
      }) : () -> ()
    } else {
    }
    return
  }
}

module attributes {stable_mosaic.version = 14 : i64} {
  func.func @_mm_body(%arg0: memref<10000x32xf32, #tpu.memory_space<vmem>>, %arg1: memref<10000x128xf32, #tpu.memory_space<vmem>>, %arg2: memref<128x128xf32, #tpu.memory_space<vmem>>, %arg3: memref<10000x128xf32, #tpu.memory_space<vmem>>) attributes {dimension_semantics = [], scalar_prefetch = 0 : i64, scratch_operands = 0 : i64, tpu.core_type = #tpu.core_type<tc>} {
    %get3A = arith.constant 0 : index
    %get3A_0 = arith.constant 0 : index
    %get3A_1 = vector.load %arg0[%get3A, %get3A_0] : memref<10000x32xf32, #tpu.memory_space<vmem>>, vector<10000x32xf32>
    %reduce_sum3A = arith.constant dense<0.000000e+00> : vector<10000xf32>
    %reduce_sum3A_2 = vector.multi_reduction <add>, %get3A_1, %reduce_sum3A [1] : vector<10000x32xf32> to vector<10000xf32>
    %broadcast_in_dim3A = vector.shape_cast %reduce_sum3A_2 : vector<10000xf32> to vector<10000x1xf32>
    %max3A = arith.constant 1.000000e+00 : f32
    %max3A_3 = vector.broadcast %max3A : f32 to vector<10000x1xf32>
    %max3A_4 = arith.maximumf %broadcast_in_dim3A, %max3A_3 : vector<10000x1xf32>
    %rsqrt3A = math.rsqrt %max3A_4 : vector<10000x1xf32>
    %get3A_5 = arith.constant 0 : index
    %get3A_6 = arith.constant 0 : index
    %get3A_7 = vector.load %arg1[%get3A_5, %get3A_6] : memref<10000x128xf32, #tpu.memory_space<vmem>>, vector<10000x128xf32>
    %get3A_8 = arith.constant 0 : index
    %get3A_9 = arith.constant 0 : index
    %get3A_10 = vector.load %arg2[%get3A_8, %get3A_9] : memref<128x128xf32, #tpu.memory_space<vmem>>, vector<128x128xf32>
    %dot_general3A = arith.constant dense<0.000000e+00> : vector<10000x128xf32>
    %dot_general3A_11 = tpu.matmul %get3A_7, %get3A_10, %dot_general3A {dimension_numbers = #tpu.dot_dimension_numbers<[1], [0], [0], [1], [0, 0, 1, 1], [], []>, transpose_lhs_hint = false} : vector<10000x128xf32>, vector<128x128xf32>, vector<10000x128xf32> -> vector<10000x128xf32>
    %mul3A = vector.broadcast %rsqrt3A : vector<10000x1xf32> to vector<10000x128xf32>
    %mul3A_12 = arith.mulf %dot_general3A_11, %mul3A : vector<10000x128xf32>
    %swap3A = arith.constant 0 : index
    %swap3A_13 = arith.constant 0 : index
    %swap3A_14 = vector.load %arg3[%swap3A, %swap3A_13] : memref<10000x128xf32, #tpu.memory_space<vmem>>, vector<10000x128xf32>
    tpu.vector_store %arg3[%swap3A, %swap3A_13], %mul3A_12 {strides = array<i32>} : memref<10000x128xf32, #tpu.memory_space<vmem>>, vector<10000x128xf32>,
    return
  }
}

module attributes {stable_mosaic.version = 14 : i64} {
  func.func @_fin_body(%arg0: memref<10000x32xf32, #tpu.memory_space<vmem>>, %arg1: memref<2x10000x128xf32, #tpu.memory_space<vmem>>, %arg2: memref<1x128xf32, #tpu.memory_space<vmem>>, %arg3: memref<10000x128xf32, #tpu.memory_space<vmem>>) attributes {dimension_semantics = [], scalar_prefetch = 0 : i64, scratch_operands = 0 : i64, tpu.core_type = #tpu.core_type<tc>} {
    %get3A = arith.constant 0 : index
    %get3A_0 = arith.constant 0 : index
    %get3A_1 = vector.load %arg0[%get3A, %get3A_0] : memref<10000x32xf32, #tpu.memory_space<vmem>>, vector<10000x32xf32>
    %reduce_sum3A = arith.constant dense<0.000000e+00> : vector<10000xf32>
    %reduce_sum3A_2 = vector.multi_reduction <add>, %get3A_1, %reduce_sum3A [1] : vector<10000x32xf32> to vector<10000xf32>
    %broadcast_in_dim3A = vector.shape_cast %reduce_sum3A_2 : vector<10000xf32> to vector<10000x1xf32>
    %max3A = arith.constant 1.000000e+00 : f32
    %max3A_3 = vector.broadcast %max3A : f32 to vector<10000x1xf32>
    %max3A_4 = arith.maximumf %broadcast_in_dim3A, %max3A_3 : vector<10000x1xf32>
    %rsqrt3A = math.rsqrt %max3A_4 : vector<10000x1xf32>
    %get3A_5 = arith.constant 0 : index
    %get3A_6 = arith.constant 0 : index
    %get3A_7 = arith.constant 0 : index
    %get3A_8 = vector.load %arg1[%get3A_5, %get3A_6, %get3A_7] : memref<2x10000x128xf32, #tpu.memory_space<vmem>>, vector<1x10000x128xf32>
    %get3A_9 = vector.shape_cast %get3A_8 : vector<1x10000x128xf32> to vector<10000x128xf32>
    %get3A_10 = arith.constant 1 : index
    %get3A_11 = arith.constant 0 : index
    %get3A_12 = arith.constant 0 : index
    %get3A_13 = vector.load %arg1[%get3A_10, %get3A_11, %get3A_12] : memref<2x10000x128xf32, #tpu.memory_space<vmem>>, vector<1x10000x128xf32>
    %get3A_14 = vector.shape_cast %get3A_13 : vector<1x10000x128xf32> to vector<10000x128xf32>
    %add3A = arith.addf %get3A_9, %get3A_14 : vector<10000x128xf32>
    %mul3A = vector.broadcast %rsqrt3A : vector<10000x1xf32> to vector<10000x128xf32>
    %mul3A_15 = arith.mulf %add3A, %mul3A : vector<10000x128xf32>
    %get3A_16 = arith.constant 0 : index
    %get3A_17 = arith.constant 0 : index
    %get3A_18 = vector.load %arg2[%get3A_16, %get3A_17] : memref<1x128xf32, #tpu.memory_space<vmem>>, vector<1x128xf32>
    %add3A_19 = vector.broadcast %get3A_18 : vector<1x128xf32> to vector<10000x128xf32>
    %add3A_20 = arith.addf %mul3A_15, %add3A_19 : vector<10000x128xf32>
    %swap3A = arith.constant 0 : index
    %swap3A_21 = arith.constant 0 : index
    %swap3A_22 = vector.load %arg3[%swap3A, %swap3A_21] : memref<10000x128xf32, #tpu.memory_space<vmem>>, vector<10000x128xf32>
    tpu.vector_store %arg3[%swap3A, %swap3A_21], %add3A_20 {strides = array<i32>} : memref<10000x128xf32, #tpu.memory_space<vmem>>, vector<10000x128xf32>,
    return
  }
}

</mosaic_0001>

<sc_bundles>
// kernel: kernel.6.cloned.1.call-start
scs
__scs_entry_jumppad:
0x0: {  	(pc) =	sbr.rel $0x88, $3  }
0x1: {  	(tag) =	ssettag $0x0;
	lr =	simm.s32 $0x1  }
0x2: {  	[smem:$0x3F9D] =	sst lr;
	_ =	strace $0xD0000000  }
0x3: {  	_ = 	snop  }
0x4: {  	_ = 	snop  }
0x5: {  	_ = 	snop  }
0x6: {  	_ = 	snop  }
0x7: {  	_ = 	snop  }
__scs_overlays_trampoline_lowered:
0x8: {  	[smem:$0x3FAC] =	sst s0  }
0x9: {  	[smem:$0x3FAD] =	sst s1  }
0xa: {  	[smem:$0x3FAE] =	sst s2  }
0xb: {  	[smem:$0x3FAF] =	sst s3  }
0xc: {  	[smem:$0x3FB0] =	sst s4  }
0xd: {  	[smem:$0x3FB1] =	sst s5  }
0xe: {  	[smem:$0x3FB2] =	sst s6  }
0xf: {  	[smem:$0x3FB3] =	sst s7  }
0x10: {  	[smem:$0x3FB4] =	sst s8  }
0x11: {  	[smem:$0x3FB5] =	sst s9;
	s0 =	simm.s32 @!p0 $0x0  }
0x12: {  	s1 =	sld [smem:$0x3F9B];
	s0 =	simm.s32 @p0 $0x1  }
0x13: {  	[smem:$0x3FB6] =	sst s0;
	s0 =	simm.s32 @!p1 $0x0  }
0x14: {  	s2 =	sld [smem:$0x3F9A];
	s0 =	simm.s32 @p1 $0x1  }
0x15: {  	[smem:$0x3FB7] =	sst s0;
	s0 =	simm.s32 @!p2 $0x0  }
0x16: {  	s3 =	sld [smem:$0x3FDB];
	s0 =	simm.s32 @p2 $0x1  }
0x17: {  	s4 =	simm.s32 $0x1BF5;
	[smem:$0x3FB9] =	sst s0  }
0x18: {  	s0 =	sld [smem:$0x3F9C];
	_ =	swait.ge [sflag:s4], $0x0  }
0x19: {  	s7 =	sld [smem:$0x3F9D]  }
0x1a: {  	s8 =	sadd.s32 $0xFFFFE003, lr  }
0x1b: {  	s9 =	sadd.s32 $0xFFFFFEF7, lr;
	s5 =	simm.s32 $0xFFFFFFFF;
	p2 =	slt.u32 s8, $0xFFFFF086  }
0x1c: {  	p1 =	slt.u32 s9, $0xF7A;
	s5 =	simm.s32 @!p2 $0x0  }
0x1d: {  	s5 =	simm.s32 @p1 $0x1;
	p0 =	seq.s32 s7, s2  }
0x1e: {  	s7 =	smul.u32 @!p0 $0xF7A, s2;
	p2 =	seq.s32 @!p0 s5, $0x0  }
0x1f: {  	s9 =	smul.u32 $0xF7A, s1;
	s8 =	simm.s32 @!p0 $0x1BF5;
	p2 =	por !p2, p0  }
0x20: {  	[sflag:s8] =	ssyncset.s32 @!p0 $0xFFFFF086;
	s6 =	sadd.s32 @!p0 s3, s7;
	s7 =	simm.s32 @!p0 $0x108  }
0x21: {  	s3 =	sadd.s32 s3, s9;
	s6 =	sadd.s32 @!p0 $0x88, s6;
	s7 =	simm.s32 @p2 $0x1082  }
0x22: {  	[simem:s7], [sflag:s8] =	dma.local @!p0 [hbm:s6], $0xF7A  }
0x23: {  	s9 =	sor.u32 $0xD0000000, s2;
	s6 =	simm.s32 $0x108;
	_ =	swait.ge @!p0 [sflag:s8], $0x0  }
0x24: {  	s3 =	sadd.s32 $0x88, s3;
	s6 =	simm.s32 @!p1 $0x1082;
	[sflag:s4] =	ssyncset.s32 $0xFFFFF086  }
0x25: {  	[simem:s6], [sflag:s4] =	dma.local [hbm:s3], $0xF7A  }
0x26: {  	[smem:$0x3F9D] =	sst s1;
	(tag) =	ssettag s2;
	_ =	strace s9  }
0x27: {  	s1 =	sld [smem:$0x3FAD]  }
0x28: {  	s2 =	sld [smem:$0x3FAE]  }
0x29: {  	s4 =	sld [smem:$0x3FB0]  }
0x2a: {  	p0 =	seq.s32 s5, $0x0;
	s5 =	sld [smem:$0x3FB1]  }
0x2b: {  	s6 =	sld [smem:$0x3FB2]  }
0x2c: {  	s7 =	sld [smem:$0x3FB3]  }
0x2d: {  	s3 =	simm.s32 $0x108;
	s8 =	sld [smem:$0x3FB4]  }
0x2e: {  	s3 =	simm.s32 @!p0 $0x1082;
	s9 =	sld [smem:$0x3FB5]  }
0x2f: {  	lr =	sadd.s32 s0, s3;
	s0 =	sld [smem:$0x3FAC]  }
0x30: {  	s3 =	sld [smem:$0x3FAF]  }
0x31: {  	[smem:$0x3FB8] =	sst s10  }
0x32: {  	s10 =	sld [smem:$0x3FB6];
	_ =	sdelay $0x3  }
0x33: {  	p0 =	seq.s32 s10, $0x1;
	s10 =	sld [smem:$0x3FB8];
	_ =	sdelay $0x3  }
0x34: {  	[smem:$0x3FB8] =	sst s10  }
0x35: {  	s10 =	sld [smem:$0x3FB7];
	_ =	sdelay $0x3  }
0x36: {  	p1 =	seq.s32 s10, $0x1;
	s10 =	sld [smem:$0x3FB8];
	_ =	sdelay $0x3  }
0x37: {  	[smem:$0x3FB8] =	sst s10  }
0x38: {  	s10 =	sld [smem:$0x3FB9]  }
0x39: {  	_ = 	snop;
	(pc) =	sbr.ind lr, $3  }
0x3a: {  	_ = 	snop  }
0x3b: {  	_ = 	snop  }
0x3c: {  	p2 =	seq.s32 s10, $0x1;
	s10 =	sld [smem:$0x3FB8]  }
0x3d: {  	_ =	shalt  }
0x3e: {  	_ =	shalt  }
0x3f: {  	_ =	shalt  }
0x40: {  	_ =	shalt  }
0x41: {  	_ =	shalt  }
0x42: {  	_ =	shalt  }
0x43: {  	_ =	shalt  }
0x44: {  	_ =	shalt  }
0x45: {  	_ =	shalt  }
0x46: {  	_ =	shalt  }
0x47: {  	_ =	shalt  }
0x48: {  	_ =	shalt  }
0x49: {  	_ =	shalt  }
0x4a: {  	_ =	shalt  }
0x4b: {  	_ =	shalt  }
0x4c: {  	_ =	shalt  }
0x4d: {  	_ =	shalt  }
0x4e: {  	_ =	shalt  }
0x4f: {  	_ =	shalt  }
0x50: {  	_ =	shalt  }
0x51: {  	_ =	shalt  }
0x52: {  	_ =	shalt  }
0x53: {  	_ =	shalt  }
0x54: {  	_ =	shalt  }
0x55: {  	_ =	shalt  }
0x56: {  	_ =	shalt  }
0x57: {  	_ =	shalt  }
0x58: {  	_ =	shalt  }
0x59: {  	_ =	shalt  }
0x5a: {  	_ =	shalt  }
0x5b: {  	_ =	shalt  }
0x5c: {  	_ =	shalt  }
0x5d: {  	_ =	shalt  }
0x5e: {  	_ =	shalt  }
0x5f: {  	_ =	shalt  }
0x60: {  	_ =	shalt  }
0x61: {  	_ =	shalt  }
0x62: {  	_ =	shalt  }
0x63: {  	_ =	shalt  }
0x64: {  	_ =	shalt  }
0x65: {  	_ =	shalt  }
0x66: {  	_ =	shalt  }
0x67: {  	_ =	shalt  }
0x68: {  	_ =	shalt  }
0x69: {  	_ =	shalt  }
0x6a: {  	_ =	shalt  }
0x6b: {  	_ =	shalt  }
0x6c: {  	_ =	shalt  }
0x6d: {  	_ =	shalt  }
0x6e: {  	_ =	shalt  }
0x6f: {  	_ =	shalt  }
0x70: {  	_ =	shalt  }
0x71: {  	_ =	shalt  }
0x72: {  	_ =	shalt  }
0x73: {  	_ =	shalt  }
0x74: {  	_ =	shalt  }
0x75: {  	_ =	shalt  }
0x76: {  	_ =	shalt  }
0x77: {  	_ =	shalt  }
0x78: {  	_ =	shalt  }
0x79: {  	_ =	shalt  }
0x7a: {  	_ =	shalt  }
0x7b: {  	_ =	shalt  }
0x7c: {  	_ =	shalt  }
0x7d: {  	_ =	shalt  }
0x7e: {  	_ =	shalt  }
0x7f: {  	_ =	shalt  }
0x80: {  	_ =	shalt  }
0x81: {  	_ =	shalt  }
0x82: {  	_ =	shalt  }
0x83: {  	_ =	shalt  }
0x84: {  	_ =	shalt  }
0x85: {  	_ =	shalt  }
0x86: {  	_ =	shalt  }
0x87: {  	_ =	shalt  }
.Lfunc_end0:
.L_simem_size_0:
called_computation_lowered:
.L_overlay_start_0:
0x88: {  	s2 =	sld [smem:$0x3FD9]  }
0x89: {  	s3 =	sld [smem:$0x3FFE];
	_ =	sdelay $0x1  }
0x8a: {  	s1 =	srdreg.scid  }
0x8b: {  	s0 =	sand.u32 $0x1, s1  }
0x8c: {  	s17 =	sshll.u32 s0, $0xA;
	s2 =	sadd.s32 s3, s2  }
0x8d: {  	s2 =	sadd.s32 s2, s17  }
0x8e: {  	[smem:$0x3FC4] =	sst s2  }
0x8f: {  	_ = 	snop  }
0x90: {  	s2 =	sld [smem:$0x3FD0];
	(tm) =	ssettm $0x1  }
0x91: {  	s18 =	sld [smem:$0x3FFB];
	_ =	sdelay $0x3  }
0x92: {  	_ =	strace s18  }
0x93: {  	s3 =	sld [smem:$0x3FFC];
	_ =	sdelay $0x3  }
0x94: {  	_ =	strace s3  }
0x95: {  	s3 =	sld [smem:$0x3FFD];
	_ =	sdelay $0x3  }
0x96: {  	_ =	strace s3  }
0x97: {  	_ =	strace $0x8FFFFFFF  }
0x98: {  	s19 =	sld [smem:$0x3FDB];
	_ =	sdelay $0x1  }
0x99: {  	s4 =	simm.s32 $_scs_section_size  }
0x9a: {  	s5 =	simm.s32 $_size__tile_overlayer_lowered;
	s6 =	simm.s32 $_tile_overlayer_lowered  }
0x9b: {  	s22 =	simm.s32 $0x1BFF;
	s21 =	sshll.u32 s6, $0x1;
	s3 =	sadd.s32 s4, s19  }
0x9c: {  	s7 =	simm.s32 $0x0;
	s20 =	sshll.u32 s5, $0x1;
	s5 =	sadd.s32 s21, s3  }
0x9d: {  	[timem:s7], [sflag:s22] =	dma.local [hbm:s5], s20  }
0x9e: {  	_ =	swait.ge [sflag:s22], s20  }
0x9f: {  	s4 =	ssub.s32 $0x0, s20;
	[sflag:s22] =	ssyncset.done $0x0  }
0xa0: {  	[sflag:s22] =	ssyncadd.s32 s4;
	_ =	sdelay $0x1  }
0xa1: {  	s23 =	simm.s32 $0x1B8B  }
0xa2: {  	_ =	swait.ge [sflag:s23], $0x1  }
0xa3: {  	[sflag:s23] =	ssyncset.done $0x0  }
0xa4: {  	s25 =	simm.s32 $0x1B8E;
	s24 =	sld [smem:$0x3FFE];
	[sflag:s23] =	ssyncadd.s32 $0xFFFFFFFF  }
0xa5: {  	s26 =	simm.s32 $execute0_lowered;
	[smem:$0x3FD2] =	sst s25  }
0xa6: {  	s5 =	sshll.u32 s26, $0x1;
	_ =	strace $0x80000046;
	[dreg:$0x1] =	wrdreg $0xFFFFFFFF  }
0xa7: {  	s28 =	simm.s32 $_size_execute0_lowered;
	s3 =	sadd.s32 s3, s5;
	[dreg:$0x0] =	wrdreg $0x0  }
0xa8: {  	s5 =	sshll.u32 s28, $0x1;
	[dreg:$0x2] =	wrdreg s3  }
0xa9: {  	[dreg:$0x3] =	wrdreg s5  }
0xaa: {  	[dreg:$0x4] =	wrdreg $0xC0  }
0xab: {  	_ =	task [dreg:s7], $0x5FFFF  }
0xac: {  	[dreg:$0x1] =	wrdreg $0xFFFFFFFF  }
0xad: {  	[dreg:$0x0] =	wrdreg $0x60  }
0xae: {  	[dreg:$0x2] =	wrdreg s2  }
0xaf: {  	[dreg:$0x3] =	wrdreg s24  }
0xb0: {  	[dreg:$0x4] =	wrdreg $0x9  }
0xb1: {  	_ =	task.clear_ibuf [dreg:s7], $0x5FFFF;
	_ =	strace $0x90000046  }
0xb2: {  	s29 =	simm.s32 $0x9;
	_ =	strace $0x80000048  }
0xb3: {  	_ =	swait.ge [sflag:s29], $0x1  }
0xb4: {  	[sflag:s29] =	ssyncadd.s32 $0xFFFFFFFF  }
0xb5: {  	_ =	strace $0x90000048  }
0xb6: {  	_ =	sfence  }
0xb7: {  	s30 =	sld [smem:$0x0];
	_ =	sdelay $0x2  }
0xb8: {  	s31 =	sshll.u32 s1, $0xD;
	s1 =	sshrl.u32 s1, $0x2  }
0xb9: {  	s3 =	sand.u32 $0x4000, s31;
	s1 =	sadd.s32 s1, s30  }
0xba: {  	s0 =	sor.u32 s3, s0;
	s1 =	sshll.u32 s1, $0x11  }
0xbb: {  	s0 =	sor.u32 s1, s0  }
0xbc: {  	s0 =	sadd.s32 $0x8F2B, s0  }
0xbd: {  	[sflag:s0] =	ssyncadd.remote.s32 $0x1  }
0xbe: {  	_ =	sfence.sel $0xFFFF  }
0xbf: {  	[dreg:$0x0] =	wrdreg $0xFFFFFFFF;
	(pc) =	sbr.abs _section_cstart, $3  }
0xc0: {  	[dreg:$0x1] =	wrdreg $0xFFFFFFFF  }
0xc1: {  	_ =	task.clear_ibuf [dreg:s7], $0x2FFFF;
	_ =	strace $0x9FFFFFFF  }
0xc2: {  	(tm) =	ssettm $0x7FFFFFFF  }
0xc3: {  	_ =	shalt  }
tec
execute0_lowered:
.L_overlay_start_1:
0x0: {  	(tag) =	ssettag $0x1  }
0x1: {  	s3 =	rddreg [dreg:$0x0];
	s1 =	srdreg.scid  }
0x2: {  	s0 =	stileid.u32;
	s4 =	rddreg [dreg:$0x1]  }
0x3: {  	s8 =	simm.s32 $0x0;
	s5 =	sand.u32 $0x1, s1;
	s2 =	sshll.u32 s0, $0x1  }
0x4: {  	s6 =	sor.u32 s5, s2;
	s2 =	simm.s32 $0x0;
	s5 =	ssub.s32 $0x2, s5  }
0x5: {  	s6 =	smul.u32 $0x4F0, s6;
	[smem:$0x7FF] =	sst s2;
	s7 =	sshrl.u32 s5, $0x1  }
0x6: {  	s1 =	rddreg [dreg:$0x2];
	_ =	strace $0x80000047;
	s5 =	ssub.s32 s5, s7  }
0x7: {  	s7 =	simm.s32 $0x2780;
	s4 =	sadd.s32 s6, s4;
	s3 =	sadd.s32 s3, s6  }
0x8: {  	v0 =	vimm.f32 $0.0e+00;
	v1 =	vimm.f32 $1.000000000e+00;
	s5 =	smax.u32 s5, $0x1;
	s6 =	simm.s32 $0x1;
	s4 =	sadd.s32 $0x1000, s4  }
.LBB2_1:
0x9: {  	[tilespmem:s2], [sflag:$0x1] =	stream.linear.gather [hbm4b:s3+s2], $0x2780, $0x38;
	[tilespmem:$0x4F00] =	vst v63  }
0xa: {  	_ =	swait.ge [sflag:s6], $0x2780  }
0xb: {  	[sflag:s6] =	ssyncset.done $0x0  }
0xc: {  	s9 =	simm.s32 $0x0;
	[sflag:s6] =	ssyncadd.s32 $0xFFFFD880  }
.LBB2_2:
0xd: {  	p0 =	sne.s32 s9, $0x9C00  }
.Ltmp0:
0xe: {  	_ = 	snop;
	(pc) =	sbr.rel @p0 .LBB2_2-.Ltmp0, $3  }
0xf: {  	_ =	sdelay $0x1  }
0x10: {  	s10 =	sshra.s32 s9, $0x2  }
0x11: {  	s9 =	sadd.s32 $0x40, s9;
	[tilespmem:s10+$0x2780] =	vst v0  }
0x12: {  	s10 =	simm.s32 $0x0;
	s9 =	simm.s32 $0x40  }
.LBB2_4:
0x13: {  	p0 =	sne.s32 s9, $0x9C00;
	v2 =	vld [tilespmem:s10+$0x0];
	_ =	sdelay $0x3  }
.Ltmp1:
0x14: {  	(pc) =	sbr.rel @p0 .LBB2_4-.Ltmp1, $2  }
0x15: {  	_ =	sdelay $0x2  }
0x16: {  	s10 =	sshra.s32 s9, $0x2;
	s9 =	sadd.s32 $0x40, s9;
	[tilespmem:v2+s7+$0x0] =	vst.idx.add.f32.msk $0xffff, v1  }
0x17: {  	v2 =	vld [tilespmem:s10+$0x0];
	_ =	sdelay $0x5  }
0x18: {  	s8 =	sadd.s32 $0x1, s8  }
0x19: {  	p0 =	sne.s32 s8, s5  }
.Ltmp2:
0x1a: {  	[tilespmem:v2+s7+$0x0] =	vst.idx.add.f32.msk $0xffff, v1;
	(pc) =	sbr.rel @p0 .LBB2_1-.Ltmp2, $4  }
0x1b: {  	[hbm4b:s4+s2] =	stream.linear.scatter [tilespmem:s7], [sflag:$0x1], $0x2780, $0x38;
	[tilespmem:$0x4F00] =	vst v63  }
0x1c: {  	_ =	swait.ge [sflag:s6], $0x2780  }
0x1d: {  	[sflag:s6] =	ssyncset.done $0x0  }
0x1e: {  	[sflag:s6] =	ssyncadd.s32 $0xFFFFD880  }
0x1f: {  	_ =	sfence.sel $0x180000  }
0x20: {  	[bflag:$0x0] =	sbarrier.arrive $0xFFFF  }
0x21: {  	p0 =	sne.s32 s0, $0x0;
	_ =	strace $0x90000047  }
0x22: {  	s0 =	sadd.s32 @!p0 $0x100000, s1;
	[bflag:$0x2] =	sbarrier.arrive $0xFFFF  }
0x23: {  	[sflag:s0] =	ssyncadd.tile.s32 @!p0 $0x1;
	_ =	shalt  }
.Lfunc_end2:
_tile_overlayer_lowered:
.L_overlay_start_2:
0x24: {  	(tag) =	ssettag $0x2  }
0x25: {  	s0 =	rddreg [dreg:$0x0];
	s2 =	stileid.u32  }
0x26: {  	s1 =	rddreg [dreg:$0x1];
	p0 =	sne.s32 s2, $0x0  }
0x27: {  	s3 =	rddreg [dreg:$0x2];
	[bflag:$0x3] =	sbarrier.arrive $0xFFFF;
	s2 =	simm.s32 @!p0 $0x1C01  }
0x28: {  	[timem:s3], [sflag:s2] =	dma.local @!p0 [hbm:s0], s1  }
0x29: {  	s0 =	simm.s32 @!p0 $0x1  }
0x2a: {  	_ =	swait.ge @!p0 [sflag:s0], s1  }
0x2b: {  	s1 =	ssub.s32 @!p0 $0x0, s1;
	[sflag:s0] =	ssyncset.done @!p0 $0x0  }
0x2c: {  	[sflag:s0] =	ssyncadd.s32 @!p0 s1  }
0x2d: {  	[bflag:$0x3] =	sbarrier.arrive $0xFFFF  }
0x2e: {  	_ =	shalt  }

// kernel: kernel.9.cloned.1.call-start
scs
__scs_entry_jumppad:
0x0: {  	(pc) =	sbr.rel $0x88, $3  }
0x1: {  	(tag) =	ssettag $0x0;
	lr =	simm.s32 $0x1  }
0x2: {  	[smem:$0x3F9D] =	sst lr;
	_ =	strace $0xD0000000  }
0x3: {  	_ = 	snop  }
0x4: {  	_ = 	snop  }
0x5: {  	_ = 	snop  }
0x6: {  	_ = 	snop  }
0x7: {  	_ = 	snop  }
__scs_overlays_trampoline_lowered:
0x8: {  	[smem:$0x3FAC] =	sst s0  }
0x9: {  	[smem:$0x3FAD] =	sst s1  }
0xa: {  	[smem:$0x3FAE] =	sst s2  }
0xb: {  	[smem:$0x3FAF] =	sst s3  }
0xc: {  	[smem:$0x3FB0] =	sst s4  }
0xd: {  	[smem:$0x3FB1] =	sst s5  }
0xe: {  	[smem:$0x3FB2] =	sst s6  }
0xf: {  	[smem:$0x3FB3] =	sst s7  }
0x10: {  	[smem:$0x3FB4] =	sst s8  }
0x11: {  	[smem:$0x3FB5] =	sst s9;
	s0 =	simm.s32 @!p0 $0x0  }
0x12: {  	s1 =	sld [smem:$0x3F9B];
	s0 =	simm.s32 @p0 $0x1  }
0x13: {  	[smem:$0x3FB6] =	sst s0;
	s0 =	simm.s32 @!p1 $0x0  }
0x14: {  	s2 =	sld [smem:$0x3F9A];
	s0 =	simm.s32 @p1 $0x1  }
0x15: {  	[smem:$0x3FB7] =	sst s0;
	s0 =	simm.s32 @!p2 $0x0  }
0x16: {  	s3 =	sld [smem:$0x3FDB];
	s0 =	simm.s32 @p2 $0x1  }
0x17: {  	s4 =	simm.s32 $0x1BF5;
	[smem:$0x3FB9] =	sst s0  }
0x18: {  	s0 =	sld [smem:$0x3F9C];
	_ =	swait.ge [sflag:s4], $0x0  }
0x19: {  	s7 =	sld [smem:$0x3F9D]  }
0x1a: {  	s8 =	sadd.s32 $0xFFFFE003, lr  }
0x1b: {  	s9 =	sadd.s32 $0xFFFFFEF7, lr;
	s5 =	simm.s32 $0xFFFFFFFF;
	p2 =	slt.u32 s8, $0xFFFFF086  }
0x1c: {  	p1 =	slt.u32 s9, $0xF7A;
	s5 =	simm.s32 @!p2 $0x0  }
0x1d: {  	s5 =	simm.s32 @p1 $0x1;
	p0 =	seq.s32 s7, s2  }
0x1e: {  	s7 =	smul.u32 @!p0 $0xF7A, s2;
	p2 =	seq.s32 @!p0 s5, $0x0  }
0x1f: {  	s9 =	smul.u32 $0xF7A, s1;
	s8 =	simm.s32 @!p0 $0x1BF5;
	p2 =	por !p2, p0  }
0x20: {  	[sflag:s8] =	ssyncset.s32 @!p0 $0xFFFFF086;
	s6 =	sadd.s32 @!p0 s3, s7;
	s7 =	simm.s32 @!p0 $0x108  }
0x21: {  	s3 =	sadd.s32 s3, s9;
	s6 =	sadd.s32 @!p0 $0x88, s6;
	s7 =	simm.s32 @p2 $0x1082  }
0x22: {  	[simem:s7], [sflag:s8] =	dma.local @!p0 [hbm:s6], $0xF7A  }
0x23: {  	s9 =	sor.u32 $0xD0000000, s2;
	s6 =	simm.s32 $0x108;
	_ =	swait.ge @!p0 [sflag:s8], $0x0  }
0x24: {  	s3 =	sadd.s32 $0x88, s3;
	s6 =	simm.s32 @!p1 $0x1082;
	[sflag:s4] =	ssyncset.s32 $0xFFFFF086  }
0x25: {  	[simem:s6], [sflag:s4] =	dma.local [hbm:s3], $0xF7A  }
0x26: {  	[smem:$0x3F9D] =	sst s1;
	(tag) =	ssettag s2;
	_ =	strace s9  }
0x27: {  	s1 =	sld [smem:$0x3FAD]  }
0x28: {  	s2 =	sld [smem:$0x3FAE]  }
0x29: {  	s4 =	sld [smem:$0x3FB0]  }
0x2a: {  	p0 =	seq.s32 s5, $0x0;
	s5 =	sld [smem:$0x3FB1]  }
0x2b: {  	s6 =	sld [smem:$0x3FB2]  }
0x2c: {  	s7 =	sld [smem:$0x3FB3]  }
0x2d: {  	s3 =	simm.s32 $0x108;
	s8 =	sld [smem:$0x3FB4]  }
0x2e: {  	s3 =	simm.s32 @!p0 $0x1082;
	s9 =	sld [smem:$0x3FB5]  }
0x2f: {  	lr =	sadd.s32 s0, s3;
	s0 =	sld [smem:$0x3FAC]  }
0x30: {  	s3 =	sld [smem:$0x3FAF]  }
0x31: {  	[smem:$0x3FB8] =	sst s10  }
0x32: {  	s10 =	sld [smem:$0x3FB6];
	_ =	sdelay $0x3  }
0x33: {  	p0 =	seq.s32 s10, $0x1;
	s10 =	sld [smem:$0x3FB8];
	_ =	sdelay $0x3  }
0x34: {  	[smem:$0x3FB8] =	sst s10  }
0x35: {  	s10 =	sld [smem:$0x3FB7];
	_ =	sdelay $0x3  }
0x36: {  	p1 =	seq.s32 s10, $0x1;
	s10 =	sld [smem:$0x3FB8];
	_ =	sdelay $0x3  }
0x37: {  	[smem:$0x3FB8] =	sst s10  }
0x38: {  	s10 =	sld [smem:$0x3FB9]  }
0x39: {  	_ = 	snop;
	(pc) =	sbr.ind lr, $3  }
0x3a: {  	_ = 	snop  }
0x3b: {  	_ = 	snop  }
0x3c: {  	p2 =	seq.s32 s10, $0x1;
	s10 =	sld [smem:$0x3FB8]  }
0x3d: {  	_ =	shalt  }
0x3e: {  	_ =	shalt  }
0x3f: {  	_ =	shalt  }
0x40: {  	_ =	shalt  }
0x41: {  	_ =	shalt  }
0x42: {  	_ =	shalt  }
0x43: {  	_ =	shalt  }
0x44: {  	_ =	shalt  }
0x45: {  	_ =	shalt  }
0x46: {  	_ =	shalt  }
0x47: {  	_ =	shalt  }
0x48: {  	_ =	shalt  }
0x49: {  	_ =	shalt  }
0x4a: {  	_ =	shalt  }
0x4b: {  	_ =	shalt  }
0x4c: {  	_ =	shalt  }
0x4d: {  	_ =	shalt  }
0x4e: {  	_ =	shalt  }
0x4f: {  	_ =	shalt  }
0x50: {  	_ =	shalt  }
0x51: {  	_ =	shalt  }
0x52: {  	_ =	shalt  }
0x53: {  	_ =	shalt  }
0x54: {  	_ =	shalt  }
0x55: {  	_ =	shalt  }
0x56: {  	_ =	shalt  }
0x57: {  	_ =	shalt  }
0x58: {  	_ =	shalt  }
0x59: {  	_ =	shalt  }
0x5a: {  	_ =	shalt  }
0x5b: {  	_ =	shalt  }
0x5c: {  	_ =	shalt  }
0x5d: {  	_ =	shalt  }
0x5e: {  	_ =	shalt  }
0x5f: {  	_ =	shalt  }
0x60: {  	_ =	shalt  }
0x61: {  	_ =	shalt  }
0x62: {  	_ =	shalt  }
0x63: {  	_ =	shalt  }
0x64: {  	_ =	shalt  }
0x65: {  	_ =	shalt  }
0x66: {  	_ =	shalt  }
0x67: {  	_ =	shalt  }
0x68: {  	_ =	shalt  }
0x69: {  	_ =	shalt  }
0x6a: {  	_ =	shalt  }
0x6b: {  	_ =	shalt  }
0x6c: {  	_ =	shalt  }
0x6d: {  	_ =	shalt  }
0x6e: {  	_ =	shalt  }
0x6f: {  	_ =	shalt  }
0x70: {  	_ =	shalt  }
0x71: {  	_ =	shalt  }
0x72: {  	_ =	shalt  }
0x73: {  	_ =	shalt  }
0x74: {  	_ =	shalt  }
0x75: {  	_ =	shalt  }
0x76: {  	_ =	shalt  }
0x77: {  	_ =	shalt  }
0x78: {  	_ =	shalt  }
0x79: {  	_ =	shalt  }
0x7a: {  	_ =	shalt  }
0x7b: {  	_ =	shalt  }
0x7c: {  	_ =	shalt  }
0x7d: {  	_ =	shalt  }
0x7e: {  	_ =	shalt  }
0x7f: {  	_ =	shalt  }
0x80: {  	_ =	shalt  }
0x81: {  	_ =	shalt  }
0x82: {  	_ =	shalt  }
0x83: {  	_ =	shalt  }
0x84: {  	_ =	shalt  }
0x85: {  	_ =	shalt  }
0x86: {  	_ =	shalt  }
0x87: {  	_ =	shalt  }
.Lfunc_end0:
.L_simem_size_0:
called_computation.1_lowered:
.L_overlay_start_0:
0x88: {  	s2 =	sld [smem:$0x3FD9]  }
0x89: {  	s3 =	sld [smem:$0x3FFE];
	_ =	sdelay $0x1  }
0x8a: {  	s1 =	srdreg.scid  }
0x8b: {  	s0 =	sand.u32 $0x1, s1  }
0x8c: {  	s17 =	sshll.u32 s0, $0xA;
	s2 =	sadd.s32 s3, s2  }
0x8d: {  	s2 =	sadd.s32 s2, s17  }
0x8e: {  	[smem:$0x3FC4] =	sst s2  }
0x8f: {  	_ = 	snop  }
0x90: {  	s2 =	sld [smem:$0x3FD0];
	(tm) =	ssettm $0x1  }
0x91: {  	s18 =	sld [smem:$0x3FFB];
	_ =	sdelay $0x3  }
0x92: {  	_ =	strace s18  }
0x93: {  	s3 =	sld [smem:$0x3FFC];
	_ =	sdelay $0x3  }
0x94: {  	_ =	strace s3  }
0x95: {  	s3 =	sld [smem:$0x3FFD];
	_ =	sdelay $0x3  }
0x96: {  	_ =	strace s3  }
0x97: {  	_ =	strace $0x8FFFFFFF  }
0x98: {  	s19 =	sld [smem:$0x3FDB];
	_ =	sdelay $0x1  }
0x99: {  	s4 =	simm.s32 $_scs_section_size  }
0x9a: {  	s5 =	simm.s32 $_size__tile_overlayer_lowered;
	s6 =	simm.s32 $_tile_overlayer_lowered  }
0x9b: {  	s22 =	simm.s32 $0x1BFF;
	s21 =	sshll.u32 s6, $0x1;
	s3 =	sadd.s32 s4, s19  }
0x9c: {  	s7 =	simm.s32 $0x0;
	s20 =	sshll.u32 s5, $0x1;
	s5 =	sadd.s32 s21, s3  }
0x9d: {  	[timem:s7], [sflag:s22] =	dma.local [hbm:s5], s20  }
0x9e: {  	_ =	swait.ge [sflag:s22], s20  }
0x9f: {  	s4 =	ssub.s32 $0x0, s20;
	[sflag:s22] =	ssyncset.done $0x0  }
0xa0: {  	[sflag:s22] =	ssyncadd.s32 s4;
	_ =	sdelay $0x1  }
0xa1: {  	s23 =	simm.s32 $0x1B8B  }
0xa2: {  	_ =	swait.ge [sflag:s23], $0x1  }
0xa3: {  	[sflag:s23] =	ssyncset.done $0x0  }
0xa4: {  	s25 =	simm.s32 $0x1B8E;
	s24 =	sld [smem:$0x3FFE];
	[sflag:s23] =	ssyncadd.s32 $0xFFFFFFFF  }
0xa5: {  	s26 =	simm.s32 $execute0_lowered;
	[smem:$0x3FD2] =	sst s25  }
0xa6: {  	s5 =	sshll.u32 s26, $0x1;
	_ =	strace $0x80000049;
	[dreg:$0x1] =	wrdreg $0xFFFFFFFF  }
0xa7: {  	s28 =	simm.s32 $_size_execute0_lowered;
	s3 =	sadd.s32 s3, s5;
	[dreg:$0x0] =	wrdreg $0x0  }
0xa8: {  	s5 =	sshll.u32 s28, $0x1;
	[dreg:$0x2] =	wrdreg s3  }
0xa9: {  	[dreg:$0x3] =	wrdreg s5  }
0xaa: {  	[dreg:$0x4] =	wrdreg $0xC0  }
0xab: {  	_ =	task [dreg:s7], $0x5FFFF  }
0xac: {  	[dreg:$0x1] =	wrdreg $0xFFFFFFFF  }
0xad: {  	[dreg:$0x0] =	wrdreg $0x60  }
0xae: {  	[dreg:$0x2] =	wrdreg s24  }
0xaf: {  	[dreg:$0x3] =	wrdreg s2  }
0xb0: {  	[dreg:$0x4] =	wrdreg $0xC0000  }
0xb1: {  	[dreg:$0x5] =	wrdreg $0x9  }
0xb2: {  	_ =	task.clear_ibuf [dreg:s7], $0x6FFFF;
	_ =	strace $0x90000049  }
0xb3: {  	s29 =	simm.s32 $0x9;
	_ =	strace $0x8000004B  }
0xb4: {  	_ =	swait.ge [sflag:s29], $0x1  }
0xb5: {  	[sflag:s29] =	ssyncadd.s32 $0xFFFFFFFF  }
0xb6: {  	_ =	strace $0x9000004B  }
0xb7: {  	_ =	sfence  }
0xb8: {  	s30 =	sld [smem:$0x0];
	_ =	sdelay $0x2  }
0xb9: {  	s31 =	sshll.u32 s1, $0xD;
	s1 =	sshrl.u32 s1, $0x2  }
0xba: {  	s3 =	sand.u32 $0x4000, s31;
	s1 =	sadd.s32 s1, s30  }
0xbb: {  	s0 =	sor.u32 s3, s0;
	s1 =	sshll.u32 s1, $0x11  }
0xbc: {  	s0 =	sor.u32 s1, s0  }
0xbd: {  	s0 =	sadd.s32 $0x8F2B, s0  }
0xbe: {  	[sflag:s0] =	ssyncadd.remote.s32 $0x1  }
0xbf: {  	_ =	sfence.sel $0xFFFF  }
0xc0: {  	[dreg:$0x0] =	wrdreg $0xFFFFFFFF;
	(pc) =	sbr.abs _section_cstart, $3  }
0xc1: {  	[dreg:$0x1] =	wrdreg $0xFFFFFFFF  }
0xc2: {  	_ =	task.clear_ibuf [dreg:s7], $0x2FFFF;
	_ =	strace $0x9FFFFFFF  }
0xc3: {  	(tm) =	ssettm $0x7FFFFFFF  }
tec
execute0_lowered:
.L_overlay_start_1:
0x0: {  	(tag) =	ssettag $0x1  }
0x1: {  	s0 =	rddreg [dreg:$0x0]  }
0x2: {  	s1 =	rddreg [dreg:$0x1]  }
0x3: {  	s3 =	rddreg [dreg:$0x2]  }
0x4: {  	s2 =	srdreg.scid;
	s12 =	stileid.u32  }
0x5: {  	s4 =	simm.s32 $0x0;
	s2 =	sand.u32 $0x1, s2;
	s5 =	sshll.u32 s12, $0x1  }
0x6: {  	s6 =	smul.u32 $0x4E000, s12;
	[smem:$0x7FF] =	sst s4;
	s7 =	sadd.s32 $0x1EE00, s0  }
0x7: {  	s13 =	sadd.s32 $0x138000, s3;
	s8 =	sadd.s32 $0xAE00, s0;
	s10 =	sadd.s32 $0x1000, s0  }
0x8: {  	s0 =	sadd.s32 $0x32E00, s0;
	s25 =	smul.u32 $0x13800, s12;
	s31 =	sshll.u32 s12, $0x6  }
0x9: {  	p0 =	sne.s32 s12, $0xF;
	s5 =	sor.u32 s2, s5;
	_ =	strace $0x8000004A  }
0xa: {  	[dreg:$0x5] =	wrdreg s13;
	s23 =	ssub.s32 $0x2, s2;
	s2 =	smul.u32 $0x138800, s2  }
0xb: {  	[dreg:$0x12] =	wrdreg s10;
	s10 =	simm.s32 $0x50;
	s5 =	smul.u32 $0x5000, s5  }
0xc: {  	s13 =	simm.s32 $0x4800;
	s6 =	sshrl.u32 s6, $0x2;
	s11 =	sshrl.u32 s23, $0x1  }
0xd: {  	s6 =	sadd.s32 s6, s3;
	s29 =	sadd.s32 s25, s2;
	s5 =	sshrl.u32 s5, $0x3  }
0xe: {  	s2 =	sshrl.u32 s2, $0x3;
	[dreg:$0x4] =	wrdreg s6;
	s14 =	sadd.s32 s7, s5  }
0xf: {  	s6 =	sshrl.u32 s29, $0x3;
	s15 =	sadd.s32 s8, s5;
	[dreg:$0x6] =	wrdreg s14  }
0x10: {  	s9 =	sadd.s32 $0x200, s5;
	s30 =	sadd.s32 s0, s6;
	[dreg:$0x7] =	wrdreg s15  }
0x11: {  	s0 =	sadd.s32 s0, s2;
	s2 =	sor.u32 $0x1C05, s31;
	[dreg:$0x10] =	wrdreg s30  }
0x12: {  	s28 =	ssub.s32 s23, s11;
	s16 =	sadd.s32 s7, s9;
	[dreg:$0x13] =	wrdreg s2  }
0x13: {  	s18 =	sadd.s32 $0x400, s5;
	s17 =	sadd.s32 s8, s9;
	[dreg:$0x8] =	wrdreg s16  }
0x14: {  	s25 =	simm.s32 $0x1000;
	s19 =	sadd.s32 s7, s18;
	[dreg:$0x9] =	wrdreg s17  }
0x15: {  	s21 =	sadd.s32 $0x600, s5;
	s20 =	sadd.s32 s8, s18;
	[dreg:$0xa] =	wrdreg s19  }
0x16: {  	s11 =	simm.s32 $0x2000;
	s22 =	sadd.s32 s7, s21;
	[dreg:$0xb] =	wrdreg s20  }
0x17: {  	s5 =	sadd.s32 $0x800, s5;
	s24 =	sadd.s32 s8, s21;
	[dreg:$0xc] =	wrdreg s22  }
0x18: {  	s23 =	simm.s32 $0x3;
	s26 =	sadd.s32 s7, s5;
	[dreg:$0xd] =	wrdreg s24  }
0x19: {  	s5 =	sadd.s32 s8, s5;
	s0 =	sadd.s32 $0x27000, s0;
	[dreg:$0xe] =	wrdreg s26  }
0x1a: {  	s7 =	smax.u32 s28, $0x1;
	s8 =	simm.s32 $0x5;
	[dreg:$0xf] =	wrdreg s5  }
0x1b: {  	s15 =	simm.s32 $0x7000;
	s18 =	simm.s32 $0x1;
	[dreg:$0x11] =	wrdreg s0  }
0x1c: {  	s17 =	simm.s32 $0x9800;
	s20 =	simm.s32 $0x2;
	s26 =	simm.s32 $0x4  }
.LBB2_1:
0x1d: {  	s19 =	rddreg [dreg:$0x4]  }
0x1e: {  	s24 =	rddreg [dreg:$0x12]  }
0x1f: {  	s0 =	rddreg [dreg:$0x13];
	s2 =	sshrl.u32 s19, $0x3  }
0x20: {  	[dreg:$0x14] =	wrdreg s2  }
0x21: {  	[spmem:s2], [sflag:s0] =	dma.local [hbm:s24], $0x2700  }
0x22: {  	_ =	swait.ge [sflag:s8], $0x2700  }
0x23: {  	s19 =	rddreg [dreg:$0x5]  }
0x24: {  	[sflag:s8] =	ssyncset.done $0x0;
	s2 =	sshrl.u32 @!p0 s19, $0x3  }
0x25: {  	[sflag:s8] =	ssyncadd.s32 $0xFFFFD900;
	[dreg:$0x15] =	wrdreg s2  }
0x26: {  	[spmem:s2], [sflag:s0] =	dma.local @!p0 [hbm:s24], $0x100  }
0x27: {  	s2 =	simm.s32 @!p0 $0x5  }
0x28: {  	_ =	swait.ge @!p0 [sflag:s2], $0x100  }
0x29: {  	[sflag:s2] =	ssyncset.done @!p0 $0x0  }
0x2a: {  	[sflag:s2] =	ssyncadd.s32 @!p0 $0xFFFFFF00  }
0x2b: {  	[bflag:$0x0] =	sbarrier.arrive $0xFFFF  }
0x2c: {  	s22 =	rddreg [dreg:$0x6]  }
0x2d: {  	[tilespmem:s4], [sflag:$0x5] =	stream.linear.gather [hbm4b:s22+s4], $0xC80, $0x38;
	[tilespmem:$0x1F880] =	vst v63  }
0x2e: {  	_ =	swait.ge [sflag:s8], $0xC80  }
0x2f: {  	[sflag:s8] =	ssyncset.done $0x0  }
0x30: {  	s28 =	rddreg [dreg:$0x7];
	[sflag:s8] =	ssyncadd.s32 $0xFFFFF380  }
0x31: {  	[tilespmem:s25], [sflag:$0x5] =	stream.linear.gather [hbm4b:s28+s4], $0xC80, $0x38;
	[tilespmem:$0x1F880] =	vst v63  }
0x32: {  	_ =	swait.ge [sflag:s8], $0xC80  }
0x33: {  	[sflag:s8] =	ssyncset.done $0x0  }
0x34: {  	[sflag:s8] =	ssyncadd.s32 $0xFFFFF380  }
0x35: {  	[tilespmem:s11], [sflag:$0x1] =	stream.indirect.gather [hbm4b:s1+s10], $0x80, s4, s10, $0xb8;
	[tilespmem:$0x1F880] =	vst v63  }
0x36: {  	s29 =	simm.s32 $0x80  }
0x37: {  	[tilespmem:s13], [sflag:$0x2] =	stream.indirect.gather [hbm4b:s1+s10], $0x80, s29, s10, $0xb8;
	[tilespmem:$0x1F880] =	vst v63  }
0x38: {  	s30 =	simm.s32 $0x100  }
0x39: {  	[tilespmem:s15], [sflag:$0x3] =	stream.indirect.gather [hbm4b:s1+s10], $0x80, s30, s10, $0xb8;
	[tilespmem:$0x1F880] =	vst v63  }
0x3a: {  	s31 =	simm.s32 $0x180  }
0x3b: {  	[tilespmem:s17], [sflag:$0x4] =	stream.indirect.gather [hbm4b:s1+s10], $0x80, s31, s10, $0xb8;
	[tilespmem:$0x1F880] =	vst v63  }
0x3c: {  	_ =	swait.ge [sflag:s18], $0x2800  }
0x3d: {  	[sflag:s18] =	ssyncset.done $0x0  }
0x3e: {  	[sflag:s18] =	ssyncadd.s32 $0xFFFFD800  }
0x3f: {  	[spmem:s3] =	stream.indirect.scatter.add.f32 [tilespmem:s11], [sflag:$0x5], $0x80, s25, s10, $0xb8;
	[tilespmem:$0x1F880] =	vst v63  }
0x40: {  	_ =	swait.ge [sflag:s8], $0x2800  }
0x41: {  	[sflag:s8] =	ssyncset.done $0x0  }
0x42: {  	s5 =	simm.s32 $0x200;
	[sflag:s8] =	ssyncadd.s32 $0xFFFFD800  }
0x43: {  	[tilespmem:s11], [sflag:$0x1] =	stream.indirect.gather [hbm4b:s1+s10], $0x80, s5, s10, $0xb8;
	[tilespmem:$0x1F880] =	vst v63  }
0x44: {  	_ =	swait.ge [sflag:s20], $0x2800  }
0x45: {  	[sflag:s20] =	ssyncset.done $0x0  }
0x46: {  	s9 =	simm.s32 $0x1080;
	[sflag:s20] =	ssyncadd.s32 $0xFFFFD800  }
0x47: {  	[spmem:s3] =	stream.indirect.scatter.add.f32 [tilespmem:s13], [sflag:$0x5], $0x80, s9, s10, $0xb8;
	[tilespmem:$0x1F880] =	vst v63  }
0x48: {  	_ =	swait.ge [sflag:s8], $0x2800  }
0x49: {  	[sflag:s8] =	ssyncset.done $0x0  }
0x4a: {  	s12 =	simm.s32 $0x280;
	[sflag:s8] =	ssyncadd.s32 $0xFFFFD800  }
0x4b: {  	[tilespmem:s13], [sflag:$0x2] =	stream.indirect.gather [hbm4b:s1+s10], $0x80, s12, s10, $0xb8;
	[tilespmem:$0x1F880] =	vst v63  }
0x4c: {  	_ =	swait.ge [sflag:s23], $0x2800  }
0x4d: {  	[sflag:s23] =	ssyncset.done $0x0  }
0x4e: {  	s5 =	simm.s32 $0x1100;
	[sflag:s23] =	ssyncadd.s32 $0xFFFFD800  }
0x4f: {  	[spmem:s3] =	stream.indirect.scatter.add.f32 [tilespmem:s15], [sflag:$0x5], $0x80, s5, s10, $0xb8;
	[tilespmem:$0x1F880] =	vst v63  }
0x50: {  	_ =	swait.ge [sflag:s8], $0x2800  }
0x51: {  	[sflag:s8] =	ssyncset.done $0x0  }
0x52: {  	s19 =	simm.s32 $0x300;
	[sflag:s8] =	ssyncadd.s32 $0xFFFFD800  }
0x53: {  	[tilespmem:s15], [sflag:$0x3] =	stream.indirect.gather [hbm4b:s1+s10], $0x80, s19, s10, $0xb8;
	[tilespmem:$0x1F880] =	vst v63  }
0x54: {  	_ =	swait.ge [sflag:s26], $0x2800  }
0x55: {  	[sflag:s26] =	ssyncset.done $0x0  }
0x56: {  	s21 =	simm.s32 $0x1180;
	[sflag:s26] =	ssyncadd.s32 $0xFFFFD800  }
0x57: {  	[spmem:s3] =	stream.indirect.scatter.add.f32 [tilespmem:s17], [sflag:$0x5], $0x80, s21, s10, $0xb8;
	[tilespmem:$0x1F880] =	vst v63  }
0x58: {  	_ =	swait.ge [sflag:s8], $0x2800  }
0x59: {  	[sflag:s8] =	ssyncset.done $0x0  }
0x5a: {  	s22 =	simm.s32 $0x380;
	[sflag:s8] =	ssyncadd.s32 $0xFFFFD800  }
0x5b: {  	[tilespmem:s17], [sflag:$0x4] =	stream.indirect.gather [hbm4b:s1+s10], $0x80, s22, s10, $0xb8;
	[tilespmem:$0x1F880] =	vst v63  }
0x5c: {  	_ =	swait.ge [sflag:s18], $0x2800  }
0x5d: {  	[sflag:s18] =	ssyncset.done $0x0  }
0x5e: {  	s24 =	simm.s32 $0x1200;
	[sflag:s18] =	ssyncadd.s32 $0xFFFFD800  }
0x5f: {  	[spmem:s3] =	stream.indirect.scatter.add.f32 [tilespmem:s11], [sflag:$0x5], $0x80, s24, s10, $0xb8;
	[tilespmem:$0x1F880] =	vst v63  }
0x60: {  	_ =	swait.ge [sflag:s8], $0x2800  }
0x61: {  	[sflag:s8] =	ssyncset.done $0x0  }
0x62: {  	s28 =	simm.s32 $0x400;
	[sflag:s8] =	ssyncadd.s32 $0xFFFFD800  }
0x63: {  	[tilespmem:s11], [sflag:$0x1] =	stream.indirect.gather [hbm4b:s1+s10], $0x80, s28, s10, $0xb8;
	[tilespmem:$0x1F880] =	vst v63  }
0x64: {  	_ =	swait.ge [sflag:s20], $0x2800  }
0x65: {  	[sflag:s20] =	ssyncset.done $0x0  }
0x66: {  	s29 =	simm.s32 $0x1280;
	[sflag:s20] =	ssyncadd.s32 $0xFFFFD800  }
0x67: {  	[spmem:s3] =	stream.indirect.scatter.add.f32 [tilespmem:s13], [sflag:$0x5], $0x80, s29, s10, $0xb8;
	[tilespmem:$0x1F880] =	vst v63  }
0x68: {  	_ =	swait.ge [sflag:s8], $0x2800  }
0x69: {  	[sflag:s8] =	ssyncset.done $0x0  }
0x6a: {  	s30 =	simm.s32 $0x480;
	[sflag:s8] =	ssyncadd.s32 $0xFFFFD800  }
0x6b: {  	[tilespmem:s13], [sflag:$0x2] =	stream.indirect.gather [hbm4b:s1+s10], $0x80, s30, s10, $0xb8;
	[tilespmem:$0x1F880] =	vst v63  }
0x6c: {  	_ =	swait.ge [sflag:s23], $0x2800  }
0x6d: {  	[sflag:s23] =	ssyncset.done $0x0  }
0x6e: {  	s31 =	simm.s32 $0x1300;
	[sflag:s23] =	ssyncadd.s32 $0xFFFFD800  }
0x6f: {  	[spmem:s3] =	stream.indirect.scatter.add.f32 [tilespmem:s15], [sflag:$0x5], $0x80, s31, s10, $0xb8;
	[tilespmem:$0x1F880] =	vst v63  }
0x70: {  	_ =	swait.ge [sflag:s8], $0x2800  }
0x71: {  	[sflag:s8] =	ssyncset.done $0x0  }
0x72: {  	s5 =	simm.s32 $0x500;
	[sflag:s8] =	ssyncadd.s32 $0xFFFFD800  }
0x73: {  	[tilespmem:s15], [sflag:$0x3] =	stream.indirect.gather [hbm4b:s1+s10], $0x80, s5, s10, $0xb8;
	[tilespmem:$0x1F880] =	vst v63  }
0x74: {  	_ =	swait.ge [sflag:s26], $0x2800  }
0x75: {  	[sflag:s26] =	ssyncset.done $0x0  }
0x76: {  	s9 =	simm.s32 $0x1380;
	[sflag:s26] =	ssyncadd.s32 $0xFFFFD800  }
0x77: {  	[spmem:s3] =	stream.indirect.scatter.add.f32 [tilespmem:s17], [sflag:$0x5], $0x80, s9, s10, $0xb8;
	[tilespmem:$0x1F880] =	vst v63  }
0x78: {  	_ =	swait.ge [sflag:s8], $0x2800  }
0x79: {  	[sflag:s8] =	ssyncset.done $0x0  }
0x7a: {  	s19 =	simm.s32 $0x580;
	[sflag:s8] =	ssyncadd.s32 $0xFFFFD800  }
0x7b: {  	[tilespmem:s17], [sflag:$0x4] =	stream.indirect.gather [hbm4b:s1+s10], $0x80, s19, s10, $0xb8;
	[tilespmem:$0x1F880] =	vst v63  }
0x7c: {  	_ =	swait.ge [sflag:s18], $0x2800  }
0x7d: {  	[sflag:s18] =	ssyncset.done $0x0  }
0x7e: {  	s21 =	simm.s32 $0x1400;
	[sflag:s18] =	ssyncadd.s32 $0xFFFFD800  }
0x7f: {  	[spmem:s3] =	stream.indirect.scatter.add.f32 [tilespmem:s11], [sflag:$0x5], $0x80, s21, s10, $0xb8;
	[tilespmem:$0x1F880] =	vst v63  }
0x80: {  	_ =	swait.ge [sflag:s8], $0x2800  }
0x81: {  	[sflag:s8] =	ssyncset.done $0x0  }
0x82: {  	s22 =	simm.s32 $0x600;
	[sflag:s8] =	ssyncadd.s32 $0xFFFFD800  }
0x83: {  	[tilespmem:s11], [sflag:$0x1] =	stream.indirect.gather [hbm4b:s1+s10], $0x80, s22, s10, $0xb8;
	[tilespmem:$0x1F880] =	vst v63  }
0x84: {  	_ =	swait.ge [sflag:s20], $0x2800  }
0x85: {  	[sflag:s20] =	ssyncset.done $0x0  }
0x86: {  	s28 =	simm.s32 $0x1480;
	[sflag:s20] =	ssyncadd.s32 $0xFFFFD800  }
0x87: {  	[spmem:s3] =	stream.indirect.scatter.add.f32 [tilespmem:s13], [sflag:$0x5], $0x80, s28, s10, $0xb8;
	[tilespmem:$0x1F880] =	vst v63  }
0x88: {  	_ =	swait.ge [sflag:s8], $0x2800  }
0x89: {  	[sflag:s8] =	ssyncset.done $0x0  }
0x8a: {  	s29 =	simm.s32 $0x680;
	[sflag:s8] =	ssyncadd.s32 $0xFFFFD800  }
0x8b: {  	[tilespmem:s13], [sflag:$0x2] =	stream.indirect.gather [hbm4b:s1+s10], $0x80, s29, s10, $0xb8;
	[tilespmem:$0x1F880] =	vst v63  }
0x8c: {  	_ =	swait.ge [sflag:s23], $0x2800  }
0x8d: {  	[sflag:s23] =	ssyncset.done $0x0  }
0x8e: {  	s30 =	simm.s32 $0x1500;
	[sflag:s23] =	ssyncadd.s32 $0xFFFFD800  }
0x8f: {  	[spmem:s3] =	stream.indirect.scatter.add.f32 [tilespmem:s15], [sflag:$0x5], $0x80, s30, s10, $0xb8;
	[tilespmem:$0x1F880] =	vst v63  }
0x90: {  	_ =	swait.ge [sflag:s8], $0x2800  }
0x91: {  	[sflag:s8] =	ssyncset.done $0x0  }
0x92: {  	s31 =	simm.s32 $0x700;
	[sflag:s8] =	ssyncadd.s32 $0xFFFFD800  }
0x93: {  	[tilespmem:s15], [sflag:$0x3] =	stream.indirect.gather [hbm4b:s1+s10], $0x80, s31, s10, $0xb8;
	[tilespmem:$0x1F880] =	vst v63  }
0x94: {  	_ =	swait.ge [sflag:s26], $0x2800  }
0x95: {  	[sflag:s26] =	ssyncset.done $0x0  }
0x96: {  	s9 =	simm.s32 $0x1580;
	[sflag:s26] =	ssyncadd.s32 $0xFFFFD800  }
0x97: {  	[spmem:s3] =	stream.indirect.scatter.add.f32 [tilespmem:s17], [sflag:$0x5], $0x80, s9, s10, $0xb8;
	[tilespmem:$0x1F880] =	vst v63  }
0x98: {  	_ =	swait.ge [sflag:s8], $0x2800  }
0x99: {  	[sflag:s8] =	ssyncset.done $0x0  }
0x9a: {  	s22 =	simm.s32 $0x780;
	[sflag:s8] =	ssyncadd.s32 $0xFFFFD800  }
0x9b: {  	[tilespmem:s17], [sflag:$0x4] =	stream.indirect.gather [hbm4b:s1+s10], $0x80, s22, s10, $0xb8;
	[tilespmem:$0x1F880] =	vst v63  }
0x9c: {  	_ =	swait.ge [sflag:s18], $0x2800  }
0x9d: {  	[sflag:s18] =	ssyncset.done $0x0  }
0x9e: {  	s28 =	simm.s32 $0x1600;
	[sflag:s18] =	ssyncadd.s32 $0xFFFFD800  }
0x9f: {  	[spmem:s3] =	stream.indirect.scatter.add.f32 [tilespmem:s11], [sflag:$0x5], $0x80, s28, s10, $0xb8;
	[tilespmem:$0x1F880] =	vst v63  }
0xa0: {  	_ =	swait.ge [sflag:s8], $0x2800  }
0xa1: {  	[sflag:s8] =	ssyncset.done $0x0  }
0xa2: {  	s29 =	simm.s32 $0x800;
	[sflag:s8] =	ssyncadd.s32 $0xFFFFD800  }
0xa3: {  	[tilespmem:s11], [sflag:$0x1] =	stream.indirect.gather [hbm4b:s1+s10], $0x80, s29, s10, $0xb8;
	[tilespmem:$0x1F880] =	vst v63  }
0xa4: {  	_ =	swait.ge [sflag:s20], $0x2800  }
0xa5: {  	[sflag:s20] =	ssyncset.done $0x0  }
0xa6: {  	s9 =	simm.s32 $0x1680;
	[sflag:s20] =	ssyncadd.s32 $0xFFFFD800  }
0xa7: {  	[spmem:s3] =	stream.indirect.scatter.add.f32 [tilespmem:s13], [sflag:$0x5], $0x80, s9, s10, $0xb8;
	[tilespmem:$0x1F880] =	vst v63  }
0xa8: {  	_ =	swait.ge [sflag:s8], $0x2800  }
0xa9: {  	[sflag:s8] =	ssyncset.done $0x0  }
0xaa: {  	s22 =	simm.s32 $0x880;
	[sflag:s8] =	ssyncadd.s32 $0xFFFFD800  }
0xab: {  	[tilespmem:s13], [sflag:$0x2] =	stream.indirect.gather [hbm4b:s1+s10], $0x80, s22, s10, $0xb8;
	[tilespmem:$0x1F880] =	vst v63  }
0xac: {  	_ =	swait.ge [sflag:s23], $0x2800  }
0xad: {  	[sflag:s23] =	ssyncset.done $0x0  }
0xae: {  	s28 =	simm.s32 $0x1700;
	[sflag:s23] =	ssyncadd.s32 $0xFFFFD800  }
0xaf: {  	[spmem:s3] =	stream.indirect.scatter.add.f32 [tilespmem:s15], [sflag:$0x5], $0x80, s28, s10, $0xb8;
	[tilespmem:$0x1F880] =	vst v63  }
0xb0: {  	_ =	swait.ge [sflag:s8], $0x2800  }
0xb1: {  	[sflag:s8] =	ssyncset.done $0x0  }
0xb2: {  	s29 =	simm.s32 $0x900;
	[sflag:s8] =	ssyncadd.s32 $0xFFFFD800  }
0xb3: {  	[tilespmem:s15], [sflag:$0x3] =	stream.indirect.gather [hbm4b:s1+s10], $0x80, s29, s10, $0xb8;
	[tilespmem:$0x1F880] =	vst v63  }
0xb4: {  	_ =	swait.ge [sflag:s26], $0x2800  }
0xb5: {  	[sflag:s26] =	ssyncset.done $0x0  }
0xb6: {  	s9 =	simm.s32 $0x1780;
	[sflag:s26] =	ssyncadd.s32 $0xFFFFD800  }
0xb7: {  	[spmem:s3] =	stream.indirect.scatter.add.f32 [tilespmem:s17], [sflag:$0x5], $0x80, s9, s10, $0xb8;
	[tilespmem:$0x1F880] =	vst v63  }
0xb8: {  	_ =	swait.ge [sflag:s8], $0x2800  }
0xb9: {  	[sflag:s8] =	ssyncset.done $0x0  }
0xba: {  	s22 =	simm.s32 $0x980;
	[sflag:s8] =	ssyncadd.s32 $0xFFFFD800  }
0xbb: {  	[tilespmem:s17], [sflag:$0x4] =	stream.indirect.gather [hbm4b:s1+s10], $0x80, s22, s10, $0xb8;
	[tilespmem:$0x1F880] =	vst v63  }
0xbc: {  	_ =	swait.ge [sflag:s18], $0x2800  }
0xbd: {  	[sflag:s18] =	ssyncset.done $0x0  }
0xbe: {  	s28 =	simm.s32 $0x1800;
	[sflag:s18] =	ssyncadd.s32 $0xFFFFD800  }
0xbf: {  	[spmem:s3] =	stream.indirect.scatter.add.f32 [tilespmem:s11], [sflag:$0x5], $0x80, s28, s10, $0xb8;
	[tilespmem:$0x1F880] =	vst v63  }
0xc0: {  	_ =	swait.ge [sflag:s8], $0x2800  }
0xc1: {  	[sflag:s8] =	ssyncset.done $0x0  }
0xc2: {  	s29 =	simm.s32 $0xA00;
	[sflag:s8] =	ssyncadd.s32 $0xFFFFD800  }
0xc3: {  	[tilespmem:s11], [sflag:$0x1] =	stream.indirect.gather [hbm4b:s1+s10], $0x80, s29, s10, $0xb8;
	[tilespmem:$0x1F880] =	vst v63  }
0xc4: {  	_ =	swait.ge [sflag:s20], $0x2800  }
0xc5: {  	[sflag:s20] =	ssyncset.done $0x0  }
0xc6: {  	s9 =	simm.s32 $0x1880;
	[sflag:s20] =	ssyncadd.s32 $0xFFFFD800  }
0xc7: {  	[spmem:s3] =	stream.indirect.scatter.add.f32 [tilespmem:s13], [sflag:$0x5], $0x80, s9, s10, $0xb8;
	[tilespmem:$0x1F880] =	vst v63  }
0xc8: {  	_ =	swait.ge [sflag:s8], $0x2800  }
0xc9: {  	[sflag:s8] =	ssyncset.done $0x0  }
0xca: {  	s22 =	simm.s32 $0xA80;
	[sflag:s8] =	ssyncadd.s32 $0xFFFFD800  }
0xcb: {  	[tilespmem:s13], [sflag:$0x2] =	stream.indirect.gather [hbm4b:s1+s10], $0x80, s22, s10, $0xb8;
	[tilespmem:$0x1F880] =	vst v63  }
0xcc: {  	_ =	swait.ge [sflag:s23], $0x2800  }
0xcd: {  	[sflag:s23] =	ssyncset.done $0x0  }
0xce: {  	s28 =	simm.s32 $0x1900;
	[sflag:s23] =	ssyncadd.s32 $0xFFFFD800  }
0xcf: {  	[spmem:s3] =	stream.indirect.scatter.add.f32 [tilespmem:s15], [sflag:$0x5], $0x80, s28, s10, $0xb8;
	[tilespmem:$0x1F880] =	vst v63  }
0xd0: {  	_ =	swait.ge [sflag:s8], $0x2800  }
0xd1: {  	[sflag:s8] =	ssyncset.done $0x0  }
0xd2: {  	s29 =	simm.s32 $0xB00;
	[sflag:s8] =	ssyncadd.s32 $0xFFFFD800  }
0xd3: {  	[tilespmem:s15], [sflag:$0x3] =	stream.indirect.gather [hbm4b:s1+s10], $0x80, s29, s10, $0xb8;
	[tilespmem:$0x1F880] =	vst v63  }
0xd4: {  	_ =	swait.ge [sflag:s26], $0x2800  }
0xd5: {  	[sflag:s26] =	ssyncset.done $0x0  }
0xd6: {  	s9 =	simm.s32 $0x1980;
	[sflag:s26] =	ssyncadd.s32 $0xFFFFD800  }
0xd7: {  	[spmem:s3] =	stream.indirect.scatter.add.f32 [tilespmem:s17], [sflag:$0x5], $0x80, s9, s10, $0xb8;
	[tilespmem:$0x1F880] =	vst v63  }
0xd8: {  	_ =	swait.ge [sflag:s8], $0x2800  }
0xd9: {  	[sflag:s8] =	ssyncset.done $0x0  }
0xda: {  	s22 =	simm.s32 $0xB80;
	[sflag:s8] =	ssyncadd.s32 $0xFFFFD800  }
0xdb: {  	[tilespmem:s17], [sflag:$0x4] =	stream.indirect.gather [hbm4b:s1+s10], $0x80, s22, s10, $0xb8;
	[tilespmem:$0x1F880] =	vst v63  }
0xdc: {  	_ =	swait.ge [sflag:s18], $0x2800  }
0xdd: {  	[sflag:s18] =	ssyncset.done $0x0  }
0xde: {  	s28 =	simm.s32 $0x1A00;
	[sflag:s18] =	ssyncadd.s32 $0xFFFFD800  }
0xdf: {  	[spmem:s3] =	stream.indirect.scatter.add.f32 [tilespmem:s11], [sflag:$0x5], $0x80, s28, s10, $0xb8;
	[tilespmem:$0x1F880] =	vst v63  }
0xe0: {  	_ =	swait.ge [sflag:s8], $0x2800  }
0xe1: {  	[sflag:s8] =	ssyncset.done $0x0  }
0xe2: {  	s29 =	simm.s32 $0xC00;
	[sflag:s8] =	ssyncadd.s32 $0xFFFFD800  }
0xe3: {  	[tilespmem:s11], [sflag:$0x1] =	stream.indirect.gather [hbm4b:s1+s10], $0x80, s29, s10, $0xb8;
	[tilespmem:$0x1F880] =	vst v63  }
0xe4: {  	_ =	swait.ge [sflag:s20], $0x2800  }
0xe5: {  	[sflag:s20] =	ssyncset.done $0x0  }
0xe6: {  	s9 =	simm.s32 $0x1A80;
	[sflag:s20] =	ssyncadd.s32 $0xFFFFD800  }
0xe7: {  	[spmem:s3] =	stream.indirect.scatter.add.f32 [tilespmem:s13], [sflag:$0x5], $0x80, s9, s10, $0xb8;
	[tilespmem:$0x1F880] =	vst v63  }
0xe8: {  	_ =	swait.ge [sflag:s8], $0x2800  }
0xe9: {  	[sflag:s8] =	ssyncset.done $0x0  }
0xea: {  	[sflag:s8] =	ssyncadd.s32 $0xFFFFD800  }
0xeb: {  	_ =	swait.ge [sflag:s23], $0x2800  }
0xec: {  	[sflag:s23] =	ssyncset.done $0x0  }
0xed: {  	s22 =	simm.s32 $0x1B00;
	[sflag:s23] =	ssyncadd.s32 $0xFFFFD800  }
0xee: {  	[spmem:s3] =	stream.indirect.scatter.add.f32 [tilespmem:s15], [sflag:$0x5], $0x80, s22, s10, $0xb8;
	[tilespmem:$0x1F880] =	vst v63  }
0xef: {  	_ =	swait.ge [sflag:s8], $0x2800  }
0xf0: {  	[sflag:s8] =	ssyncset.done $0x0  }
0xf1: {  	[sflag:s8] =	ssyncadd.s32 $0xFFFFD800  }
0xf2: {  	_ =	swait.ge [sflag:s26], $0x2800  }
0xf3: {  	[sflag:s26] =	ssyncset.done $0x0  }
0xf4: {  	s28 =	simm.s32 $0x1B80;
	[sflag:s26] =	ssyncadd.s32 $0xFFFFD800  }
0xf5: {  	[spmem:s3] =	stream.indirect.scatter.add.f32 [tilespmem:s17], [sflag:$0x5], $0x80, s28, s10, $0xb8;
	[tilespmem:$0x1F880] =	vst v63  }
0xf6: {  	_ =	swait.ge [sflag:s8], $0x2800  }
0xf7: {  	[sflag:s8] =	ssyncset.done $0x0  }
0xf8: {  	[sflag:s8] =	ssyncadd.s32 $0xFFFFD800  }
0xf9: {  	_ =	swait.ge [sflag:s18], $0x2800  }
0xfa: {  	[sflag:s18] =	ssyncset.done $0x0  }
0xfb: {  	s29 =	simm.s32 $0x1C00;
	[sflag:s18] =	ssyncadd.s32 $0xFFFFD800  }
0xfc: {  	[spmem:s3] =	stream.indirect.scatter.add.f32 [tilespmem:s11], [sflag:$0x5], $0x80, s29, s10, $0xb8;
	[tilespmem:$0x1F880] =	vst v63  }
0xfd: {  	_ =	swait.ge [sflag:s8], $0x2800  }
0xfe: {  	[sflag:s8] =	ssyncset.done $0x0  }
0xff: {  	s9 =	rddreg [dreg:$0x8];
	[sflag:s8] =	ssyncadd.s32 $0xFFFFD800  }
0x100: {  	[tilespmem:s4], [sflag:$0x5] =	stream.linear.gather [hbm4b:s9+s4], $0xC80, $0x38;
	[tilespmem:$0x1F880] =	vst v63  }
0x101: {  	_ =	swait.ge [sflag:s8], $0xC80  }
0x102: {  	[sflag:s8] =	ssyncset.done $0x0  }
0x103: {  	s22 =	rddreg [dreg:$0x9];
	[sflag:s8] =	ssyncadd.s32 $0xFFFFF380  }
0x104: {  	[tilespmem:s25], [sflag:$0x5] =	stream.linear.gather [hbm4b:s22+s4], $0xC80, $0x38;
	[tilespmem:$0x1F880] =	vst v63  }
0x105: {  	_ =	swait.ge [sflag:s8], $0xC80  }
0x106: {  	[sflag:s8] =	ssyncset.done $0x0  }
0x107: {  	[sflag:s8] =	ssyncadd.s32 $0xFFFFF380  }
0x108: {  	[tilespmem:s11], [sflag:$0x1] =	stream.indirect.gather [hbm4b:s1+s10], $0x80, s4, s10, $0xb8;
	[tilespmem:$0x1F880] =	vst v63  }
0x109: {  	s9 =	simm.s32 $0x80  }
0x10a: {  	[tilespmem:s13], [sflag:$0x2] =	stream.indirect.gather [hbm4b:s1+s10], $0x80, s9, s10, $0xb8;
	[tilespmem:$0x1F880] =	vst v63  }
0x10b: {  	s28 =	simm.s32 $0x100  }
0x10c: {  	[tilespmem:s15], [sflag:$0x3] =	stream.indirect.gather [hbm4b:s1+s10], $0x80, s28, s10, $0xb8;
	[tilespmem:$0x1F880] =	vst v63  }
0x10d: {  	s6 =	simm.s32 $0x180  }
0x10e: {  	[tilespmem:s17], [sflag:$0x4] =	stream.indirect.gather [hbm4b:s1+s10], $0x80, s6, s10, $0xb8;
	[tilespmem:$0x1F880] =	vst v63  }
0x10f: {  	_ =	swait.ge [sflag:s18], $0x2800  }
0x110: {  	[sflag:s18] =	ssyncset.done $0x0  }
0x111: {  	[sflag:s18] =	ssyncadd.s32 $0xFFFFD800  }
0x112: {  	[spmem:s3] =	stream.indirect.scatter.add.f32 [tilespmem:s11], [sflag:$0x5], $0x80, s25, s10, $0xb8;
	[tilespmem:$0x1F880] =	vst v63  }
0x113: {  	_ =	swait.ge [sflag:s8], $0x2800  }
0x114: {  	[sflag:s8] =	ssyncset.done $0x0  }
0x115: {  	s14 =	simm.s32 $0x200;
	[sflag:s8] =	ssyncadd.s32 $0xFFFFD800  }
0x116: {  	[tilespmem:s11], [sflag:$0x1] =	stream.indirect.gather [hbm4b:s1+s10], $0x80, s14, s10, $0xb8;
	[tilespmem:$0x1F880] =	vst v63  }
0x117: {  	_ =	swait.ge [sflag:s20], $0x2800  }
0x118: {  	[sflag:s20] =	ssyncset.done $0x0  }
0x119: {  	s16 =	simm.s32 $0x1080;
	[sflag:s20] =	ssyncadd.s32 $0xFFFFD800  }
0x11a: {  	[spmem:s3] =	stream.indirect.scatter.add.f32 [tilespmem:s13], [sflag:$0x5], $0x80, s16, s10, $0xb8;
	[tilespmem:$0x1F880] =	vst v63  }
0x11b: {  	_ =	swait.ge [sflag:s8], $0x2800  }
0x11c: {  	[sflag:s8] =	ssyncset.done $0x0  }
0x11d: {  	s29 =	simm.s32 $0x280;
	[sflag:s8] =	ssyncadd.s32 $0xFFFFD800  }
0x11e: {  	[tilespmem:s13], [sflag:$0x2] =	stream.indirect.gather [hbm4b:s1+s10], $0x80, s29, s10, $0xb8;
	[tilespmem:$0x1F880] =	vst v63  }
0x11f: {  	_ =	swait.ge [sflag:s23], $0x2800  }
0x120: {  	[sflag:s23] =	ssyncset.done $0x0  }
0x121: {  	s2 =	simm.s32 $0x1100;
	[sflag:s23] =	ssyncadd.s32 $0xFFFFD800  }
0x122: {  	[spmem:s3] =	stream.indirect.scatter.add.f32 [tilespmem:s15], [sflag:$0x5], $0x80, s2, s10, $0xb8;
	[tilespmem:$0x1F880] =	vst v63  }
0x123: {  	_ =	swait.ge [sflag:s8], $0x2800  }
0x124: {  	[sflag:s8] =	ssyncset.done $0x0  }
0x125: {  	s6 =	simm.s32 $0x300;
	[sflag:s8] =	ssyncadd.s32 $0xFFFFD800  }
0x126: {  	[tilespmem:s15], [sflag:$0x3] =	stream.indirect.gather [hbm4b:s1+s10], $0x80, s6, s10, $0xb8;
	[tilespmem:$0x1F880] =	vst v63  }
0x127: {  	_ =	swait.ge [sflag:s26], $0x2800  }
0x128: {  	[sflag:s26] =	ssyncset.done $0x0  }
0x129: {  	s12 =	simm.s32 $0x1180;
	[sflag:s26] =	ssyncadd.s32 $0xFFFFD800  }
0x12a: {  	[spmem:s3] =	stream.indirect.scatter.add.f32 [tilespmem:s17], [sflag:$0x5], $0x80, s12, s10, $0xb8;
	[tilespmem:$0x1F880] =	vst v63  }
0x12b: {  	_ =	swait.ge [sflag:s8], $0x2800  }
0x12c: {  	[sflag:s8] =	ssyncset.done $0x0  }
0x12d: {  	s2 =	simm.s32 $0x380;
	[sflag:s8] =	ssyncadd.s32 $0xFFFFD800  }
0x12e: {  	[tilespmem:s17], [sflag:$0x4] =	stream.indirect.gather [hbm4b:s1+s10], $0x80, s2, s10, $0xb8;
	[tilespmem:$0x1F880] =	vst v63  }
0x12f: {  	_ =	swait.ge [sflag:s18], $0x2800  }
0x130: {  	[sflag:s18] =	ssyncset.done $0x0  }
0x131: {  	s14 =	simm.s32 $0x1200;
	[sflag:s18] =	ssyncadd.s32 $0xFFFFD800  }
0x132: {  	[spmem:s3] =	stream.indirect.scatter.add.f32 [tilespmem:s11], [sflag:$0x5], $0x80, s14, s10, $0xb8;
	[tilespmem:$0x1F880] =	vst v63  }
0x133: {  	_ =	swait.ge [sflag:s8], $0x2800  }
0x134: {  	[sflag:s8] =	ssyncset.done $0x0  }
0x135: {  	s12 =	simm.s32 $0x400;
	[sflag:s8] =	ssyncadd.s32 $0xFFFFD800  }
0x136: {  	[tilespmem:s11], [sflag:$0x1] =	stream.indirect.gather [hbm4b:s1+s10], $0x80, s12, s10, $0xb8;
	[tilespmem:$0x1F880] =	vst v63  }
0x137: {  	_ =	swait.ge [sflag:s20], $0x2800  }
0x138: {  	[sflag:s20] =	ssyncset.done $0x0  }
0x139: {  	s16 =	simm.s32 $0x1280;
	[sflag:s20] =	ssyncadd.s32 $0xFFFFD800  }
0x13a: {  	[spmem:s3] =	stream.indirect.scatter.add.f32 [tilespmem:s13], [sflag:$0x5], $0x80, s16, s10, $0xb8;
	[tilespmem:$0x1F880] =	vst v63  }
0x13b: {  	_ =	swait.ge [sflag:s8], $0x2800  }
0x13c: {  	[sflag:s8] =	ssyncset.done $0x0  }
0x13d: {  	s22 =	simm.s32 $0x480;
	[sflag:s8] =	ssyncadd.s32 $0xFFFFD800  }
0x13e: {  	[tilespmem:s13], [sflag:$0x2] =	stream.indirect.gather [hbm4b:s1+s10], $0x80, s22, s10, $0xb8;
	[tilespmem:$0x1F880] =	vst v63  }
0x13f: {  	_ =	swait.ge [sflag:s23], $0x2800  }
0x140: {  	[sflag:s23] =	ssyncset.done $0x0  }
0x141: {  	s24 =	simm.s32 $0x1300;
	[sflag:s23] =	ssyncadd.s32 $0xFFFFD800  }
0x142: {  	[spmem:s3] =	stream.indirect.scatter.add.f32 [tilespmem:s15], [sflag:$0x5], $0x80, s24, s10, $0xb8;
	[tilespmem:$0x1F880] =	vst v63  }
0x143: {  	_ =	swait.ge [sflag:s8], $0x2800  }
0x144: {  	[sflag:s8] =	ssyncset.done $0x0  }
0x145: {  	s5 =	simm.s32 $0x500;
	[sflag:s8] =	ssyncadd.s32 $0xFFFFD800  }
0x146: {  	[tilespmem:s15], [sflag:$0x3] =	stream.indirect.gather [hbm4b:s1+s10], $0x80, s5, s10, $0xb8;
	[tilespmem:$0x1F880] =	vst v63  }
0x147: {  	_ =	swait.ge [sflag:s26], $0x2800  }
0x148: {  	[sflag:s26] =	ssyncset.done $0x0  }
0x149: {  	s24 =	simm.s32 $0x1380;
	[sflag:s26] =	ssyncadd.s32 $0xFFFFD800  }
0x14a: {  	[spmem:s3] =	stream.indirect.scatter.add.f32 [tilespmem:s17], [sflag:$0x5], $0x80, s24, s10, $0xb8;
	[tilespmem:$0x1F880] =	vst v63  }
0x14b: {  	_ =	swait.ge [sflag:s8], $0x2800  }
0x14c: {  	[sflag:s8] =	ssyncset.done $0x0  }
0x14d: {  	s24 =	simm.s32 $0x580;
	[sflag:s8] =	ssyncadd.s32 $0xFFFFD800  }
0x14e: {  	[tilespmem:s17], [sflag:$0x4] =	stream.indirect.gather [hbm4b:s1+s10], $0x80, s24, s10, $0xb8;
	[tilespmem:$0x1F880] =	vst v63  }
0x14f: {  	_ =	swait.ge [sflag:s18], $0x2800  }
0x150: {  	[sflag:s18] =	ssyncset.done $0x0  }
0x151: {  	s24 =	simm.s32 $0x1400;
	[sflag:s18] =	ssyncadd.s32 $0xFFFFD800  }
0x152: {  	[spmem:s3] =	stream.indirect.scatter.add.f32 [tilespmem:s11], [sflag:$0x5], $0x80, s24, s10, $0xb8;
	[tilespmem:$0x1F880] =	vst v63  }
0x153: {  	_ =	swait.ge [sflag:s8], $0x2800  }
0x154: {  	[sflag:s8] =	ssyncset.done $0x0  }
0x155: {  	s24 =	simm.s32 $0x600;
	[sflag:s8] =	ssyncadd.s32 $0xFFFFD800  }
0x156: {  	[tilespmem:s11], [sflag:$0x1] =	stream.indirect.gather [hbm4b:s1+s10], $0x80, s24, s10, $0xb8;
	[tilespmem:$0x1F880] =	vst v63  }
0x157: {  	_ =	swait.ge [sflag:s20], $0x2800  }
0x158: {  	[sflag:s20] =	ssyncset.done $0x0  }
0x159: {  	s19 =	simm.s32 $0x1480;
	[sflag:s20] =	ssyncadd.s32 $0xFFFFD800  }
0x15a: {  	[spmem:s3] =	stream.indirect.scatter.add.f32 [tilespmem:s13], [sflag:$0x5], $0x80, s19, s10, $0xb8;
	[tilespmem:$0x1F880] =	vst v63  }
0x15b: {  	_ =	swait.ge [sflag:s8], $0x2800  }
0x15c: {  	[sflag:s8] =	ssyncset.done $0x0  }
0x15d: {  	s21 =	simm.s32 $0x680;
	[sflag:s8] =	ssyncadd.s32 $0xFFFFD800  }
0x15e: {  	[tilespmem:s13], [sflag:$0x2] =	stream.indirect.gather [hbm4b:s1+s10], $0x80, s21, s10, $0xb8;
	[tilespmem:$0x1F880] =	vst v63  }
0x15f: {  	_ =	swait.ge [sflag:s23], $0x2800  }
0x160: {  	[sflag:s23] =	ssyncset.done $0x0  }
0x161: {  	s24 =	simm.s32 $0x1500;
	[sflag:s23] =	ssyncadd.s32 $0xFFFFD800  }
0x162: {  	[spmem:s3] =	stream.indirect.scatter.add.f32 [tilespmem:s15], [sflag:$0x5], $0x80, s24, s10, $0xb8;
	[tilespmem:$0x1F880] =	vst v63  }
0x163: {  	_ =	swait.ge [sflag:s8], $0x2800  }
0x164: {  	[sflag:s8] =	ssyncset.done $0x0  }
0x165: {  	s24 =	simm.s32 $0x700;
	[sflag:s8] =	ssyncadd.s32 $0xFFFFD800  }
0x166: {  	[tilespmem:s15], [sflag:$0x3] =	stream.indirect.gather [hbm4b:s1+s10], $0x80, s24, s10, $0xb8;
	[tilespmem:$0x1F880] =	vst v63  }
0x167: {  	_ =	swait.ge [sflag:s26], $0x2800  }
0x168: {  	[sflag:s26] =	ssyncset.done $0x0  }
0x169: {  	s30 =	simm.s32 $0x1580;
	[sflag:s26] =	ssyncadd.s32 $0xFFFFD800  }
0x16a: {  	[spmem:s3] =	stream.indirect.scatter.add.f32 [tilespmem:s17], [sflag:$0x5], $0x80, s30, s10, $0xb8;
	[tilespmem:$0x1F880] =	vst v63  }
0x16b: {  	_ =	swait.ge [sflag:s8], $0x2800  }
0x16c: {  	[sflag:s8] =	ssyncset.done $0x0  }
0x16d: {  	s31 =	simm.s32 $0x780;
	[sflag:s8] =	ssyncadd.s32 $0xFFFFD800  }
0x16e: {  	[tilespmem:s17], [sflag:$0x4] =	stream.indirect.gather [hbm4b:s1+s10], $0x80, s31, s10, $0xb8;
	[tilespmem:$0x1F880] =	vst v63  }
0x16f: {  	_ =	swait.ge [sflag:s18], $0x2800  }
0x170: {  	[sflag:s18] =	ssyncset.done $0x0  }
0x171: {  	s24 =	simm.s32 $0x1600;
	[sflag:s18] =	ssyncadd.s32 $0xFFFFD800  }
0x172: {  	[spmem:s3] =	stream.indirect.scatter.add.f32 [tilespmem:s11], [sflag:$0x5], $0x80, s24, s10, $0xb8;
	[tilespmem:$0x1F880] =	vst v63  }
0x173: {  	_ =	swait.ge [sflag:s8], $0x2800  }
0x174: {  	[sflag:s8] =	ssyncset.done $0x0  }
0x175: {  	s24 =	simm.s32 $0x800;
	[sflag:s8] =	ssyncadd.s32 $0xFFFFD800  }
0x176: {  	[tilespmem:s11], [sflag:$0x1] =	stream.indirect.gather [hbm4b:s1+s10], $0x80, s24, s10, $0xb8;
	[tilespmem:$0x1F880] =	vst v63  }
0x177: {  	_ =	swait.ge [sflag:s20], $0x2800  }
0x178: {  	[sflag:s20] =	ssyncset.done $0x0  }
0x179: {  	s24 =	simm.s32 $0x1680;
	[sflag:s20] =	ssyncadd.s32 $0xFFFFD800  }
0x17a: {  	[spmem:s3] =	stream.indirect.scatter.add.f32 [tilespmem:s13], [sflag:$0x5], $0x80, s24, s10, $0xb8;
	[tilespmem:$0x1F880] =	vst v63  }
0x17b: {  	_ =	swait.ge [sflag:s8], $0x2800  }
0x17c: {  	[sflag:s8] =	ssyncset.done $0x0  }
0x17d: {  	s24 =	simm.s32 $0x880;
	[sflag:s8] =	ssyncadd.s32 $0xFFFFD800  }
0x17e: {  	[tilespmem:s13], [sflag:$0x2] =	stream.indirect.gather [hbm4b:s1+s10], $0x80, s24, s10, $0xb8;
	[tilespmem:$0x1F880] =	vst v63  }
0x17f: {  	_ =	swait.ge [sflag:s23], $0x2800  }
0x180: {  	[sflag:s23] =	ssyncset.done $0x0  }
0x181: {  	s24 =	simm.s32 $0x1700;
	[sflag:s23] =	ssyncadd.s32 $0xFFFFD800  }
0x182: {  	[spmem:s3] =	stream.indirect.scatter.add.f32 [tilespmem:s15], [sflag:$0x5], $0x80, s24, s10, $0xb8;
	[tilespmem:$0x1F880] =	vst v63  }
0x183: {  	_ =	swait.ge [sflag:s8], $0x2800  }
0x184: {  	[sflag:s8] =	ssyncset.done $0x0  }
0x185: {  	s24 =	simm.s32 $0x900;
	[sflag:s8] =	ssyncadd.s32 $0xFFFFD800  }
0x186: {  	[tilespmem:s15], [sflag:$0x3] =	stream.indirect.gather [hbm4b:s1+s10], $0x80, s24, s10, $0xb8;
	[tilespmem:$0x1F880] =	vst v63  }
0x187: {  	_ =	swait.ge [sflag:s26], $0x2800  }
0x188: {  	[sflag:s26] =	ssyncset.done $0x0  }
0x189: {  	s24 =	simm.s32 $0x1780;
	[sflag:s26] =	ssyncadd.s32 $0xFFFFD800  }
0x18a: {  	[spmem:s3] =	stream.indirect.scatter.add.f32 [tilespmem:s17], [sflag:$0x5], $0x80, s24, s10, $0xb8;
	[tilespmem:$0x1F880] =	vst v63  }
0x18b: {  	_ =	swait.ge [sflag:s8], $0x2800  }
0x18c: {  	[sflag:s8] =	ssyncset.done $0x0  }
0x18d: {  	s24 =	simm.s32 $0x980;
	[sflag:s8] =	ssyncadd.s32 $0xFFFFD800  }
0x18e: {  	[tilespmem:s17], [sflag:$0x4] =	stream.indirect.gather [hbm4b:s1+s10], $0x80, s24, s10, $0xb8;
	[tilespmem:$0x1F880] =	vst v63  }
0x18f: {  	_ =	swait.ge [sflag:s18], $0x2800  }
0x190: {  	[sflag:s18] =	ssyncset.done $0x0  }
0x191: {  	s24 =	simm.s32 $0x1800;
	[sflag:s18] =	ssyncadd.s32 $0xFFFFD800  }
0x192: {  	[spmem:s3] =	stream.indirect.scatter.add.f32 [tilespmem:s11], [sflag:$0x5], $0x80, s24, s10, $0xb8;
	[tilespmem:$0x1F880] =	vst v63  }
0x193: {  	_ =	swait.ge [sflag:s8], $0x2800  }
0x194: {  	[sflag:s8] =	ssyncset.done $0x0  }
0x195: {  	s24 =	simm.s32 $0xA00;
	[sflag:s8] =	ssyncadd.s32 $0xFFFFD800  }
0x196: {  	[tilespmem:s11], [sflag:$0x1] =	stream.indirect.gather [hbm4b:s1+s10], $0x80, s24, s10, $0xb8;
	[tilespmem:$0x1F880] =	vst v63  }
0x197: {  	_ =	swait.ge [sflag:s20], $0x2800  }
0x198: {  	[sflag:s20] =	ssyncset.done $0x0  }
0x199: {  	s24 =	simm.s32 $0x1880;
	[sflag:s20] =	ssyncadd.s32 $0xFFFFD800  }
0x19a: {  	[spmem:s3] =	stream.indirect.scatter.add.f32 [tilespmem:s13], [sflag:$0x5], $0x80, s24, s10, $0xb8;
	[tilespmem:$0x1F880] =	vst v63  }
0x19b: {  	_ =	swait.ge [sflag:s8], $0x2800  }
0x19c: {  	[sflag:s8] =	ssyncset.done $0x0  }
0x19d: {  	s24 =	simm.s32 $0xA80;
	[sflag:s8] =	ssyncadd.s32 $0xFFFFD800  }
0x19e: {  	[tilespmem:s13], [sflag:$0x2] =	stream.indirect.gather [hbm4b:s1+s10], $0x80, s24, s10, $0xb8;
	[tilespmem:$0x1F880] =	vst v63  }
0x19f: {  	_ =	swait.ge [sflag:s23], $0x2800  }
0x1a0: {  	[sflag:s23] =	ssyncset.done $0x0  }
0x1a1: {  	s24 =	simm.s32 $0x1900;
	[sflag:s23] =	ssyncadd.s32 $0xFFFFD800  }
0x1a2: {  	[spmem:s3] =	stream.indirect.scatter.add.f32 [tilespmem:s15], [sflag:$0x5], $0x80, s24, s10, $0xb8;
	[tilespmem:$0x1F880] =	vst v63  }
0x1a3: {  	_ =	swait.ge [sflag:s8], $0x2800  }
0x1a4: {  	[sflag:s8] =	ssyncset.done $0x0  }
0x1a5: {  	s24 =	simm.s32 $0xB00;
	[sflag:s8] =	ssyncadd.s32 $0xFFFFD800  }
0x1a6: {  	[tilespmem:s15], [sflag:$0x3] =	stream.indirect.gather [hbm4b:s1+s10], $0x80, s24, s10, $0xb8;
	[tilespmem:$0x1F880] =	vst v63  }
0x1a7: {  	_ =	swait.ge [sflag:s26], $0x2800  }
0x1a8: {  	[sflag:s26] =	ssyncset.done $0x0  }
0x1a9: {  	s24 =	simm.s32 $0x1980;
	[sflag:s26] =	ssyncadd.s32 $0xFFFFD800  }
0x1aa: {  	[spmem:s3] =	stream.indirect.scatter.add.f32 [tilespmem:s17], [sflag:$0x5], $0x80, s24, s10, $0xb8;
	[tilespmem:$0x1F880] =	vst v63  }
0x1ab: {  	_ =	swait.ge [sflag:s8], $0x2800  }
0x1ac: {  	[sflag:s8] =	ssyncset.done $0x0  }
0x1ad: {  	s24 =	simm.s32 $0xB80;
	[sflag:s8] =	ssyncadd.s32 $0xFFFFD800  }
0x1ae: {  	[tilespmem:s17], [sflag:$0x4] =	stream.indirect.gather [hbm4b:s1+s10], $0x80, s24, s10, $0xb8;
	[tilespmem:$0x1F880] =	vst v63  }
0x1af: {  	_ =	swait.ge [sflag:s18], $0x2800  }
0x1b0: {  	[sflag:s18] =	ssyncset.done $0x0  }
0x1b1: {  	s24 =	simm.s32 $0x1A00;
	[sflag:s18] =	ssyncadd.s32 $0xFFFFD800  }
0x1b2: {  	[spmem:s3] =	stream.indirect.scatter.add.f32 [tilespmem:s11], [sflag:$0x5], $0x80, s24, s10, $0xb8;
	[tilespmem:$0x1F880] =	vst v63  }
0x1b3: {  	_ =	swait.ge [sflag:s8], $0x2800  }
0x1b4: {  	[sflag:s8] =	ssyncset.done $0x0  }
0x1b5: {  	s24 =	simm.s32 $0xC00;
	[sflag:s8] =	ssyncadd.s32 $0xFFFFD800  }
0x1b6: {  	[tilespmem:s11], [sflag:$0x1] =	stream.indirect.gather [hbm4b:s1+s10], $0x80, s24, s10, $0xb8;
	[tilespmem:$0x1F880] =	vst v63  }
0x1b7: {  	_ =	swait.ge [sflag:s20], $0x2800  }
0x1b8: {  	[sflag:s20] =	ssyncset.done $0x0  }
0x1b9: {  	s24 =	simm.s32 $0x1A80;
	[sflag:s20] =	ssyncadd.s32 $0xFFFFD800  }
0x1ba: {  	[spmem:s3] =	stream.indirect.scatter.add.f32 [tilespmem:s13], [sflag:$0x5], $0x80, s24, s10, $0xb8;
	[tilespmem:$0x1F880] =	vst v63  }
0x1bb: {  	_ =	swait.ge [sflag:s8], $0x2800  }
0x1bc: {  	[sflag:s8] =	ssyncset.done $0x0  }
0x1bd: {  	[sflag:s8] =	ssyncadd.s32 $0xFFFFD800  }
0x1be: {  	_ =	swait.ge [sflag:s23], $0x2800  }
0x1bf: {  	[sflag:s23] =	ssyncset.done $0x0  }
0x1c0: {  	s24 =	simm.s32 $0x1B00;
	[sflag:s23] =	ssyncadd.s32 $0xFFFFD800  }
0x1c1: {  	[spmem:s3] =	stream.indirect.scatter.add.f32 [tilespmem:s15], [sflag:$0x5], $0x80, s24, s10, $0xb8;
	[tilespmem:$0x1F880] =	vst v63  }
0x1c2: {  	_ =	swait.ge [sflag:s8], $0x2800  }
0x1c3: {  	[sflag:s8] =	ssyncset.done $0x0  }
0x1c4: {  	[sflag:s8] =	ssyncadd.s32 $0xFFFFD800  }
0x1c5: {  	_ =	swait.ge [sflag:s26], $0x2800  }
0x1c6: {  	[sflag:s26] =	ssyncset.done $0x0  }
0x1c7: {  	s24 =	simm.s32 $0x1B80;
	[sflag:s26] =	ssyncadd.s32 $0xFFFFD800  }
0x1c8: {  	[spmem:s3] =	stream.indirect.scatter.add.f32 [tilespmem:s17], [sflag:$0x5], $0x80, s24, s10, $0xb8;
	[tilespmem:$0x1F880] =	vst v63  }
0x1c9: {  	_ =	swait.ge [sflag:s8], $0x2800  }
0x1ca: {  	[sflag:s8] =	ssyncset.done $0x0  }
0x1cb: {  	[sflag:s8] =	ssyncadd.s32 $0xFFFFD800  }
0x1cc: {  	_ =	swait.ge [sflag:s18], $0x2800  }
0x1cd: {  	[sflag:s18] =	ssyncset.done $0x0  }
0x1ce: {  	s24 =	simm.s32 $0x1C00;
	[sflag:s18] =	ssyncadd.s32 $0xFFFFD800  }
0x1cf: {  	[spmem:s3] =	stream.indirect.scatter.add.f32 [tilespmem:s11], [sflag:$0x5], $0x80, s24, s10, $0xb8;
	[tilespmem:$0x1F880] =	vst v63  }
0x1d0: {  	_ =	swait.ge [sflag:s8], $0x2800  }
0x1d1: {  	[sflag:s8] =	ssyncset.done $0x0  }
0x1d2: {  	s24 =	rddreg [dreg:$0xa];
	[sflag:s8] =	ssyncadd.s32 $0xFFFFD800  }
0x1d3: {  	[tilespmem:s4], [sflag:$0x5] =	stream.linear.gather [hbm4b:s24+s4], $0xC80, $0x38;
	[tilespmem:$0x1F880] =	vst v63  }
0x1d4: {  	_ =	swait.ge [sflag:s8], $0xC80  }
0x1d5: {  	[sflag:s8] =	ssyncset.done $0x0  }
0x1d6: {  	s24 =	rddreg [dreg:$0xb];
	[sflag:s8] =	ssyncadd.s32 $0xFFFFF380  }
0x1d7: {  	[tilespmem:s25], [sflag:$0x5] =	stream.linear.gather [hbm4b:s24+s4], $0xC80, $0x38;
	[tilespmem:$0x1F880] =	vst v63  }
0x1d8: {  	_ =	swait.ge [sflag:s8], $0xC80  }
0x1d9: {  	[sflag:s8] =	ssyncset.done $0x0  }
0x1da: {  	[sflag:s8] =	ssyncadd.s32 $0xFFFFF380  }
0x1db: {  	[tilespmem:s11], [sflag:$0x1] =	stream.indirect.gather [hbm4b:s1+s10], $0x80, s4, s10, $0xb8;
	[tilespmem:$0x1F880] =	vst v63  }
0x1dc: {  	_ = 	snop  }
0x1dd: {  	[tilespmem:s13], [sflag:$0x2] =	stream.indirect.gather [hbm4b:s1+s10], $0x80, s9, s10, $0xb8;
	[tilespmem:$0x1F880] =	vst v63  }
0x1de: {  	_ = 	snop  }
0x1df: {  	[tilespmem:s15], [sflag:$0x3] =	stream.indirect.gather [hbm4b:s1+s10], $0x80, s28, s10, $0xb8;
	[tilespmem:$0x1F880] =	vst v63  }
0x1e0: {  	s24 =	simm.s32 $0x180  }
0x1e1: {  	[tilespmem:s17], [sflag:$0x4] =	stream.indirect.gather [hbm4b:s1+s10], $0x80, s24, s10, $0xb8;
	[tilespmem:$0x1F880] =	vst v63  }
0x1e2: {  	_ =	swait.ge [sflag:s18], $0x2800  }
0x1e3: {  	[sflag:s18] =	ssyncset.done $0x0  }
0x1e4: {  	[sflag:s18] =	ssyncadd.s32 $0xFFFFD800  }
0x1e5: {  	[spmem:s3] =	stream.indirect.scatter.add.f32 [tilespmem:s11], [sflag:$0x5], $0x80, s25, s10, $0xb8;
	[tilespmem:$0x1F880] =	vst v63  }
0x1e6: {  	_ =	swait.ge [sflag:s8], $0x2800  }
0x1e7: {  	[sflag:s8] =	ssyncset.done $0x0  }
0x1e8: {  	s24 =	simm.s32 $0x200;
	[sflag:s8] =	ssyncadd.s32 $0xFFFFD800  }
0x1e9: {  	[tilespmem:s11], [sflag:$0x1] =	stream.indirect.gather [hbm4b:s1+s10], $0x80, s24, s10, $0xb8;
	[tilespmem:$0x1F880] =	vst v63  }
0x1ea: {  	_ =	swait.ge [sflag:s20], $0x2800  }
0x1eb: {  	[sflag:s20] =	ssyncset.done $0x0  }
0x1ec: {  	s24 =	simm.s32 $0x1080;
	[sflag:s20] =	ssyncadd.s32 $0xFFFFD800  }
0x1ed: {  	[spmem:s3] =	stream.indirect.scatter.add.f32 [tilespmem:s13], [sflag:$0x5], $0x80, s24, s10, $0xb8;
	[tilespmem:$0x1F880] =	vst v63  }
0x1ee: {  	_ =	swait.ge [sflag:s8], $0x2800  }
0x1ef: {  	[sflag:s8] =	ssyncset.done $0x0  }
0x1f0: {  	[sflag:s8] =	ssyncadd.s32 $0xFFFFD800  }
0x1f1: {  	[tilespmem:s13], [sflag:$0x2] =	stream.indirect.gather [hbm4b:s1+s10], $0x80, s29, s10, $0xb8;
	[tilespmem:$0x1F880] =	vst v63  }
0x1f2: {  	_ =	swait.ge [sflag:s23], $0x2800  }
0x1f3: {  	[sflag:s23] =	ssyncset.done $0x0  }
0x1f4: {  	s24 =	simm.s32 $0x1100;
	[sflag:s23] =	ssyncadd.s32 $0xFFFFD800  }
0x1f5: {  	[spmem:s3] =	stream.indirect.scatter.add.f32 [tilespmem:s15], [sflag:$0x5], $0x80, s24, s10, $0xb8;
	[tilespmem:$0x1F880] =	vst v63  }
0x1f6: {  	_ =	swait.ge [sflag:s8], $0x2800  }
0x1f7: {  	[sflag:s8] =	ssyncset.done $0x0  }
0x1f8: {  	[sflag:s8] =	ssyncadd.s32 $0xFFFFD800  }
0x1f9: {  	[tilespmem:s15], [sflag:$0x3] =	stream.indirect.gather [hbm4b:s1+s10], $0x80, s6, s10, $0xb8;
	[tilespmem:$0x1F880] =	vst v63  }
0x1fa: {  	_ =	swait.ge [sflag:s26], $0x2800  }
0x1fb: {  	[sflag:s26] =	ssyncset.done $0x0  }
0x1fc: {  	s24 =	simm.s32 $0x1180;
	[sflag:s26] =	ssyncadd.s32 $0xFFFFD800  }
0x1fd: {  	[spmem:s3] =	stream.indirect.scatter.add.f32 [tilespmem:s17], [sflag:$0x5], $0x80, s24, s10, $0xb8;
	[tilespmem:$0x1F880] =	vst v63  }
0x1fe: {  	_ =	swait.ge [sflag:s8], $0x2800  }
0x1ff: {  	[sflag:s8] =	ssyncset.done $0x0  }
0x200: {  	[sflag:s8] =	ssyncadd.s32 $0xFFFFD800  }
0x201: {  	[tilespmem:s17], [sflag:$0x4] =	stream.indirect.gather [hbm4b:s1+s10], $0x80, s2, s10, $0xb8;
	[tilespmem:$0x1F880] =	vst v63  }
0x202: {  	_ =	swait.ge [sflag:s18], $0x2800  }
0x203: {  	[sflag:s18] =	ssyncset.done $0x0  }
0x204: {  	[sflag:s18] =	ssyncadd.s32 $0xFFFFD800  }
0x205: {  	[spmem:s3] =	stream.indirect.scatter.add.f32 [tilespmem:s11], [sflag:$0x5], $0x80, s14, s10, $0xb8;
	[tilespmem:$0x1F880] =	vst v63  }
0x206: {  	_ =	swait.ge [sflag:s8], $0x2800  }
0x207: {  	[sflag:s8] =	ssyncset.done $0x0  }
0x208: {  	[sflag:s8] =	ssyncadd.s32 $0xFFFFD800  }
0x209: {  	[tilespmem:s11], [sflag:$0x1] =	stream.indirect.gather [hbm4b:s1+s10], $0x80, s12, s10, $0xb8;
	[tilespmem:$0x1F880] =	vst v63  }
0x20a: {  	_ =	swait.ge [sflag:s20], $0x2800  }
0x20b: {  	[sflag:s20] =	ssyncset.done $0x0  }
0x20c: {  	[sflag:s20] =	ssyncadd.s32 $0xFFFFD800  }
0x20d: {  	[spmem:s3] =	stream.indirect.scatter.add.f32 [tilespmem:s13], [sflag:$0x5], $0x80, s16, s10, $0xb8;
	[tilespmem:$0x1F880] =	vst v63  }
0x20e: {  	_ =	swait.ge [sflag:s8], $0x2800  }
0x20f: {  	[sflag:s8] =	ssyncset.done $0x0  }
0x210: {  	[sflag:s8] =	ssyncadd.s32 $0xFFFFD800  }
0x211: {  	[tilespmem:s13], [sflag:$0x2] =	stream.indirect.gather [hbm4b:s1+s10], $0x80, s22, s10, $0xb8;
	[tilespmem:$0x1F880] =	vst v63  }
0x212: {  	_ =	swait.ge [sflag:s23], $0x2800  }
0x213: {  	[sflag:s23] =	ssyncset.done $0x0  }
0x214: {  	s24 =	simm.s32 $0x1300;
	[sflag:s23] =	ssyncadd.s32 $0xFFFFD800  }
0x215: {  	[spmem:s3] =	stream.indirect.scatter.add.f32 [tilespmem:s15], [sflag:$0x5], $0x80, s24, s10, $0xb8;
	[tilespmem:$0x1F880] =	vst v63  }
0x216: {  	_ =	swait.ge [sflag:s8], $0x2800  }
0x217: {  	[sflag:s8] =	ssyncset.done $0x0  }
0x218: {  	s5 =	simm.s32 $0x500;
	[sflag:s8] =	ssyncadd.s32 $0xFFFFD800  }
0x219: {  	[tilespmem:s15], [sflag:$0x3] =	stream.indirect.gather [hbm4b:s1+s10], $0x80, s5, s10, $0xb8;
	[tilespmem:$0x1F880] =	vst v63  }
0x21a: {  	_ =	swait.ge [sflag:s26], $0x2800  }
0x21b: {  	[sflag:s26] =	ssyncset.done $0x0  }
0x21c: {  	s24 =	simm.s32 $0x1380;
	[sflag:s26] =	ssyncadd.s32 $0xFFFFD800  }
0x21d: {  	[spmem:s3] =	stream.indirect.scatter.add.f32 [tilespmem:s17], [sflag:$0x5], $0x80, s24, s10, $0xb8;
	[tilespmem:$0x1F880] =	vst v63  }
0x21e: {  	_ =	swait.ge [sflag:s8], $0x2800  }
0x21f: {  	[sflag:s8] =	ssyncset.done $0x0  }
0x220: {  	s5 =	simm.s32 $0x580;
	[sflag:s8] =	ssyncadd.s32 $0xFFFFD800  }
0x221: {  	[tilespmem:s17], [sflag:$0x4] =	stream.indirect.gather [hbm4b:s1+s10], $0x80, s5, s10, $0xb8;
	[tilespmem:$0x1F880] =	vst v63  }
0x222: {  	_ =	swait.ge [sflag:s18], $0x2800  }
0x223: {  	[sflag:s18] =	ssyncset.done $0x0  }
0x224: {  	s24 =	simm.s32 $0x1400;
	[sflag:s18] =	ssyncadd.s32 $0xFFFFD800  }
0x225: {  	[spmem:s3] =	stream.indirect.scatter.add.f32 [tilespmem:s11], [sflag:$0x5], $0x80, s24, s10, $0xb8;
	[tilespmem:$0x1F880] =	vst v63  }
0x226: {  	_ =	swait.ge [sflag:s8], $0x2800  }
0x227: {  	[sflag:s8] =	ssyncset.done $0x0  }
0x228: {  	s5 =	simm.s32 $0x600;
	[sflag:s8] =	ssyncadd.s32 $0xFFFFD800  }
0x229: {  	[tilespmem:s11], [sflag:$0x1] =	stream.indirect.gather [hbm4b:s1+s10], $0x80, s5, s10, $0xb8;
	[tilespmem:$0x1F880] =	vst v63  }
0x22a: {  	_ =	swait.ge [sflag:s20], $0x2800  }
0x22b: {  	[sflag:s20] =	ssyncset.done $0x0  }
0x22c: {  	s19 =	simm.s32 $0x1480;
	[sflag:s20] =	ssyncadd.s32 $0xFFFFD800  }
0x22d: {  	[spmem:s3] =	stream.indirect.scatter.add.f32 [tilespmem:s13], [sflag:$0x5], $0x80, s19, s10, $0xb8;
	[tilespmem:$0x1F880] =	vst v63  }
0x22e: {  	_ =	swait.ge [sflag:s8], $0x2800  }
0x22f: {  	[sflag:s8] =	ssyncset.done $0x0  }
0x230: {  	s21 =	simm.s32 $0x680;
	[sflag:s8] =	ssyncadd.s32 $0xFFFFD800  }
0x231: {  	[tilespmem:s13], [sflag:$0x2] =	stream.indirect.gather [hbm4b:s1+s10], $0x80, s21, s10, $0xb8;
	[tilespmem:$0x1F880] =	vst v63  }
0x232: {  	_ =	swait.ge [sflag:s23], $0x2800  }
0x233: {  	[sflag:s23] =	ssyncset.done $0x0  }
0x234: {  	s19 =	simm.s32 $0x1500;
	[sflag:s23] =	ssyncadd.s32 $0xFFFFD800  }
0x235: {  	[spmem:s3] =	stream.indirect.scatter.add.f32 [tilespmem:s15], [sflag:$0x5], $0x80, s19, s10, $0xb8;
	[tilespmem:$0x1F880] =	vst v63  }
0x236: {  	_ =	swait.ge [sflag:s8], $0x2800  }
0x237: {  	[sflag:s8] =	ssyncset.done $0x0  }
0x238: {  	s21 =	simm.s32 $0x700;
	[sflag:s8] =	ssyncadd.s32 $0xFFFFD800  }
0x239: {  	[tilespmem:s15], [sflag:$0x3] =	stream.indirect.gather [hbm4b:s1+s10], $0x80, s21, s10, $0xb8;
	[tilespmem:$0x1F880] =	vst v63  }
0x23a: {  	_ =	swait.ge [sflag:s26], $0x2800  }
0x23b: {  	[sflag:s26] =	ssyncset.done $0x0  }
0x23c: {  	s30 =	simm.s32 $0x1580;
	[sflag:s26] =	ssyncadd.s32 $0xFFFFD800  }
0x23d: {  	[spmem:s3] =	stream.indirect.scatter.add.f32 [tilespmem:s17], [sflag:$0x5], $0x80, s30, s10, $0xb8;
	[tilespmem:$0x1F880] =	vst v63  }
0x23e: {  	_ =	swait.ge [sflag:s8], $0x2800  }
0x23f: {  	[sflag:s8] =	ssyncset.done $0x0  }
0x240: {  	s31 =	simm.s32 $0x780;
	[sflag:s8] =	ssyncadd.s32 $0xFFFFD800  }
0x241: {  	[tilespmem:s17], [sflag:$0x4] =	stream.indirect.gather [hbm4b:s1+s10], $0x80, s31, s10, $0xb8;
	[tilespmem:$0x1F880] =	vst v63  }
0x242: {  	_ =	swait.ge [sflag:s18], $0x2800  }
0x243: {  	[sflag:s18] =	ssyncset.done $0x0  }
0x244: {  	s24 =	simm.s32 $0x1600;
	[sflag:s18] =	ssyncadd.s32 $0xFFFFD800  }
0x245: {  	[spmem:s3] =	stream.indirect.scatter.add.f32 [tilespmem:s11], [sflag:$0x5], $0x80, s24, s10, $0xb8;
	[tilespmem:$0x1F880] =	vst v63  }
0x246: {  	_ =	swait.ge [sflag:s8], $0x2800  }
0x247: {  	[sflag:s8] =	ssyncset.done $0x0  }
0x248: {  	s30 =	simm.s32 $0x800;
	[sflag:s8] =	ssyncadd.s32 $0xFFFFD800  }
0x249: {  	[tilespmem:s11], [sflag:$0x1] =	stream.indirect.gather [hbm4b:s1+s10], $0x80, s30, s10, $0xb8;
	[tilespmem:$0x1F880] =	vst v63  }
0x24a: {  	_ =	swait.ge [sflag:s20], $0x2800  }
0x24b: {  	[sflag:s20] =	ssyncset.done $0x0  }
0x24c: {  	s31 =	simm.s32 $0x1680;
	[sflag:s20] =	ssyncadd.s32 $0xFFFFD800  }
0x24d: {  	[spmem:s3] =	stream.indirect.scatter.add.f32 [tilespmem:s13], [sflag:$0x5], $0x80, s31, s10, $0xb8;
	[tilespmem:$0x1F880] =	vst v63  }
0x24e: {  	_ =	swait.ge [sflag:s8], $0x2800  }
0x24f: {  	[sflag:s8] =	ssyncset.done $0x0  }
0x250: {  	s5 =	simm.s32 $0x880;
	[sflag:s8] =	ssyncadd.s32 $0xFFFFD800  }
0x251: {  	[tilespmem:s13], [sflag:$0x2] =	stream.indirect.gather [hbm4b:s1+s10], $0x80, s5, s10, $0xb8;
	[tilespmem:$0x1F880] =	vst v63  }
0x252: {  	_ =	swait.ge [sflag:s23], $0x2800  }
0x253: {  	[sflag:s23] =	ssyncset.done $0x0  }
0x254: {  	s19 =	simm.s32 $0x1700;
	[sflag:s23] =	ssyncadd.s32 $0xFFFFD800  }
0x255: {  	[spmem:s3] =	stream.indirect.scatter.add.f32 [tilespmem:s15], [sflag:$0x5], $0x80, s19, s10, $0xb8;
	[tilespmem:$0x1F880] =	vst v63  }
0x256: {  	_ =	swait.ge [sflag:s8], $0x2800  }
0x257: {  	[sflag:s8] =	ssyncset.done $0x0  }
0x258: {  	s21 =	simm.s32 $0x900;
	[sflag:s8] =	ssyncadd.s32 $0xFFFFD800  }
0x259: {  	[tilespmem:s15], [sflag:$0x3] =	stream.indirect.gather [hbm4b:s1+s10], $0x80, s21, s10, $0xb8;
	[tilespmem:$0x1F880] =	vst v63  }
0x25a: {  	_ =	swait.ge [sflag:s26], $0x2800  }
0x25b: {  	[sflag:s26] =	ssyncset.done $0x0  }
0x25c: {  	s24 =	simm.s32 $0x1780;
	[sflag:s26] =	ssyncadd.s32 $0xFFFFD800  }
0x25d: {  	[spmem:s3] =	stream.indirect.scatter.add.f32 [tilespmem:s17], [sflag:$0x5], $0x80, s24, s10, $0xb8;
	[tilespmem:$0x1F880] =	vst v63  }
0x25e: {  	_ =	swait.ge [sflag:s8], $0x2800  }
0x25f: {  	[sflag:s8] =	ssyncset.done $0x0  }
0x260: {  	s30 =	simm.s32 $0x980;
	[sflag:s8] =	ssyncadd.s32 $0xFFFFD800  }
0x261: {  	[tilespmem:s17], [sflag:$0x4] =	stream.indirect.gather [hbm4b:s1+s10], $0x80, s30, s10, $0xb8;
	[tilespmem:$0x1F880] =	vst v63  }
0x262: {  	_ =	swait.ge [sflag:s18], $0x2800  }
0x263: {  	[sflag:s18] =	ssyncset.done $0x0  }
0x264: {  	s31 =	simm.s32 $0x1800;
	[sflag:s18] =	ssyncadd.s32 $0xFFFFD800  }
0x265: {  	[spmem:s3] =	stream.indirect.scatter.add.f32 [tilespmem:s11], [sflag:$0x5], $0x80, s31, s10, $0xb8;
	[tilespmem:$0x1F880] =	vst v63  }
0x266: {  	_ =	swait.ge [sflag:s8], $0x2800  }
0x267: {  	[sflag:s8] =	ssyncset.done $0x0  }
0x268: {  	s5 =	simm.s32 $0xA00;
	[sflag:s8] =	ssyncadd.s32 $0xFFFFD800  }
0x269: {  	[tilespmem:s11], [sflag:$0x1] =	stream.indirect.gather [hbm4b:s1+s10], $0x80, s5, s10, $0xb8;
	[tilespmem:$0x1F880] =	vst v63  }
0x26a: {  	_ =	swait.ge [sflag:s20], $0x2800  }
0x26b: {  	[sflag:s20] =	ssyncset.done $0x0  }
0x26c: {  	s19 =	simm.s32 $0x1880;
	[sflag:s20] =	ssyncadd.s32 $0xFFFFD800  }
0x26d: {  	[spmem:s3] =	stream.indirect.scatter.add.f32 [tilespmem:s13], [sflag:$0x5], $0x80, s19, s10, $0xb8;
	[tilespmem:$0x1F880] =	vst v63  }
0x26e: {  	_ =	swait.ge [sflag:s8], $0x2800  }
0x26f: {  	[sflag:s8] =	ssyncset.done $0x0  }
0x270: {  	s21 =	simm.s32 $0xA80;
	[sflag:s8] =	ssyncadd.s32 $0xFFFFD800  }
0x271: {  	[tilespmem:s13], [sflag:$0x2] =	stream.indirect.gather [hbm4b:s1+s10], $0x80, s21, s10, $0xb8;
	[tilespmem:$0x1F880] =	vst v63  }
0x272: {  	_ =	swait.ge [sflag:s23], $0x2800  }
0x273: {  	[sflag:s23] =	ssyncset.done $0x0  }
0x274: {  	s24 =	simm.s32 $0x1900;
	[sflag:s23] =	ssyncadd.s32 $0xFFFFD800  }
0x275: {  	[spmem:s3] =	stream.indirect.scatter.add.f32 [tilespmem:s15], [sflag:$0x5], $0x80, s24, s10, $0xb8;
	[tilespmem:$0x1F880] =	vst v63  }
0x276: {  	_ =	swait.ge [sflag:s8], $0x2800  }
0x277: {  	[sflag:s8] =	ssyncset.done $0x0  }
0x278: {  	s30 =	simm.s32 $0xB00;
	[sflag:s8] =	ssyncadd.s32 $0xFFFFD800  }
0x279: {  	[tilespmem:s15], [sflag:$0x3] =	stream.indirect.gather [hbm4b:s1+s10], $0x80, s30, s10, $0xb8;
	[tilespmem:$0x1F880] =	vst v63  }
0x27a: {  	_ =	swait.ge [sflag:s26], $0x2800  }
0x27b: {  	[sflag:s26] =	ssyncset.done $0x0  }
0x27c: {  	s31 =	simm.s32 $0x1980;
	[sflag:s26] =	ssyncadd.s32 $0xFFFFD800  }
0x27d: {  	[spmem:s3] =	stream.indirect.scatter.add.f32 [tilespmem:s17], [sflag:$0x5], $0x80, s31, s10, $0xb8;
	[tilespmem:$0x1F880] =	vst v63  }
0x27e: {  	_ =	swait.ge [sflag:s8], $0x2800  }
0x27f: {  	[sflag:s8] =	ssyncset.done $0x0  }
0x280: {  	s5 =	simm.s32 $0xB80;
	[sflag:s8] =	ssyncadd.s32 $0xFFFFD800  }
0x281: {  	[tilespmem:s17], [sflag:$0x4] =	stream.indirect.gather [hbm4b:s1+s10], $0x80, s5, s10, $0xb8;
	[tilespmem:$0x1F880] =	vst v63  }
0x282: {  	_ =	swait.ge [sflag:s18], $0x2800  }
0x283: {  	[sflag:s18] =	ssyncset.done $0x0  }
0x284: {  	s19 =	simm.s32 $0x1A00;
	[sflag:s18] =	ssyncadd.s32 $0xFFFFD800  }
0x285: {  	[spmem:s3] =	stream.indirect.scatter.add.f32 [tilespmem:s11], [sflag:$0x5], $0x80, s19, s10, $0xb8;
	[tilespmem:$0x1F880] =	vst v63  }
0x286: {  	_ =	swait.ge [sflag:s8], $0x2800  }
0x287: {  	[sflag:s8] =	ssyncset.done $0x0  }
0x288: {  	s21 =	simm.s32 $0xC00;
	[sflag:s8] =	ssyncadd.s32 $0xFFFFD800  }
0x289: {  	[tilespmem:s11], [sflag:$0x1] =	stream.indirect.gather [hbm4b:s1+s10], $0x80, s21, s10, $0xb8;
	[tilespmem:$0x1F880] =	vst v63  }
0x28a: {  	_ =	swait.ge [sflag:s20], $0x2800  }
0x28b: {  	[sflag:s20] =	ssyncset.done $0x0  }
0x28c: {  	s24 =	simm.s32 $0x1A80;
	[sflag:s20] =	ssyncadd.s32 $0xFFFFD800  }
0x28d: {  	[spmem:s3] =	stream.indirect.scatter.add.f32 [tilespmem:s13], [sflag:$0x5], $0x80, s24, s10, $0xb8;
	[tilespmem:$0x1F880] =	vst v63  }
0x28e: {  	_ =	swait.ge [sflag:s8], $0x2800  }
0x28f: {  	[sflag:s8] =	ssyncset.done $0x0  }
0x290: {  	[sflag:s8] =	ssyncadd.s32 $0xFFFFD800  }
0x291: {  	_ =	swait.ge [sflag:s23], $0x2800  }
0x292: {  	[sflag:s23] =	ssyncset.done $0x0  }
0x293: {  	s30 =	simm.s32 $0x1B00;
	[sflag:s23] =	ssyncadd.s32 $0xFFFFD800  }
0x294: {  	[spmem:s3] =	stream.indirect.scatter.add.f32 [tilespmem:s15], [sflag:$0x5], $0x80, s30, s10, $0xb8;
	[tilespmem:$0x1F880] =	vst v63  }
0x295: {  	_ =	swait.ge [sflag:s8], $0x2800  }
0x296: {  	[sflag:s8] =	ssyncset.done $0x0  }
0x297: {  	[sflag:s8] =	ssyncadd.s32 $0xFFFFD800  }
0x298: {  	_ =	swait.ge [sflag:s26], $0x2800  }
0x299: {  	[sflag:s26] =	ssyncset.done $0x0  }
0x29a: {  	s31 =	simm.s32 $0x1B80;
	[sflag:s26] =	ssyncadd.s32 $0xFFFFD800  }
0x29b: {  	[spmem:s3] =	stream.indirect.scatter.add.f32 [tilespmem:s17], [sflag:$0x5], $0x80, s31, s10, $0xb8;
	[tilespmem:$0x1F880] =	vst v63  }
0x29c: {  	_ =	swait.ge [sflag:s8], $0x2800  }
0x29d: {  	[sflag:s8] =	ssyncset.done $0x0  }
0x29e: {  	[sflag:s8] =	ssyncadd.s32 $0xFFFFD800  }
0x29f: {  	_ =	swait.ge [sflag:s18], $0x2800  }
0x2a0: {  	[sflag:s18] =	ssyncset.done $0x0  }
0x2a1: {  	s5 =	simm.s32 $0x1C00;
	[sflag:s18] =	ssyncadd.s32 $0xFFFFD800  }
0x2a2: {  	[spmem:s3] =	stream.indirect.scatter.add.f32 [tilespmem:s11], [sflag:$0x5], $0x80, s5, s10, $0xb8;
	[tilespmem:$0x1F880] =	vst v63  }
0x2a3: {  	_ =	swait.ge [sflag:s8], $0x2800  }
0x2a4: {  	[sflag:s8] =	ssyncset.done $0x0  }
0x2a5: {  	s19 =	rddreg [dreg:$0xc];
	[sflag:s8] =	ssyncadd.s32 $0xFFFFD800  }
0x2a6: {  	[tilespmem:s4], [sflag:$0x5] =	stream.linear.gather [hbm4b:s19+s4], $0xC80, $0x38;
	[tilespmem:$0x1F880] =	vst v63  }
0x2a7: {  	_ =	swait.ge [sflag:s8], $0xC80  }
0x2a8: {  	[sflag:s8] =	ssyncset.done $0x0  }
0x2a9: {  	s21 =	rddreg [dreg:$0xd];
	[sflag:s8] =	ssyncadd.s32 $0xFFFFF380  }
0x2aa: {  	[tilespmem:s25], [sflag:$0x5] =	stream.linear.gather [hbm4b:s21+s4], $0xC80, $0x38;
	[tilespmem:$0x1F880] =	vst v63  }
0x2ab: {  	_ =	swait.ge [sflag:s8], $0xC80  }
0x2ac: {  	[sflag:s8] =	ssyncset.done $0x0  }
0x2ad: {  	[sflag:s8] =	ssyncadd.s32 $0xFFFFF380  }
0x2ae: {  	[tilespmem:s11], [sflag:$0x1] =	stream.indirect.gather [hbm4b:s1+s10], $0x80, s4, s10, $0xb8;
	[tilespmem:$0x1F880] =	vst v63  }
0x2af: {  	s9 =	simm.s32 $0x80  }
0x2b0: {  	[tilespmem:s13], [sflag:$0x2] =	stream.indirect.gather [hbm4b:s1+s10], $0x80, s9, s10, $0xb8;
	[tilespmem:$0x1F880] =	vst v63  }
0x2b1: {  	s28 =	simm.s32 $0x100  }
0x2b2: {  	[tilespmem:s15], [sflag:$0x3] =	stream.indirect.gather [hbm4b:s1+s10], $0x80, s28, s10, $0xb8;
	[tilespmem:$0x1F880] =	vst v63  }
0x2b3: {  	s30 =	simm.s32 $0x180  }
0x2b4: {  	[tilespmem:s17], [sflag:$0x4] =	stream.indirect.gather [hbm4b:s1+s10], $0x80, s30, s10, $0xb8;
	[tilespmem:$0x1F880] =	vst v63  }
0x2b5: {  	_ =	swait.ge [sflag:s18], $0x2800  }
0x2b6: {  	[sflag:s18] =	ssyncset.done $0x0  }
0x2b7: {  	[sflag:s18] =	ssyncadd.s32 $0xFFFFD800  }
0x2b8: {  	[spmem:s3] =	stream.indirect.scatter.add.f32 [tilespmem:s11], [sflag:$0x5], $0x80, s25, s10, $0xb8;
	[tilespmem:$0x1F880] =	vst v63  }
0x2b9: {  	_ =	swait.ge [sflag:s8], $0x2800  }
0x2ba: {  	[sflag:s8] =	ssyncset.done $0x0  }
0x2bb: {  	s31 =	simm.s32 $0x200;
	[sflag:s8] =	ssyncadd.s32 $0xFFFFD800  }
0x2bc: {  	[tilespmem:s11], [sflag:$0x1] =	stream.indirect.gather [hbm4b:s1+s10], $0x80, s31, s10, $0xb8;
	[tilespmem:$0x1F880] =	vst v63  }
0x2bd: {  	_ =	swait.ge [sflag:s20], $0x2800  }
0x2be: {  	[sflag:s20] =	ssyncset.done $0x0  }
0x2bf: {  	s19 =	simm.s32 $0x1080;
	[sflag:s20] =	ssyncadd.s32 $0xFFFFD800  }
0x2c0: {  	[spmem:s3] =	stream.indirect.scatter.add.f32 [tilespmem:s13], [sflag:$0x5], $0x80, s19, s10, $0xb8;
	[tilespmem:$0x1F880] =	vst v63  }
0x2c1: {  	_ =	swait.ge [sflag:s8], $0x2800  }
0x2c2: {  	[sflag:s8] =	ssyncset.done $0x0  }
0x2c3: {  	s29 =	simm.s32 $0x280;
	[sflag:s8] =	ssyncadd.s32 $0xFFFFD800  }
0x2c4: {  	[tilespmem:s13], [sflag:$0x2] =	stream.indirect.gather [hbm4b:s1+s10], $0x80, s29, s10, $0xb8;
	[tilespmem:$0x1F880] =	vst v63  }
0x2c5: {  	_ =	swait.ge [sflag:s23], $0x2800  }
0x2c6: {  	[sflag:s23] =	ssyncset.done $0x0  }
0x2c7: {  	s21 =	simm.s32 $0x1100;
	[sflag:s23] =	ssyncadd.s32 $0xFFFFD800  }
0x2c8: {  	[spmem:s3] =	stream.indirect.scatter.add.f32 [tilespmem:s15], [sflag:$0x5], $0x80, s21, s10, $0xb8;
	[tilespmem:$0x1F880] =	vst v63  }
0x2c9: {  	_ =	swait.ge [sflag:s8], $0x2800  }
0x2ca: {  	[sflag:s8] =	ssyncset.done $0x0  }
0x2cb: {  	s6 =	simm.s32 $0x300;
	[sflag:s8] =	ssyncadd.s32 $0xFFFFD800  }
0x2cc: {  	[tilespmem:s15], [sflag:$0x3] =	stream.indirect.gather [hbm4b:s1+s10], $0x80, s6, s10, $0xb8;
	[tilespmem:$0x1F880] =	vst v63  }
0x2cd: {  	_ =	swait.ge [sflag:s26], $0x2800  }
0x2ce: {  	[sflag:s26] =	ssyncset.done $0x0  }
0x2cf: {  	s24 =	simm.s32 $0x1180;
	[sflag:s26] =	ssyncadd.s32 $0xFFFFD800  }
0x2d0: {  	[spmem:s3] =	stream.indirect.scatter.add.f32 [tilespmem:s17], [sflag:$0x5], $0x80, s24, s10, $0xb8;
	[tilespmem:$0x1F880] =	vst v63  }
0x2d1: {  	_ =	swait.ge [sflag:s8], $0x2800  }
0x2d2: {  	[sflag:s8] =	ssyncset.done $0x0  }
0x2d3: {  	s30 =	simm.s32 $0x380;
	[sflag:s8] =	ssyncadd.s32 $0xFFFFD800  }
0x2d4: {  	[tilespmem:s17], [sflag:$0x4] =	stream.indirect.gather [hbm4b:s1+s10], $0x80, s30, s10, $0xb8;
	[tilespmem:$0x1F880] =	vst v63  }
0x2d5: {  	_ =	swait.ge [sflag:s18], $0x2800  }
0x2d6: {  	[sflag:s18] =	ssyncset.done $0x0  }
0x2d7: {  	s14 =	simm.s32 $0x1200;
	[sflag:s18] =	ssyncadd.s32 $0xFFFFD800  }
0x2d8: {  	[spmem:s3] =	stream.indirect.scatter.add.f32 [tilespmem:s11], [sflag:$0x5], $0x80, s14, s10, $0xb8;
	[tilespmem:$0x1F880] =	vst v63  }
0x2d9: {  	_ =	swait.ge [sflag:s8], $0x2800  }
0x2da: {  	[sflag:s8] =	ssyncset.done $0x0  }
0x2db: {  	s12 =	simm.s32 $0x400;
	[sflag:s8] =	ssyncadd.s32 $0xFFFFD800  }
0x2dc: {  	[tilespmem:s11], [sflag:$0x1] =	stream.indirect.gather [hbm4b:s1+s10], $0x80, s12, s10, $0xb8;
	[tilespmem:$0x1F880] =	vst v63  }
0x2dd: {  	_ =	swait.ge [sflag:s20], $0x2800  }
0x2de: {  	[sflag:s20] =	ssyncset.done $0x0  }
0x2df: {  	s16 =	simm.s32 $0x1280;
	[sflag:s20] =	ssyncadd.s32 $0xFFFFD800  }
0x2e0: {  	[spmem:s3] =	stream.indirect.scatter.add.f32 [tilespmem:s13], [sflag:$0x5], $0x80, s16, s10, $0xb8;
	[tilespmem:$0x1F880] =	vst v63  }
0x2e1: {  	_ =	swait.ge [sflag:s8], $0x2800  }
0x2e2: {  	[sflag:s8] =	ssyncset.done $0x0  }
0x2e3: {  	s22 =	simm.s32 $0x480;
	[sflag:s8] =	ssyncadd.s32 $0xFFFFD800  }
0x2e4: {  	[tilespmem:s13], [sflag:$0x2] =	stream.indirect.gather [hbm4b:s1+s10], $0x80, s22, s10, $0xb8;
	[tilespmem:$0x1F880] =	vst v63  }
0x2e5: {  	_ =	swait.ge [sflag:s23], $0x2800  }
0x2e6: {  	[sflag:s23] =	ssyncset.done $0x0  }
0x2e7: {  	s31 =	simm.s32 $0x1300;
	[sflag:s23] =	ssyncadd.s32 $0xFFFFD800  }
0x2e8: {  	[spmem:s3] =	stream.indirect.scatter.add.f32 [tilespmem:s15], [sflag:$0x5], $0x80, s31, s10, $0xb8;
	[tilespmem:$0x1F880] =	vst v63  }
0x2e9: {  	_ =	swait.ge [sflag:s8], $0x2800  }
0x2ea: {  	[sflag:s8] =	ssyncset.done $0x0  }
0x2eb: {  	s21 =	simm.s32 $0x500;
	[sflag:s8] =	ssyncadd.s32 $0xFFFFD800  }
0x2ec: {  	[tilespmem:s15], [sflag:$0x3] =	stream.indirect.gather [hbm4b:s1+s10], $0x80, s21, s10, $0xb8;
	[tilespmem:$0x1F880] =	vst v63  }
0x2ed: {  	_ =	swait.ge [sflag:s26], $0x2800  }
0x2ee: {  	[sflag:s26] =	ssyncset.done $0x0  }
0x2ef: {  	s24 =	simm.s32 $0x1380;
	[sflag:s26] =	ssyncadd.s32 $0xFFFFD800  }
0x2f0: {  	[spmem:s3] =	stream.indirect.scatter.add.f32 [tilespmem:s17], [sflag:$0x5], $0x80, s24, s10, $0xb8;
	[tilespmem:$0x1F880] =	vst v63  }
0x2f1: {  	_ =	swait.ge [sflag:s8], $0x2800  }
0x2f2: {  	[sflag:s8] =	ssyncset.done $0x0  }
0x2f3: {  	s30 =	simm.s32 $0x580;
	[sflag:s8] =	ssyncadd.s32 $0xFFFFD800  }
0x2f4: {  	[tilespmem:s17], [sflag:$0x4] =	stream.indirect.gather [hbm4b:s1+s10], $0x80, s30, s10, $0xb8;
	[tilespmem:$0x1F880] =	vst v63  }
0x2f5: {  	_ =	swait.ge [sflag:s18], $0x2800  }
0x2f6: {  	[sflag:s18] =	ssyncset.done $0x0  }
0x2f7: {  	s31 =	simm.s32 $0x1400;
	[sflag:s18] =	ssyncadd.s32 $0xFFFFD800  }
0x2f8: {  	[spmem:s3] =	stream.indirect.scatter.add.f32 [tilespmem:s11], [sflag:$0x5], $0x80, s31, s10, $0xb8;
	[tilespmem:$0x1F880] =	vst v63  }
0x2f9: {  	_ =	swait.ge [sflag:s8], $0x2800  }
0x2fa: {  	[sflag:s8] =	ssyncset.done $0x0  }
0x2fb: {  	s24 =	simm.s32 $0x600;
	[sflag:s8] =	ssyncadd.s32 $0xFFFFD800  }
0x2fc: {  	[tilespmem:s11], [sflag:$0x1] =	stream.indirect.gather [hbm4b:s1+s10], $0x80, s24, s10, $0xb8;
	[tilespmem:$0x1F880] =	vst v63  }
0x2fd: {  	_ =	swait.ge [sflag:s20], $0x2800  }
0x2fe: {  	[sflag:s20] =	ssyncset.done $0x0  }
0x2ff: {  	s24 =	simm.s32 $0x1480;
	[sflag:s20] =	ssyncadd.s32 $0xFFFFD800  }
0x300: {  	[spmem:s3] =	stream.indirect.scatter.add.f32 [tilespmem:s13], [sflag:$0x5], $0x80, s24, s10, $0xb8;
	[tilespmem:$0x1F880] =	vst v63  }
0x301: {  	_ =	swait.ge [sflag:s8], $0x2800  }
0x302: {  	[sflag:s8] =	ssyncset.done $0x0  }
0x303: {  	s24 =	simm.s32 $0x680;
	[sflag:s8] =	ssyncadd.s32 $0xFFFFD800  }
0x304: {  	[tilespmem:s13], [sflag:$0x2] =	stream.indirect.gather [hbm4b:s1+s10], $0x80, s24, s10, $0xb8;
	[tilespmem:$0x1F880] =	vst v63  }
0x305: {  	_ =	swait.ge [sflag:s23], $0x2800  }
0x306: {  	[sflag:s23] =	ssyncset.done $0x0  }
0x307: {  	s24 =	simm.s32 $0x1500;
	[sflag:s23] =	ssyncadd.s32 $0xFFFFD800  }
0x308: {  	[spmem:s3] =	stream.indirect.scatter.add.f32 [tilespmem:s15], [sflag:$0x5], $0x80, s24, s10, $0xb8;
	[tilespmem:$0x1F880] =	vst v63  }
0x309: {  	_ =	swait.ge [sflag:s8], $0x2800  }
0x30a: {  	[sflag:s8] =	ssyncset.done $0x0  }
0x30b: {  	s24 =	simm.s32 $0x700;
	[sflag:s8] =	ssyncadd.s32 $0xFFFFD800  }
0x30c: {  	[tilespmem:s15], [sflag:$0x3] =	stream.indirect.gather [hbm4b:s1+s10], $0x80, s24, s10, $0xb8;
	[tilespmem:$0x1F880] =	vst v63  }
0x30d: {  	_ =	swait.ge [sflag:s26], $0x2800  }
0x30e: {  	[sflag:s26] =	ssyncset.done $0x0  }
0x30f: {  	s24 =	simm.s32 $0x1580;
	[sflag:s26] =	ssyncadd.s32 $0xFFFFD800  }
0x310: {  	[spmem:s3] =	stream.indirect.scatter.add.f32 [tilespmem:s17], [sflag:$0x5], $0x80, s24, s10, $0xb8;
	[tilespmem:$0x1F880] =	vst v63  }
0x311: {  	_ =	swait.ge [sflag:s8], $0x2800  }
0x312: {  	[sflag:s8] =	ssyncset.done $0x0  }
0x313: {  	s24 =	simm.s32 $0x780;
	[sflag:s8] =	ssyncadd.s32 $0xFFFFD800  }
0x314: {  	[tilespmem:s17], [sflag:$0x4] =	stream.indirect.gather [hbm4b:s1+s10], $0x80, s24, s10, $0xb8;
	[tilespmem:$0x1F880] =	vst v63  }
0x315: {  	_ =	swait.ge [sflag:s18], $0x2800  }
0x316: {  	[sflag:s18] =	ssyncset.done $0x0  }
0x317: {  	s24 =	simm.s32 $0x1600;
	[sflag:s18] =	ssyncadd.s32 $0xFFFFD800  }
0x318: {  	[spmem:s3] =	stream.indirect.scatter.add.f32 [tilespmem:s11], [sflag:$0x5], $0x80, s24, s10, $0xb8;
	[tilespmem:$0x1F880] =	vst v63  }
0x319: {  	_ =	swait.ge [sflag:s8], $0x2800  }
0x31a: {  	[sflag:s8] =	ssyncset.done $0x0  }
0x31b: {  	s24 =	simm.s32 $0x800;
	[sflag:s8] =	ssyncadd.s32 $0xFFFFD800  }
0x31c: {  	[tilespmem:s11], [sflag:$0x1] =	stream.indirect.gather [hbm4b:s1+s10], $0x80, s24, s10, $0xb8;
	[tilespmem:$0x1F880] =	vst v63  }
0x31d: {  	_ =	swait.ge [sflag:s20], $0x2800  }
0x31e: {  	[sflag:s20] =	ssyncset.done $0x0  }
0x31f: {  	s24 =	simm.s32 $0x1680;
	[sflag:s20] =	ssyncadd.s32 $0xFFFFD800  }
0x320: {  	[spmem:s3] =	stream.indirect.scatter.add.f32 [tilespmem:s13], [sflag:$0x5], $0x80, s24, s10, $0xb8;
	[tilespmem:$0x1F880] =	vst v63  }
0x321: {  	_ =	swait.ge [sflag:s8], $0x2800  }
0x322: {  	[sflag:s8] =	ssyncset.done $0x0  }
0x323: {  	s24 =	simm.s32 $0x880;
	[sflag:s8] =	ssyncadd.s32 $0xFFFFD800  }
0x324: {  	[tilespmem:s13], [sflag:$0x2] =	stream.indirect.gather [hbm4b:s1+s10], $0x80, s24, s10, $0xb8;
	[tilespmem:$0x1F880] =	vst v63  }
0x325: {  	_ =	swait.ge [sflag:s23], $0x2800  }
0x326: {  	[sflag:s23] =	ssyncset.done $0x0  }
0x327: {  	s24 =	simm.s32 $0x1700;
	[sflag:s23] =	ssyncadd.s32 $0xFFFFD800  }
0x328: {  	[spmem:s3] =	stream.indirect.scatter.add.f32 [tilespmem:s15], [sflag:$0x5], $0x80, s24, s10, $0xb8;
	[tilespmem:$0x1F880] =	vst v63  }
0x329: {  	_ =	swait.ge [sflag:s8], $0x2800  }
0x32a: {  	[sflag:s8] =	ssyncset.done $0x0  }
0x32b: {  	s24 =	simm.s32 $0x900;
	[sflag:s8] =	ssyncadd.s32 $0xFFFFD800  }
0x32c: {  	[tilespmem:s15], [sflag:$0x3] =	stream.indirect.gather [hbm4b:s1+s10], $0x80, s24, s10, $0xb8;
	[tilespmem:$0x1F880] =	vst v63  }
0x32d: {  	_ =	swait.ge [sflag:s26], $0x2800  }
0x32e: {  	[sflag:s26] =	ssyncset.done $0x0  }
0x32f: {  	s24 =	simm.s32 $0x1780;
	[sflag:s26] =	ssyncadd.s32 $0xFFFFD800  }
0x330: {  	[spmem:s3] =	stream.indirect.scatter.add.f32 [tilespmem:s17], [sflag:$0x5], $0x80, s24, s10, $0xb8;
	[tilespmem:$0x1F880] =	vst v63  }
0x331: {  	_ =	swait.ge [sflag:s8], $0x2800  }
0x332: {  	[sflag:s8] =	ssyncset.done $0x0  }
0x333: {  	s24 =	simm.s32 $0x980;
	[sflag:s8] =	ssyncadd.s32 $0xFFFFD800  }
0x334: {  	[tilespmem:s17], [sflag:$0x4] =	stream.indirect.gather [hbm4b:s1+s10], $0x80, s24, s10, $0xb8;
	[tilespmem:$0x1F880] =	vst v63  }
0x335: {  	_ =	swait.ge [sflag:s18], $0x2800  }
0x336: {  	[sflag:s18] =	ssyncset.done $0x0  }
0x337: {  	s24 =	simm.s32 $0x1800;
	[sflag:s18] =	ssyncadd.s32 $0xFFFFD800  }
0x338: {  	[spmem:s3] =	stream.indirect.scatter.add.f32 [tilespmem:s11], [sflag:$0x5], $0x80, s24, s10, $0xb8;
	[tilespmem:$0x1F880] =	vst v63  }
0x339: {  	_ =	swait.ge [sflag:s8], $0x2800  }
0x33a: {  	[sflag:s8] =	ssyncset.done $0x0  }
0x33b: {  	s24 =	simm.s32 $0xA00;
	[sflag:s8] =	ssyncadd.s32 $0xFFFFD800  }
0x33c: {  	[tilespmem:s11], [sflag:$0x1] =	stream.indirect.gather [hbm4b:s1+s10], $0x80, s24, s10, $0xb8;
	[tilespmem:$0x1F880] =	vst v63  }
0x33d: {  	_ =	swait.ge [sflag:s20], $0x2800  }
0x33e: {  	[sflag:s20] =	ssyncset.done $0x0  }
0x33f: {  	s24 =	simm.s32 $0x1880;
	[sflag:s20] =	ssyncadd.s32 $0xFFFFD800  }
0x340: {  	[spmem:s3] =	stream.indirect.scatter.add.f32 [tilespmem:s13], [sflag:$0x5], $0x80, s24, s10, $0xb8;
	[tilespmem:$0x1F880] =	vst v63  }
0x341: {  	_ =	swait.ge [sflag:s8], $0x2800  }
0x342: {  	[sflag:s8] =	ssyncset.done $0x0  }
0x343: {  	s24 =	simm.s32 $0xA80;
	[sflag:s8] =	ssyncadd.s32 $0xFFFFD800  }
0x344: {  	[tilespmem:s13], [sflag:$0x2] =	stream.indirect.gather [hbm4b:s1+s10], $0x80, s24, s10, $0xb8;
	[tilespmem:$0x1F880] =	vst v63  }
0x345: {  	_ =	swait.ge [sflag:s23], $0x2800  }
0x346: {  	[sflag:s23] =	ssyncset.done $0x0  }
0x347: {  	s24 =	simm.s32 $0x1900;
	[sflag:s23] =	ssyncadd.s32 $0xFFFFD800  }
0x348: {  	[spmem:s3] =	stream.indirect.scatter.add.f32 [tilespmem:s15], [sflag:$0x5], $0x80, s24, s10, $0xb8;
	[tilespmem:$0x1F880] =	vst v63  }
0x349: {  	_ =	swait.ge [sflag:s8], $0x2800  }
0x34a: {  	[sflag:s8] =	ssyncset.done $0x0  }
0x34b: {  	s24 =	simm.s32 $0xB00;
	[sflag:s8] =	ssyncadd.s32 $0xFFFFD800  }
0x34c: {  	[tilespmem:s15], [sflag:$0x3] =	stream.indirect.gather [hbm4b:s1+s10], $0x80, s24, s10, $0xb8;
	[tilespmem:$0x1F880] =	vst v63  }
0x34d: {  	_ =	swait.ge [sflag:s26], $0x2800  }
0x34e: {  	[sflag:s26] =	ssyncset.done $0x0  }
0x34f: {  	s24 =	simm.s32 $0x1980;
	[sflag:s26] =	ssyncadd.s32 $0xFFFFD800  }
0x350: {  	[spmem:s3] =	stream.indirect.scatter.add.f32 [tilespmem:s17], [sflag:$0x5], $0x80, s24, s10, $0xb8;
	[tilespmem:$0x1F880] =	vst v63  }
0x351: {  	_ =	swait.ge [sflag:s8], $0x2800  }
0x352: {  	[sflag:s8] =	ssyncset.done $0x0  }
0x353: {  	s24 =	simm.s32 $0xB80;
	[sflag:s8] =	ssyncadd.s32 $0xFFFFD800  }
0x354: {  	[tilespmem:s17], [sflag:$0x4] =	stream.indirect.gather [hbm4b:s1+s10], $0x80, s24, s10, $0xb8;
	[tilespmem:$0x1F880] =	vst v63  }
0x355: {  	_ =	swait.ge [sflag:s18], $0x2800  }
0x356: {  	[sflag:s18] =	ssyncset.done $0x0  }
0x357: {  	s24 =	simm.s32 $0x1A00;
	[sflag:s18] =	ssyncadd.s32 $0xFFFFD800  }
0x358: {  	[spmem:s3] =	stream.indirect.scatter.add.f32 [tilespmem:s11], [sflag:$0x5], $0x80, s24, s10, $0xb8;
	[tilespmem:$0x1F880] =	vst v63  }
0x359: {  	_ =	swait.ge [sflag:s8], $0x2800  }
0x35a: {  	[sflag:s8] =	ssyncset.done $0x0  }
0x35b: {  	s24 =	simm.s32 $0xC00;
	[sflag:s8] =	ssyncadd.s32 $0xFFFFD800  }
0x35c: {  	[tilespmem:s11], [sflag:$0x1] =	stream.indirect.gather [hbm4b:s1+s10], $0x80, s24, s10, $0xb8;
	[tilespmem:$0x1F880] =	vst v63  }
0x35d: {  	_ =	swait.ge [sflag:s20], $0x2800  }
0x35e: {  	[sflag:s20] =	ssyncset.done $0x0  }
0x35f: {  	s24 =	simm.s32 $0x1A80;
	[sflag:s20] =	ssyncadd.s32 $0xFFFFD800  }
0x360: {  	[spmem:s3] =	stream.indirect.scatter.add.f32 [tilespmem:s13], [sflag:$0x5], $0x80, s24, s10, $0xb8;
	[tilespmem:$0x1F880] =	vst v63  }
0x361: {  	_ =	swait.ge [sflag:s8], $0x2800  }
0x362: {  	[sflag:s8] =	ssyncset.done $0x0  }
0x363: {  	[sflag:s8] =	ssyncadd.s32 $0xFFFFD800  }
0x364: {  	_ =	swait.ge [sflag:s23], $0x2800  }
0x365: {  	[sflag:s23] =	ssyncset.done $0x0  }
0x366: {  	s24 =	simm.s32 $0x1B00;
	[sflag:s23] =	ssyncadd.s32 $0xFFFFD800  }
0x367: {  	[spmem:s3] =	stream.indirect.scatter.add.f32 [tilespmem:s15], [sflag:$0x5], $0x80, s24, s10, $0xb8;
	[tilespmem:$0x1F880] =	vst v63  }
0x368: {  	_ =	swait.ge [sflag:s8], $0x2800  }
0x369: {  	[sflag:s8] =	ssyncset.done $0x0  }
0x36a: {  	[sflag:s8] =	ssyncadd.s32 $0xFFFFD800  }
0x36b: {  	_ =	swait.ge [sflag:s26], $0x2800  }
0x36c: {  	[sflag:s26] =	ssyncset.done $0x0  }
0x36d: {  	s24 =	simm.s32 $0x1B80;
	[sflag:s26] =	ssyncadd.s32 $0xFFFFD800  }
0x36e: {  	[spmem:s3] =	stream.indirect.scatter.add.f32 [tilespmem:s17], [sflag:$0x5], $0x80, s24, s10, $0xb8;
	[tilespmem:$0x1F880] =	vst v63  }
0x36f: {  	_ =	swait.ge [sflag:s8], $0x2800  }
0x370: {  	[sflag:s8] =	ssyncset.done $0x0  }
0x371: {  	[sflag:s8] =	ssyncadd.s32 $0xFFFFD800  }
0x372: {  	_ =	swait.ge [sflag:s18], $0x2800  }
0x373: {  	[sflag:s18] =	ssyncset.done $0x0  }
0x374: {  	s24 =	simm.s32 $0x1C00;
	[sflag:s18] =	ssyncadd.s32 $0xFFFFD800  }
0x375: {  	[spmem:s3] =	stream.indirect.scatter.add.f32 [tilespmem:s11], [sflag:$0x5], $0x80, s24, s10, $0xb8;
	[tilespmem:$0x1F880] =	vst v63  }
0x376: {  	_ =	swait.ge [sflag:s8], $0x2800  }
0x377: {  	[sflag:s8] =	ssyncset.done $0x0  }
0x378: {  	s24 =	rddreg [dreg:$0xe];
	[sflag:s8] =	ssyncadd.s32 $0xFFFFD800  }
0x379: {  	[tilespmem:s4], [sflag:$0x5] =	stream.linear.gather [hbm4b:s24+s4], $0xC80, $0x38;
	[tilespmem:$0x1F880] =	vst v63  }
0x37a: {  	_ =	swait.ge [sflag:s8], $0xC80  }
0x37b: {  	[sflag:s8] =	ssyncset.done $0x0  }
0x37c: {  	s24 =	rddreg [dreg:$0xf];
	[sflag:s8] =	ssyncadd.s32 $0xFFFFF380  }
0x37d: {  	[tilespmem:s25], [sflag:$0x5] =	stream.linear.gather [hbm4b:s24+s4], $0xC80, $0x38;
	[tilespmem:$0x1F880] =	vst v63  }
0x37e: {  	_ =	swait.ge [sflag:s8], $0xC80  }
0x37f: {  	[sflag:s8] =	ssyncset.done $0x0  }
0x380: {  	[sflag:s8] =	ssyncadd.s32 $0xFFFFF380  }
0x381: {  	[tilespmem:s11], [sflag:$0x1] =	stream.indirect.gather [hbm4b:s1+s10], $0x80, s4, s10, $0xb8;
	[tilespmem:$0x1F880] =	vst v63  }
0x382: {  	s2 =	simm.s32 $0x80  }
0x383: {  	[tilespmem:s13], [sflag:$0x2] =	stream.indirect.gather [hbm4b:s1+s10], $0x80, s2, s10, $0xb8;
	[tilespmem:$0x1F880] =	vst v63  }
0x384: {  	s9 =	simm.s32 $0x100  }
0x385: {  	[tilespmem:s15], [sflag:$0x3] =	stream.indirect.gather [hbm4b:s1+s10], $0x80, s9, s10, $0xb8;
	[tilespmem:$0x1F880] =	vst v63  }
0x386: {  	s9 =	simm.s32 $0x180  }
0x387: {  	[tilespmem:s17], [sflag:$0x4] =	stream.indirect.gather [hbm4b:s1+s10], $0x80, s9, s10, $0xb8;
	[tilespmem:$0x1F880] =	vst v63  }
0x388: {  	_ =	swait.ge [sflag:s18], $0x2800  }
0x389: {  	[sflag:s18] =	ssyncset.done $0x0  }
0x38a: {  	[sflag:s18] =	ssyncadd.s32 $0xFFFFD800  }
0x38b: {  	[spmem:s3] =	stream.indirect.scatter.add.f32 [tilespmem:s11], [sflag:$0x5], $0x80, s25, s10, $0xb8;
	[tilespmem:$0x1F880] =	vst v63  }
0x38c: {  	_ =	swait.ge [sflag:s8], $0x2800  }
0x38d: {  	[sflag:s8] =	ssyncset.done $0x0  }
0x38e: {  	s24 =	simm.s32 $0x200;
	[sflag:s8] =	ssyncadd.s32 $0xFFFFD800  }
0x38f: {  	[tilespmem:s11], [sflag:$0x1] =	stream.indirect.gather [hbm4b:s1+s10], $0x80, s24, s10, $0xb8;
	[tilespmem:$0x1F880] =	vst v63  }
0x390: {  	_ =	swait.ge [sflag:s20], $0x2800  }
0x391: {  	[sflag:s20] =	ssyncset.done $0x0  }
0x392: {  	s9 =	simm.s32 $0x1080;
	[sflag:s20] =	ssyncadd.s32 $0xFFFFD800  }
0x393: {  	[spmem:s3] =	stream.indirect.scatter.add.f32 [tilespmem:s13], [sflag:$0x5], $0x80, s9, s10, $0xb8;
	[tilespmem:$0x1F880] =	vst v63  }
0x394: {  	_ =	swait.ge [sflag:s8], $0x2800  }
0x395: {  	[sflag:s8] =	ssyncset.done $0x0  }
0x396: {  	s28 =	simm.s32 $0x280;
	[sflag:s8] =	ssyncadd.s32 $0xFFFFD800  }
0x397: {  	[tilespmem:s13], [sflag:$0x2] =	stream.indirect.gather [hbm4b:s1+s10], $0x80, s28, s10, $0xb8;
	[tilespmem:$0x1F880] =	vst v63  }
0x398: {  	_ =	swait.ge [sflag:s23], $0x2800  }
0x399: {  	[sflag:s23] =	ssyncset.done $0x0  }
0x39a: {  	s19 =	simm.s32 $0x1100;
	[sflag:s23] =	ssyncadd.s32 $0xFFFFD800  }
0x39b: {  	[spmem:s3] =	stream.indirect.scatter.add.f32 [tilespmem:s15], [sflag:$0x5], $0x80, s19, s10, $0xb8;
	[tilespmem:$0x1F880] =	vst v63  }
0x39c: {  	_ =	swait.ge [sflag:s8], $0x2800  }
0x39d: {  	[sflag:s8] =	ssyncset.done $0x0  }
0x39e: {  	s29 =	simm.s32 $0x300;
	[sflag:s8] =	ssyncadd.s32 $0xFFFFD800  }
0x39f: {  	[tilespmem:s15], [sflag:$0x3] =	stream.indirect.gather [hbm4b:s1+s10], $0x80, s29, s10, $0xb8;
	[tilespmem:$0x1F880] =	vst v63  }
0x3a0: {  	_ =	swait.ge [sflag:s26], $0x2800  }
0x3a1: {  	[sflag:s26] =	ssyncset.done $0x0  }
0x3a2: {  	s24 =	simm.s32 $0x1180;
	[sflag:s26] =	ssyncadd.s32 $0xFFFFD800  }
0x3a3: {  	[spmem:s3] =	stream.indirect.scatter.add.f32 [tilespmem:s17], [sflag:$0x5], $0x80, s24, s10, $0xb8;
	[tilespmem:$0x1F880] =	vst v63  }
0x3a4: {  	_ =	swait.ge [sflag:s8], $0x2800  }
0x3a5: {  	[sflag:s8] =	ssyncset.done $0x0  }
0x3a6: {  	s5 =	simm.s32 $0x380;
	[sflag:s8] =	ssyncadd.s32 $0xFFFFD800  }
0x3a7: {  	[tilespmem:s17], [sflag:$0x4] =	stream.indirect.gather [hbm4b:s1+s10], $0x80, s5, s10, $0xb8;
	[tilespmem:$0x1F880] =	vst v63  }
0x3a8: {  	_ =	swait.ge [sflag:s18], $0x2800  }
0x3a9: {  	[sflag:s18] =	ssyncset.done $0x0  }
0x3aa: {  	s14 =	simm.s32 $0x1200;
	[sflag:s18] =	ssyncadd.s32 $0xFFFFD800  }
0x3ab: {  	[spmem:s3] =	stream.indirect.scatter.add.f32 [tilespmem:s11], [sflag:$0x5], $0x80, s14, s10, $0xb8;
	[tilespmem:$0x1F880] =	vst v63  }
0x3ac: {  	_ =	swait.ge [sflag:s8], $0x2800  }
0x3ad: {  	[sflag:s8] =	ssyncset.done $0x0  }
0x3ae: {  	s6 =	simm.s32 $0x400;
	[sflag:s8] =	ssyncadd.s32 $0xFFFFD800  }
0x3af: {  	[tilespmem:s11], [sflag:$0x1] =	stream.indirect.gather [hbm4b:s1+s10], $0x80, s6, s10, $0xb8;
	[tilespmem:$0x1F880] =	vst v63  }
0x3b0: {  	_ =	swait.ge [sflag:s20], $0x2800  }
0x3b1: {  	[sflag:s20] =	ssyncset.done $0x0  }
0x3b2: {  	s12 =	simm.s32 $0x1280;
	[sflag:s20] =	ssyncadd.s32 $0xFFFFD800  }
0x3b3: {  	[spmem:s3] =	stream.indirect.scatter.add.f32 [tilespmem:s13], [sflag:$0x5], $0x80, s12, s10, $0xb8;
	[tilespmem:$0x1F880] =	vst v63  }
0x3b4: {  	_ =	swait.ge [sflag:s8], $0x2800  }
0x3b5: {  	[sflag:s8] =	ssyncset.done $0x0  }
0x3b6: {  	s16 =	simm.s32 $0x480;
	[sflag:s8] =	ssyncadd.s32 $0xFFFFD800  }
0x3b7: {  	[tilespmem:s13], [sflag:$0x2] =	stream.indirect.gather [hbm4b:s1+s10], $0x80, s16, s10, $0xb8;
	[tilespmem:$0x1F880] =	vst v63  }
0x3b8: {  	_ =	swait.ge [sflag:s23], $0x2800  }
0x3b9: {  	[sflag:s23] =	ssyncset.done $0x0  }
0x3ba: {  	s28 =	simm.s32 $0x1300;
	[sflag:s23] =	ssyncadd.s32 $0xFFFFD800  }
0x3bb: {  	[spmem:s3] =	stream.indirect.scatter.add.f32 [tilespmem:s15], [sflag:$0x5], $0x80, s28, s10, $0xb8;
	[tilespmem:$0x1F880] =	vst v63  }
0x3bc: {  	_ =	swait.ge [sflag:s8], $0x2800  }
0x3bd: {  	[sflag:s8] =	ssyncset.done $0x0  }
0x3be: {  	s22 =	simm.s32 $0x500;
	[sflag:s8] =	ssyncadd.s32 $0xFFFFD800  }
0x3bf: {  	[tilespmem:s15], [sflag:$0x3] =	stream.indirect.gather [hbm4b:s1+s10], $0x80, s22, s10, $0xb8;
	[tilespmem:$0x1F880] =	vst v63  }
0x3c0: {  	_ =	swait.ge [sflag:s26], $0x2800  }
0x3c1: {  	[sflag:s26] =	ssyncset.done $0x0  }
0x3c2: {  	s21 =	simm.s32 $0x1380;
	[sflag:s26] =	ssyncadd.s32 $0xFFFFD800  }
0x3c3: {  	[spmem:s3] =	stream.indirect.scatter.add.f32 [tilespmem:s17], [sflag:$0x5], $0x80, s21, s10, $0xb8;
	[tilespmem:$0x1F880] =	vst v63  }
0x3c4: {  	_ =	swait.ge [sflag:s8], $0x2800  }
0x3c5: {  	[sflag:s8] =	ssyncset.done $0x0  }
0x3c6: {  	s30 =	simm.s32 $0x580;
	[sflag:s8] =	ssyncadd.s32 $0xFFFFD800  }
0x3c7: {  	[tilespmem:s17], [sflag:$0x4] =	stream.indirect.gather [hbm4b:s1+s10], $0x80, s30, s10, $0xb8;
	[tilespmem:$0x1F880] =	vst v63  }
0x3c8: {  	_ =	swait.ge [sflag:s18], $0x2800  }
0x3c9: {  	[sflag:s18] =	ssyncset.done $0x0  }
0x3ca: {  	s31 =	simm.s32 $0x1400;
	[sflag:s18] =	ssyncadd.s32 $0xFFFFD800  }
0x3cb: {  	[spmem:s3] =	stream.indirect.scatter.add.f32 [tilespmem:s11], [sflag:$0x5], $0x80, s31, s10, $0xb8;
	[tilespmem:$0x1F880] =	vst v63  }
0x3cc: {  	_ =	swait.ge [sflag:s8], $0x2800  }
0x3cd: {  	[sflag:s8] =	ssyncset.done $0x0  }
0x3ce: {  	s29 =	simm.s32 $0x600;
	[sflag:s8] =	ssyncadd.s32 $0xFFFFD800  }
0x3cf: {  	[tilespmem:s11], [sflag:$0x1] =	stream.indirect.gather [hbm4b:s1+s10], $0x80, s29, s10, $0xb8;
	[tilespmem:$0x1F880] =	vst v63  }
0x3d0: {  	_ =	swait.ge [sflag:s20], $0x2800  }
0x3d1: {  	[sflag:s20] =	ssyncset.done $0x0  }
0x3d2: {  	s30 =	simm.s32 $0x1480;
	[sflag:s20] =	ssyncadd.s32 $0xFFFFD800  }
0x3d3: {  	[spmem:s3] =	stream.indirect.scatter.add.f32 [tilespmem:s13], [sflag:$0x5], $0x80, s30, s10, $0xb8;
	[tilespmem:$0x1F880] =	vst v63  }
0x3d4: {  	_ =	swait.ge [sflag:s8], $0x2800  }
0x3d5: {  	[sflag:s8] =	ssyncset.done $0x0  }
0x3d6: {  	s31 =	simm.s32 $0x680;
	[sflag:s8] =	ssyncadd.s32 $0xFFFFD800  }
0x3d7: {  	[tilespmem:s13], [sflag:$0x2] =	stream.indirect.gather [hbm4b:s1+s10], $0x80, s31, s10, $0xb8;
	[tilespmem:$0x1F880] =	vst v63  }
0x3d8: {  	_ =	swait.ge [sflag:s23], $0x2800  }
0x3d9: {  	[sflag:s23] =	ssyncset.done $0x0  }
0x3da: {  	s5 =	simm.s32 $0x1500;
	[sflag:s23] =	ssyncadd.s32 $0xFFFFD800  }
0x3db: {  	[spmem:s3] =	stream.indirect.scatter.add.f32 [tilespmem:s15], [sflag:$0x5], $0x80, s5, s10, $0xb8;
	[tilespmem:$0x1F880] =	vst v63  }
0x3dc: {  	_ =	swait.ge [sflag:s8], $0x2800  }
0x3dd: {  	[sflag:s8] =	ssyncset.done $0x0  }
0x3de: {  	s6 =	simm.s32 $0x700;
	[sflag:s8] =	ssyncadd.s32 $0xFFFFD800  }
0x3df: {  	[tilespmem:s15], [sflag:$0x3] =	stream.indirect.gather [hbm4b:s1+s10], $0x80, s6, s10, $0xb8;
	[tilespmem:$0x1F880] =	vst v63  }
0x3e0: {  	_ =	swait.ge [sflag:s26], $0x2800  }
0x3e1: {  	[sflag:s26] =	ssyncset.done $0x0  }
0x3e2: {  	s9 =	simm.s32 $0x1580;
	[sflag:s26] =	ssyncadd.s32 $0xFFFFD800  }
0x3e3: {  	[spmem:s3] =	stream.indirect.scatter.add.f32 [tilespmem:s17], [sflag:$0x5], $0x80, s9, s10, $0xb8;
	[tilespmem:$0x1F880] =	vst v63  }
0x3e4: {  	_ =	swait.ge [sflag:s8], $0x2800  }
0x3e5: {  	[sflag:s8] =	ssyncset.done $0x0  }
0x3e6: {  	s12 =	simm.s32 $0x780;
	[sflag:s8] =	ssyncadd.s32 $0xFFFFD800  }
0x3e7: {  	[tilespmem:s17], [sflag:$0x4] =	stream.indirect.gather [hbm4b:s1+s10], $0x80, s12, s10, $0xb8;
	[tilespmem:$0x1F880] =	vst v63  }
0x3e8: {  	_ =	swait.ge [sflag:s18], $0x2800  }
0x3e9: {  	[sflag:s18] =	ssyncset.done $0x0  }
0x3ea: {  	s14 =	simm.s32 $0x1600;
	[sflag:s18] =	ssyncadd.s32 $0xFFFFD800  }
0x3eb: {  	[spmem:s3] =	stream.indirect.scatter.add.f32 [tilespmem:s11], [sflag:$0x5], $0x80, s14, s10, $0xb8;
	[tilespmem:$0x1F880] =	vst v63  }
0x3ec: {  	_ =	swait.ge [sflag:s8], $0x2800  }
0x3ed: {  	[sflag:s8] =	ssyncset.done $0x0  }
0x3ee: {  	s16 =	simm.s32 $0x800;
	[sflag:s8] =	ssyncadd.s32 $0xFFFFD800  }
0x3ef: {  	[tilespmem:s11], [sflag:$0x1] =	stream.indirect.gather [hbm4b:s1+s10], $0x80, s16, s10, $0xb8;
	[tilespmem:$0x1F880] =	vst v63  }
0x3f0: {  	_ =	swait.ge [sflag:s20], $0x2800  }
0x3f1: {  	[sflag:s20] =	ssyncset.done $0x0  }
0x3f2: {  	s19 =	simm.s32 $0x1680;
	[sflag:s20] =	ssyncadd.s32 $0xFFFFD800  }
0x3f3: {  	[spmem:s3] =	stream.indirect.scatter.add.f32 [tilespmem:s13], [sflag:$0x5], $0x80, s19, s10, $0xb8;
	[tilespmem:$0x1F880] =	vst v63  }
0x3f4: {  	_ =	swait.ge [sflag:s8], $0x2800  }
0x3f5: {  	[sflag:s8] =	ssyncset.done $0x0  }
0x3f6: {  	s21 =	simm.s32 $0x880;
	[sflag:s8] =	ssyncadd.s32 $0xFFFFD800  }
0x3f7: {  	[tilespmem:s13], [sflag:$0x2] =	stream.indirect.gather [hbm4b:s1+s10], $0x80, s21, s10, $0xb8;
	[tilespmem:$0x1F880] =	vst v63  }
0x3f8: {  	_ =	swait.ge [sflag:s23], $0x2800  }
0x3f9: {  	[sflag:s23] =	ssyncset.done $0x0  }
0x3fa: {  	s22 =	simm.s32 $0x1700;
	[sflag:s23] =	ssyncadd.s32 $0xFFFFD800  }
0x3fb: {  	[spmem:s3] =	stream.indirect.scatter.add.f32 [tilespmem:s15], [sflag:$0x5], $0x80, s22, s10, $0xb8;
	[tilespmem:$0x1F880] =	vst v63  }
0x3fc: {  	_ =	swait.ge [sflag:s8], $0x2800  }
0x3fd: {  	[sflag:s8] =	ssyncset.done $0x0  }
0x3fe: {  	s24 =	simm.s32 $0x900;
	[sflag:s8] =	ssyncadd.s32 $0xFFFFD800  }
0x3ff: {  	[tilespmem:s15], [sflag:$0x3] =	stream.indirect.gather [hbm4b:s1+s10], $0x80, s24, s10, $0xb8;
	[tilespmem:$0x1F880] =	vst v63  }
0x400: {  	_ =	swait.ge [sflag:s26], $0x2800  }
0x401: {  	[sflag:s26] =	ssyncset.done $0x0  }
0x402: {  	s28 =	simm.s32 $0x1780;
	[sflag:s26] =	ssyncadd.s32 $0xFFFFD800  }
0x403: {  	[spmem:s3] =	stream.indirect.scatter.add.f32 [tilespmem:s17], [sflag:$0x5], $0x80, s28, s10, $0xb8;
	[tilespmem:$0x1F880] =	vst v63  }
0x404: {  	_ =	swait.ge [sflag:s8], $0x2800  }
0x405: {  	[sflag:s8] =	ssyncset.done $0x0  }
0x406: {  	s29 =	simm.s32 $0x980;
	[sflag:s8] =	ssyncadd.s32 $0xFFFFD800  }
0x407: {  	[tilespmem:s17], [sflag:$0x4] =	stream.indirect.gather [hbm4b:s1+s10], $0x80, s29, s10, $0xb8;
	[tilespmem:$0x1F880] =	vst v63  }
0x408: {  	_ =	swait.ge [sflag:s18], $0x2800  }
0x409: {  	[sflag:s18] =	ssyncset.done $0x0  }
0x40a: {  	s30 =	simm.s32 $0x1800;
	[sflag:s18] =	ssyncadd.s32 $0xFFFFD800  }
0x40b: {  	[spmem:s3] =	stream.indirect.scatter.add.f32 [tilespmem:s11], [sflag:$0x5], $0x80, s30, s10, $0xb8;
	[tilespmem:$0x1F880] =	vst v63  }
0x40c: {  	_ =	swait.ge [sflag:s8], $0x2800  }
0x40d: {  	[sflag:s8] =	ssyncset.done $0x0  }
0x40e: {  	s31 =	simm.s32 $0xA00;
	[sflag:s8] =	ssyncadd.s32 $0xFFFFD800  }
0x40f: {  	[tilespmem:s11], [sflag:$0x1] =	stream.indirect.gather [hbm4b:s1+s10], $0x80, s31, s10, $0xb8;
	[tilespmem:$0x1F880] =	vst v63  }
0x410: {  	_ =	swait.ge [sflag:s20], $0x2800  }
0x411: {  	[sflag:s20] =	ssyncset.done $0x0  }
0x412: {  	s5 =	simm.s32 $0x1880;
	[sflag:s20] =	ssyncadd.s32 $0xFFFFD800  }
0x413: {  	[spmem:s3] =	stream.indirect.scatter.add.f32 [tilespmem:s13], [sflag:$0x5], $0x80, s5, s10, $0xb8;
	[tilespmem:$0x1F880] =	vst v63  }
0x414: {  	_ =	swait.ge [sflag:s8], $0x2800  }
0x415: {  	[sflag:s8] =	ssyncset.done $0x0  }
0x416: {  	s6 =	simm.s32 $0xA80;
	[sflag:s8] =	ssyncadd.s32 $0xFFFFD800  }
0x417: {  	[tilespmem:s13], [sflag:$0x2] =	stream.indirect.gather [hbm4b:s1+s10], $0x80, s6, s10, $0xb8;
	[tilespmem:$0x1F880] =	vst v63  }
0x418: {  	_ =	swait.ge [sflag:s23], $0x2800  }
0x419: {  	[sflag:s23] =	ssyncset.done $0x0  }
0x41a: {  	s9 =	simm.s32 $0x1900;
	[sflag:s23] =	ssyncadd.s32 $0xFFFFD800  }
0x41b: {  	[spmem:s3] =	stream.indirect.scatter.add.f32 [tilespmem:s15], [sflag:$0x5], $0x80, s9, s10, $0xb8;
	[tilespmem:$0x1F880] =	vst v63  }
0x41c: {  	_ =	swait.ge [sflag:s8], $0x2800  }
0x41d: {  	[sflag:s8] =	ssyncset.done $0x0  }
0x41e: {  	s12 =	simm.s32 $0xB00;
	[sflag:s8] =	ssyncadd.s32 $0xFFFFD800  }
0x41f: {  	[tilespmem:s15], [sflag:$0x3] =	stream.indirect.gather [hbm4b:s1+s10], $0x80, s12, s10, $0xb8;
	[tilespmem:$0x1F880] =	vst v63  }
0x420: {  	_ =	swait.ge [sflag:s26], $0x2800  }
0x421: {  	[sflag:s26] =	ssyncset.done $0x0  }
0x422: {  	s14 =	simm.s32 $0x1980;
	[sflag:s26] =	ssyncadd.s32 $0xFFFFD800  }
0x423: {  	[spmem:s3] =	stream.indirect.scatter.add.f32 [tilespmem:s17], [sflag:$0x5], $0x80, s14, s10, $0xb8;
	[tilespmem:$0x1F880] =	vst v63  }
0x424: {  	_ =	swait.ge [sflag:s8], $0x2800  }
0x425: {  	[sflag:s8] =	ssyncset.done $0x0  }
0x426: {  	s16 =	simm.s32 $0xB80;
	[sflag:s8] =	ssyncadd.s32 $0xFFFFD800  }
0x427: {  	[tilespmem:s17], [sflag:$0x4] =	stream.indirect.gather [hbm4b:s1+s10], $0x80, s16, s10, $0xb8;
	[tilespmem:$0x1F880] =	vst v63  }
0x428: {  	_ =	swait.ge [sflag:s18], $0x2800  }
0x429: {  	[sflag:s18] =	ssyncset.done $0x0  }
0x42a: {  	s19 =	simm.s32 $0x1A00;
	[sflag:s18] =	ssyncadd.s32 $0xFFFFD800  }
0x42b: {  	[spmem:s3] =	stream.indirect.scatter.add.f32 [tilespmem:s11], [sflag:$0x5], $0x80, s19, s10, $0xb8;
	[tilespmem:$0x1F880] =	vst v63  }
0x42c: {  	_ =	swait.ge [sflag:s8], $0x2800  }
0x42d: {  	[sflag:s8] =	ssyncset.done $0x0  }
0x42e: {  	s21 =	simm.s32 $0xC00;
	[sflag:s8] =	ssyncadd.s32 $0xFFFFD800  }
0x42f: {  	[tilespmem:s11], [sflag:$0x1] =	stream.indirect.gather [hbm4b:s1+s10], $0x80, s21, s10, $0xb8;
	[tilespmem:$0x1F880] =	vst v63  }
0x430: {  	_ =	swait.ge [sflag:s20], $0x2800  }
0x431: {  	[sflag:s20] =	ssyncset.done $0x0  }
0x432: {  	s22 =	simm.s32 $0x1A80;
	[sflag:s20] =	ssyncadd.s32 $0xFFFFD800  }
0x433: {  	[spmem:s3] =	stream.indirect.scatter.add.f32 [tilespmem:s13], [sflag:$0x5], $0x80, s22, s10, $0xb8;
	[tilespmem:$0x1F880] =	vst v63  }
0x434: {  	_ =	swait.ge [sflag:s8], $0x2800  }
0x435: {  	[sflag:s8] =	ssyncset.done $0x0  }
0x436: {  	[sflag:s8] =	ssyncadd.s32 $0xFFFFD800  }
0x437: {  	_ =	swait.ge [sflag:s23], $0x2800  }
0x438: {  	[sflag:s23] =	ssyncset.done $0x0  }
0x439: {  	s24 =	simm.s32 $0x1B00;
	[sflag:s23] =	ssyncadd.s32 $0xFFFFD800  }
0x43a: {  	[spmem:s3] =	stream.indirect.scatter.add.f32 [tilespmem:s15], [sflag:$0x5], $0x80, s24, s10, $0xb8;
	[tilespmem:$0x1F880] =	vst v63  }
0x43b: {  	_ =	swait.ge [sflag:s8], $0x2800  }
0x43c: {  	[sflag:s8] =	ssyncset.done $0x0  }
0x43d: {  	[sflag:s8] =	ssyncadd.s32 $0xFFFFD800  }
0x43e: {  	_ =	swait.ge [sflag:s26], $0x2800  }
0x43f: {  	[sflag:s26] =	ssyncset.done $0x0  }
0x440: {  	s28 =	simm.s32 $0x1B80;
	[sflag:s26] =	ssyncadd.s32 $0xFFFFD800  }
0x441: {  	[spmem:s3] =	stream.indirect.scatter.add.f32 [tilespmem:s17], [sflag:$0x5], $0x80, s28, s10, $0xb8;
	[tilespmem:$0x1F880] =	vst v63  }
0x442: {  	_ =	swait.ge [sflag:s8], $0x2800  }
0x443: {  	[sflag:s8] =	ssyncset.done $0x0  }
0x444: {  	[sflag:s8] =	ssyncadd.s32 $0xFFFFD800  }
0x445: {  	_ =	swait.ge [sflag:s18], $0x2800  }
0x446: {  	[sflag:s18] =	ssyncset.done $0x0  }
0x447: {  	s29 =	simm.s32 $0x1C00;
	[sflag:s18] =	ssyncadd.s32 $0xFFFFD800  }
0x448: {  	[spmem:s3] =	stream.indirect.scatter.add.f32 [tilespmem:s11], [sflag:$0x5], $0x80, s29, s10, $0xb8;
	[tilespmem:$0x1F880] =	vst v63  }
0x449: {  	_ =	swait.ge [sflag:s8], $0x2800  }
0x44a: {  	[sflag:s8] =	ssyncset.done $0x0  }
0x44b: {  	[sflag:s8] =	ssyncadd.s32 $0xFFFFD800  }
0x44c: {  	[bflag:$0x0] =	sbarrier.arrive $0xFFFF  }
0x44d: {  	s30 =	rddreg [dreg:$0x10]  }
0x44e: {  	s31 =	rddreg [dreg:$0x14]  }
0x44f: {  	[hbm:s30], [sflag:s0] =	dma.local [spmem:s31], $0x2700  }
0x450: {  	_ =	swait.ge [sflag:s8], $0x2700  }
0x451: {  	s7 =	sadd.s32 $0xFFFFFFFF, s7;
	s21 =	rddreg [dreg:$0x11];
	[sflag:s8] =	ssyncset.done $0x0  }
0x452: {  	p1 =	sne.s32 s7, $0x0;
	s2 =	rddreg [dreg:$0x15];
	[sflag:s8] =	ssyncadd.s32 $0xFFFFD900  }
0x453: {  	[hbm:s21], [sflag:s0] =	dma.local @!p0 [spmem:s2], $0x100  }
.Ltmp0:
0x454: {  	_ = 	snop;
	(pc) =	sbr.rel @p1 .LBB2_1-.Ltmp0, $4  }
0x455: {  	s0 =	simm.s32 @!p0 $0x5  }
0x456: {  	_ =	swait.ge @!p0 [sflag:s0], $0x100  }
0x457: {  	[sflag:s0] =	ssyncset.done @!p0 $0x0;
	s0 =	simm.s32 @!p0 $0x5  }
0x458: {  	[sflag:s0] =	ssyncadd.s32 @!p0 $0xFFFFFF00  }
0x459: {  	_ =	sfence.sel $0x180000  }
0x45a: {  	[bflag:$0x0] =	sbarrier.arrive $0xFFFF  }
0x45b: {  	_ =	strace $0x9000004A  }
0x45c: {  	s0 =	stileid.u32;
	[bflag:$0x2] =	sbarrier.arrive $0xFFFF  }
0x45d: {  	p0 =	sne.s32 s0, $0x0;
	s0 =	rddreg [dreg:$0x3]  }
0x45e: {  	s0 =	sadd.s32 @!p0 $0x100000, s0  }
0x45f: {  	[sflag:s0] =	ssyncadd.tile.s32 @!p0 $0x1;
	_ =	shalt  }
.Lfunc_end2:
_tile_overlayer_lowered:
.L_overlay_start_2:
0x460: {  	(tag) =	ssettag $0x2  }
0x461: {  	s0 =	rddreg [dreg:$0x0];
	s2 =	stileid.u32  }
0x462: {  	s1 =	rddreg [dreg:$0x1];
	p0 =	sne.s32 s2, $0x0  }
0x463: {  	s3 =	rddreg [dreg:$0x2];
	[bflag:$0x3] =	sbarrier.arrive $0xFFFF;
	s2 =	simm.s32 @!p0 $0x1C05  }
0x464: {  	[timem:s3], [sflag:s2] =	dma.local @!p0 [hbm:s0], s1  }
0x465: {  	s0 =	simm.s32 @!p0 $0x5  }
0x466: {  	_ =	swait.ge @!p0 [sflag:s0], s1  }
0x467: {  	s1 =	ssub.s32 @!p0 $0x0, s1;
	[sflag:s0] =	ssyncset.done @!p0 $0x0  }
0x468: {  	[sflag:s0] =	ssyncadd.s32 @!p0 s1  }
0x469: {  	[bflag:$0x3] =	sbarrier.arrive $0xFFFF  }
0x46a: {  	_ =	shalt  }

</sc_bundles>
